<compile_context>
chip_gen: v7x
topology: tpu7x:2x2x1
jax: 0.10.2.dev20260603
libtpu: 0.0.44.dev20260713+nightly
codegen_flags: <defaults>
</compile_context>

<pallas_src>
import functools

import jax
import jax.numpy as jnp
from jax import lax
from jax.experimental import pallas as pl
from jax.experimental.pallas import tpu as pltpu
from jax.experimental.pallas import tpu_sc as plsc

D = 128
NX = 20000
NB = 10000
HALF = 10000
NTILE = 16
SROWS = 20096
DH = 64
STEP = 80

_DN = (((1,), (1,)), ((), ()))
_HP = lax.Precision.HIGHEST


def _mm3_body(x_ref, wa_ref, wb_ref, ws_ref, bm_ref, bs_ref,
              t1_ref, y2_ref, so_ref):
    x = x_ref[...]
    t1_ref[...] = lax.dot_general(x, wa_ref[...], _DN, precision=_HP,
                                  preferred_element_type=jnp.float32
                                  ).astype(jnp.bfloat16)
    y2_ref[...] = lax.dot_general(x, wb_ref[...], _DN, precision=_HP,
                                  preferred_element_type=jnp.float32) + bm_ref[...]
    so_ref[...] = lax.dot_general(x, ws_ref[...], _DN, precision=_HP,
                                  preferred_element_type=jnp.float32) + bs_ref[...]


def _mm3(x, wa, wb, ws, bm, bs, rblk):
    n = x.shape[0]
    f = pl.pallas_call(
        _mm3_body,
        grid=(n // rblk,),
        in_specs=[
            pl.BlockSpec((rblk, D), lambda i: (i, 0)),
            pl.BlockSpec((D, D), lambda i: (0, 0)),
            pl.BlockSpec((D, D), lambda i: (0, 0)),
            pl.BlockSpec((D, D), lambda i: (0, 0)),
            pl.BlockSpec((1, D), lambda i: (0, 0)),
            pl.BlockSpec((1, D), lambda i: (0, 0)),
        ],
        out_specs=[pl.BlockSpec((rblk, D), lambda i: (i, 0))] * 3,
        out_shape=[jax.ShapeDtypeStruct((n, D), jnp.bfloat16),
                   jax.ShapeDtypeStruct((n, D), jnp.float32),
                   jax.ShapeDtypeStruct((n, D), jnp.float32)],
    )
    return f(x, wa, wb, ws, bm, bs)


def _final_body(sl_ref, sr_ref, c_ref, y2_ref, so_ref, wu_ref, bu_ref, o_ref):
    cnt = c_ref[...].reshape(-1, 1)
    s_full = jnp.concatenate([sl_ref[...], sr_ref[...]],
                             axis=1).astype(jnp.float32)
    agg = (s_full + cnt * y2_ref[...]) / jnp.maximum(cnt, 1.0)
    o_ref[...] = so_ref[...] + lax.dot_general(
        agg, wu_ref[...], _DN, precision=_HP,
        preferred_element_type=jnp.float32) + bu_ref[...]


def _final(SL, SR, C, y2, so, wu, bu, rblk):
    n = SL.shape[0]
    f = pl.pallas_call(
        _final_body,
        grid=(n // rblk,),
        in_specs=[
            pl.BlockSpec((rblk, DH), lambda i: (i, 0)),
            pl.BlockSpec((rblk, DH), lambda i: (i, 0)),
            pl.BlockSpec((1, 1, rblk), lambda i: (i, 0, 0)),
            pl.BlockSpec((rblk, D), lambda i: (i, 0)),
            pl.BlockSpec((rblk, D), lambda i: (i, 0)),
            pl.BlockSpec((D, D), lambda i: (0, 0)),
            pl.BlockSpec((1, D), lambda i: (0, 0)),
        ],
        out_specs=pl.BlockSpec((rblk, D), lambda i: (i, 0)),
        out_shape=jax.ShapeDtypeStruct((n, D), jnp.float32),
    )
    return f(SL, SR, C, y2, so, wu, bu)


def _sc_scatter(t1xcat, t1bcat, si, di, sb, db):
    ei = si.shape[0]
    eb = sb.shape[0]
    ci = ei // NTILE
    cb = eb // NTILE
    SB = 4000
    nz = SROWS // NTILE
    nf = 1248

    mesh = plsc.VectorSubcoreMesh(core_axis_name="c", subcore_axis_name="s")

    @functools.partial(
        pl.kernel,
        mesh=mesh,
        compiler_params=pltpu.CompilerParams(use_tc_tiling_on_sc=False),
        out_type=[
            jax.ShapeDtypeStruct((2 * NX, DH), jnp.bfloat16),
            jax.ShapeDtypeStruct((NX,), jnp.float32),
        ],
        scratch_types=[
            pltpu.VMEM((SB,), jnp.int32),
            pltpu.VMEM((SB,), jnp.int32),
            pltpu.VMEM((STEP,), jnp.int32),
            pltpu.VMEM((STEP,), jnp.int32),
            pltpu.VMEM((STEP,), jnp.int32),
            pltpu.VMEM((STEP,), jnp.int32),
            pltpu.VMEM((2, STEP, DH), jnp.bfloat16),
            pltpu.VMEM((STEP,), jnp.float32),
            pltpu.VMEM((64, DH), jnp.bfloat16),
            pltpu.VMEM((1280,), jnp.float32),
            pltpu.VMEM_SHARED((SROWS, DH), jnp.bfloat16),
            pltpu.VMEM_SHARED((SROWS,), jnp.float32),
            pltpu.SemaphoreType.DMA,
            pltpu.SemaphoreType.DMA,
            pltpu.SemaphoreType.DMA,
            pltpu.SemaphoreType.DMA,
            pltpu.SemaphoreType.DMA,
            pltpu.SemaphoreType.DMA,
        ],
    )
    def k(t1x_h, t1b_h, si_h, di_h, sb_h, db_h, s_out, c_out,
          si_v, di_v, gidx0, gidx1, sidx0, sidx1, rows_v, ones_v,
          zb, zc, s_sh, c_sh, semg0, semg1, sems0, sems1, semo0, semo1):
        c = lax.axis_index("c")
        s = lax.axis_index("s")

        zero16 = jnp.zeros((16,), jnp.float32)
        one16 = jnp.ones((16,), jnp.float32)

        zero32 = jnp.zeros((32,), jnp.bfloat16)

        def zrow(r, carry):
            for kk in range(DH // 32):
                zb[r, pl.ds(kk * 32, 32)] = zero32
            return carry

        lax.fori_loop(0, 64, zrow, 0)

        def zrow1(r, carry):
            zc[pl.ds(r * 16, 16)] = zero16
            return carry

        lax.fori_loop(0, 80, zrow1, 0)

        def orow(r, carry):
            ones_v[pl.ds(r * 16, 16)] = one16
            return carry

        lax.fori_loop(0, STEP // 16, orow, 0)

        r0 = s * nz
        for kk in range(nz // 64):
            pltpu.sync_copy(zb, s_sh.at[pl.ds(r0 + kk * 64, 64)])
        pltpu.sync_copy(zb.at[pl.ds(0, nz % 64)],
                        s_sh.at[pl.ds(r0 + (nz // 64) * 64, nz % 64)])
        pltpu.sync_copy(zc.at[pl.ds(0, nz)], c_sh.at[pl.ds(r0, nz)])

        plsc.subcore_barrier()

        NS = SB // STEP
        npair = NS // 2
        gbufs = (gidx0, gidx1)
        sbufs = (sidx0, sidx1)
        semg = (semg0, semg1)
        sems = (sems0, sems1)
        semo = (semo0, semo1)

        def phase(table, goff, src_h, dst_h, chunk, is_bound):
            def gidx_for(j, p):
                for kk in range(STEP // 16):
                    v = si_v[pl.ds(j * STEP + kk * 16, 16)]
                    if is_bound:
                        keep = (v >= NB) & (v < NX)
                        g = jnp.where(keep, v - NB, 0)
                    else:
                        g = v
                    gbufs[p][pl.ds(kk * 16, 16)] = g + goff

            def sidx_for(j, p):
                for kk in range(STEP // 16):
                    dd = di_v[pl.ds(j * STEP + kk * 16, 16)]
                    if is_bound:
                        v = si_v[pl.ds(j * STEP + kk * 16, 16)]
                        keep = (v >= NB) & (v < NX)
                        dd = jnp.where(keep, dd, NX)
                    sbufs[p][pl.ds(kk * 16, 16)] = dd

            def start_gather(p):
                pltpu.async_copy(table.at[gbufs[p]], rows_v.at[p], semg[p])

            def wait_gather(p):
                pltpu.make_async_copy(table.at[gbufs[p]], rows_v.at[p],
                                      semg[p]).wait()

            def start_scatter(p):
                pltpu.async_copy(rows_v.at[p], s_sh.at[sbufs[p]], sems[p],
                                 add=True)
                pltpu.async_copy(ones_v, c_sh.at[sbufs[p]], semo[p], add=True)

            def wait_scatter(p):
                pltpu.make_async_copy(rows_v.at[p], s_sh.at[sbufs[p]],
                                      sems[p]).wait()
                pltpu.make_async_copy(ones_v, c_sh.at[sbufs[p]],
                                      semo[p]).wait()

            def superblock(blk, carry):
                off = s * chunk + blk * SB
                pltpu.sync_copy(src_h.at[pl.ds(off, SB)], si_v)
                pltpu.sync_copy(dst_h.at[pl.ds(off, SB)], di_v)

                gidx_for(0, 0)
                start_gather(0)

                def pair(g, inner):
                    j = 2 * g
                    wait_gather(0)

                    @pl.when(g > 0)
                    def _():
                        wait_scatter(1)

                    sidx_for(j, 0)
                    start_scatter(0)
                    gidx_for(j + 1, 1)
                    start_gather(1)

                    wait_gather(1)
                    sidx_for(j + 1, 1)
                    start_scatter(1)
                    wait_scatter(0)

                    @pl.when(g + 1 < npair)
                    def _():
                        gidx_for(j + 2, 0)
                        start_gather(0)

                    return inner

                lax.fori_loop(0, npair, pair, 0)
                wait_scatter(1)
                return carry

            lax.fori_loop(0, chunk // SB, superblock, 0)

        phase(t1x_h, c * NX, si_h, di_h, ci, False)
        phase(t1b_h, c * NB, sb_h, db_h, cb, True)

        plsc.subcore_barrier()

        f0 = s * nf
        pltpu.sync_copy(s_sh.at[pl.ds(f0, nf)], s_out.at[pl.ds(c * NX + f0, nf)])
        tail = NTILE * nf
        trem = NX - tail

        @pl.when(s == 0)
        def _():
            pltpu.sync_copy(s_sh.at[pl.ds(tail, trem)],
                            s_out.at[pl.ds(c * NX + tail, trem)])

        @pl.when(c == 0)
        def _():
            pltpu.sync_copy(c_sh.at[pl.ds(f0, nf)], zc.at[pl.ds(0, nf)])
            pltpu.sync_copy(zc.at[pl.ds(0, nf)], c_out.at[pl.ds(f0, nf)])

            @pl.when(s == 0)
            def _():
                pltpu.sync_copy(c_sh.at[pl.ds(tail, trem)],
                                zc.at[pl.ds(0, trem)])
                pltpu.sync_copy(zc.at[pl.ds(0, trem)],
                                c_out.at[pl.ds(tail, trem)])

    return k(t1xcat, t1bcat, si, di, sb, db)


def kernel(x_int, bv, edge_index_int, edge_index_bound,
           W_msg, b_msg, W_self, b_self, W_upd, b_upd):
    x = x_int.reshape(-1, D)
    b = bv.reshape(-1, D)
    wa = W_msg[:, :D]
    wb = W_msg[:, D:]
    bm = b_msg.reshape(1, D)
    bs = b_self.reshape(1, D)
    bu = b_upd.reshape(1, D)

    t1x, y2pb, selfx = _mm3(x, wa, wb, W_self, bm, bs, 2000)
    t1b, _, selfb = _mm3(b, wa, wb, W_self, bm, bs, 2000)

    si = edge_index_int[0].astype(jnp.int32)
    di = edge_index_int[1].astype(jnp.int32)
    sb = edge_index_bound[0].astype(jnp.int32)
    db = edge_index_bound[1].astype(jnp.int32)

    t1xcat = jnp.concatenate([t1x[:, :DH], t1x[:, DH:]], axis=0)
    t1bcat = jnp.concatenate([t1b[:, :DH], t1b[:, DH:]], axis=0)
    Scat, C = _sc_scatter(t1xcat, t1bcat, si, di, sb, db)
    xu = _final(Scat[:NX], Scat[NX:], C.reshape(10, 1, 2000), y2pb, selfx,
                W_upd, bu, 2000)
    return xu[None, ...], selfb[None, ...]

# --- scband reference (transcript-rebuilt; emitter-appended) ---
"""Pipeline reference for scband-boundary-injected-message-passing-layer-8830452760921 (READ-ONLY COPY).

The authoritative reference and input builder live on the scoring server;
editing this copy changes nothing except your own understanding.
"""

import jax, jax.numpy as jnp
import numpy as np

NUM_NODES_INT = 10000
NUM_NODES_BOUND = 10000
INPUT_DIM = 128
MESSAGE_DIM = 128
EMBED_DIM = 128
N_X = 20000
E_INT = 320000
E_BOUND = 64000


def setup_inputs(seed: int = 0) -> dict:
    key = jax.random.key(seed)
    ks = jax.random.split(key, 10)
    x_int = jax.random.normal(ks[0], (1, N_X, INPUT_DIM), dtype=jnp.float32)
    bv = jax.random.normal(ks[1], (1, NUM_NODES_BOUND, INPUT_DIM), dtype=jnp.float32)
    edge_index_int = jax.random.randint(ks[2], (2, E_INT), 0, N_X)
    edge_index_bound = jax.random.randint(ks[3], (2, E_BOUND), 0, N_X)
    s1 = 1.0 / np.sqrt(2 * INPUT_DIM)
    W_msg = jax.random.uniform(ks[4], (MESSAGE_DIM, 2 * INPUT_DIM), jnp.float32, -s1, s1)
    b_msg = jax.random.uniform(ks[5], (MESSAGE_DIM,), jnp.float32, -s1, s1)
    s2 = 1.0 / np.sqrt(INPUT_DIM)
    W_self = jax.random.uniform(ks[6], (EMBED_DIM, INPUT_DIM), jnp.float32, -s2, s2)
    b_self = jax.random.uniform(ks[7], (EMBED_DIM,), jnp.float32, -s2, s2)
    s3 = 1.0 / np.sqrt(MESSAGE_DIM)
    W_upd = jax.random.uniform(ks[8], (EMBED_DIM, MESSAGE_DIM), jnp.float32, -s3, s3)
    b_upd = jax.random.uniform(ks[9], (EMBED_DIM,), jnp.float32, -s3, s3)
    return {"x_int": x_int, "bv": bv, "edge_index_int": edge_index_int,
            "edge_index_bound": edge_index_bound, "W_msg": W_msg, "b_msg": b_msg,
            "W_self": W_self, "b_self": b_self, "W_upd": W_upd, "b_upd": b_upd}


def reference(x_int, bv, edge_index_int, edge_index_bound, W_msg, b_msg, W_self, b_self, W_upd, b_upd):
    node_index_bound = jnp.arange(NUM_NODES_INT, NUM_NODES_INT + NUM_NODES_BOUND)
    src_int, dst_int = edge_index_int[0], edge_index_int[1]
    msg_int = jnp.concatenate([x_int[:, src_int], x_int[:, dst_int]], axis=-1) @ W_msg.T + b_msg
    keep = jnp.isin(edge_index_bound[0], node_index_bound)
    src_b, dst_b = edge_index_bound[0], edge_index_bound[1]
    src_b_idx = jnp.where(keep, src_b - NUM_NODES_INT, 0)
    msg_b = jnp.concatenate([bv[:, src_b_idx], x_int[:, dst_b]], axis=-1) @ W_msg.T + b_msg
    msg_b = jnp.where(keep[None, :, None], msg_b, 0.0)
    all_msg = jnp.concatenate([msg_int, msg_b], axis=1)
    dst_nodes = jnp.concatenate([dst_int, dst_b], axis=0)
    weights = jnp.concatenate([jnp.ones((E_INT,), x_int.dtype), keep.astype(x_int.dtype)], axis=0)
    B, N = x_int.shape[0], x_int.shape[1]
    # MeanAggregation: scatter-add of messages and counts, divide with count clamped to >= 1
    sums = jnp.zeros((B, N, MESSAGE_DIM), x_int.dtype).at[:, dst_nodes].add(all_msg)
    counts = jnp.zeros((N,), x_int.dtype).at[dst_nodes].add(weights)
    agg_msg_int = sums / jnp.maximum(counts, 1.0)[None, :, None]
    x_int_update = (x_int @ W_self.T + b_self) + (agg_msg_int @ W_upd.T + b_upd)
    bv_update = bv @ W_self.T + b_self
    return (x_int_update, bv_update)

if __name__ == "__main__":
    import jax
    _d = setup_inputs()
    print(jax.jit(kernel)(*tuple(_d.values())))

</pallas_src>

<mosaic_0001>
#map = affine_map<(d0, d1) -> (0, 0)>
#map1 = affine_map<(d0, d1) -> (0)>
module attributes {stable_mosaic.version = 14 : i64} {
  func.func @k(%arg0: i32, %arg1: i32, %arg2: memref<40000x64xbf16, #tpu.memory_space<hbm>>, %arg3: memref<20000x64xbf16, #tpu.memory_space<hbm>>, %arg4: memref<320000xi32, #tpu.memory_space<hbm>>, %arg5: memref<320000xi32, #tpu.memory_space<hbm>>, %arg6: memref<64000xi32, #tpu.memory_space<hbm>>, %arg7: memref<64000xi32, #tpu.memory_space<hbm>>, %arg8: memref<40000x64xbf16, #tpu.memory_space<hbm>>, %arg9: memref<20000xf32, #tpu.memory_space<hbm>>, %arg10: memref<4000xi32, #tpu.memory_space<vmem>>, %arg11: memref<4000xi32, #tpu.memory_space<vmem>>, %arg12: memref<80xi32, #tpu.memory_space<vmem>>, %arg13: memref<80xi32, #tpu.memory_space<vmem>>, %arg14: memref<80xi32, #tpu.memory_space<vmem>>, %arg15: memref<80xi32, #tpu.memory_space<vmem>>, %arg16: memref<2x80x64xbf16, #tpu.memory_space<vmem>>, %arg17: memref<80xf32, #tpu.memory_space<vmem>>, %arg18: memref<64x64xbf16, #tpu.memory_space<vmem>>, %arg19: memref<1280xf32, #tpu.memory_space<vmem>>, %arg20: memref<20096x64xbf16, #tpu.memory_space<vmem_shared>>, %arg21: memref<20096xf32, #tpu.memory_space<vmem_shared>>, %arg22: memref<!tpu.dma_semaphore, #tpu.memory_space<semaphore_mem>>, %arg23: memref<!tpu.dma_semaphore, #tpu.memory_space<semaphore_mem>>, %arg24: memref<!tpu.dma_semaphore, #tpu.memory_space<semaphore_mem>>, %arg25: memref<!tpu.dma_semaphore, #tpu.memory_space<semaphore_mem>>, %arg26: memref<!tpu.dma_semaphore, #tpu.memory_space<semaphore_mem>>, %arg27: memref<!tpu.dma_semaphore, #tpu.memory_space<semaphore_mem>>) attributes {dimension_semantics = [#tpu.dimension_semantics<core_parallel>, #tpu.dimension_semantics<subcore_parallel>], iteration_bounds = array<i64: 2, 16>, scalar_prefetch = 0 : i64, scratch_operands = 18 : i64, tpu.core_type = #tpu.core_type<sc_vector_subcore>, window_params = [{transform_indices = #map}, {transform_indices = #map}, {transform_indices = #map1}, {transform_indices = #map1}, {transform_indices = #map1}, {transform_indices = #map1}, {transform_indices = #map}, {transform_indices = #map1}]} {
    %broadcast_in_dim3A = arith.constant 0.000000e+00 : f32
    %broadcast_in_dim3A_0 = vector.broadcast %broadcast_in_dim3A : f32 to vector<16xf32>
    %broadcast_in_dim3A_1 = arith.constant 1.000000e+00 : f32
    %broadcast_in_dim3A_2 = vector.broadcast %broadcast_in_dim3A_1 : f32 to vector<16xf32>
    %broadcast_in_dim3A_3 = arith.constant 0.000000e+00 : bf16
    %broadcast_in_dim3A_4 = vector.broadcast %broadcast_in_dim3A_3 : bf16 to vector<32xbf16>
    %scan3A = arith.constant 0 : i32
    %scan3A_5 = arith.constant 0 : i32
    %scan3A_6 = arith.constant 64 : i32
    %scan3A_7 = arith.addi %scan3A_5, %scan3A_6 : i32
    %scan3A_8 = arith.constant 1 : i32
    scf.for %scan3A_217 = %scan3A_5 to %scan3A_7 step %scan3A_8  : i32 {
      %swap3A_218 = arith.index_cast %scan3A_217 : i32 to index
      %swap3A_219 = arith.constant 0 : index
      %swap3A_220 = tpu.vector_load %arg18[%swap3A_218, %swap3A_219] {strides = array<i32>} : memref<64x64xbf16, #tpu.memory_space<vmem>>, vector<1x32xbf16>,
      %swap3A_221 = vector.shape_cast %swap3A_220 : vector<1x32xbf16> to vector<32xbf16>
      %swap3A_222 = vector.shape_cast %broadcast_in_dim3A_4 : vector<32xbf16> to vector<1x32xbf16>
      tpu.vector_store %arg18[%swap3A_218, %swap3A_219], %swap3A_222 {strides = array<i32>} : memref<64x64xbf16, #tpu.memory_space<vmem>>, vector<1x32xbf16>,
      %swap3A_223 = arith.index_cast %scan3A_217 : i32 to index
      %swap3A_224 = arith.constant 32 : index
      %swap3A_225 = tpu.vector_load %arg18[%swap3A_223, %swap3A_224] {strides = array<i32>} : memref<64x64xbf16, #tpu.memory_space<vmem>>, vector<1x32xbf16>,
      %swap3A_226 = vector.shape_cast %swap3A_225 : vector<1x32xbf16> to vector<32xbf16>
      %swap3A_227 = vector.shape_cast %broadcast_in_dim3A_4 : vector<32xbf16> to vector<1x32xbf16>
      tpu.vector_store %arg18[%swap3A_223, %swap3A_224], %swap3A_227 {strides = array<i32>} : memref<64x64xbf16, #tpu.memory_space<vmem>>, vector<1x32xbf16>,
    }
    %scan3A_9 = arith.constant 64 : i32
    %scan3A_10 = arith.constant 0 : i32
    %scan3A_11 = arith.constant 0 : i32
    %scan3A_12 = arith.constant 80 : i32
    %scan3A_13 = arith.addi %scan3A_11, %scan3A_12 : i32
    %scan3A_14 = arith.constant 1 : i32
    scf.for %scan3A_217 = %scan3A_11 to %scan3A_13 step %scan3A_14  : i32 {
      %mul3A_218 = arith.constant 16 : i32
      %mul3A_219 = arith.muli %scan3A_217, %mul3A_218 : i32
      %swap3A_220 = arith.index_cast %mul3A_219 : i32 to index
      %swap3A_221 = tpu.vector_load %arg19[%swap3A_220] {strides = array<i32>} : memref<1280xf32, #tpu.memory_space<vmem>>, vector<16xf32>,
      %swap3A_222 = vector.shape_cast %swap3A_221 : vector<16xf32> to vector<16xf32>
      %swap3A_223 = vector.shape_cast %broadcast_in_dim3A_0 : vector<16xf32> to vector<16xf32>
      tpu.vector_store %arg19[%swap3A_220], %swap3A_223 {strides = array<i32>} : memref<1280xf32, #tpu.memory_space<vmem>>, vector<16xf32>,
    }
    %scan3A_15 = arith.constant 80 : i32
    %scan3A_16 = arith.constant 0 : i32
    %scan3A_17 = arith.constant 0 : i32
    %scan3A_18 = arith.constant 5 : i32
    %scan3A_19 = arith.addi %scan3A_17, %scan3A_18 : i32
    %scan3A_20 = arith.constant 1 : i32
    scf.for %scan3A_217 = %scan3A_17 to %scan3A_19 step %scan3A_20  : i32 {
      %mul3A_218 = arith.constant 16 : i32
      %mul3A_219 = arith.muli %scan3A_217, %mul3A_218 : i32
      %swap3A_220 = arith.index_cast %mul3A_219 : i32 to index
      %swap3A_221 = tpu.vector_load %arg17[%swap3A_220] {strides = array<i32>} : memref<80xf32, #tpu.memory_space<vmem>>, vector<16xf32>,
      %swap3A_222 = vector.shape_cast %swap3A_221 : vector<16xf32> to vector<16xf32>
      %swap3A_223 = vector.shape_cast %broadcast_in_dim3A_2 : vector<16xf32> to vector<16xf32>
      tpu.vector_store %arg17[%swap3A_220], %swap3A_223 {strides = array<i32>} : memref<80xf32, #tpu.memory_space<vmem>>, vector<16xf32>,
    }
    %scan3A_21 = arith.constant 5 : i32
    %mul3A = arith.constant 1256 : i32
    %mul3A_22 = arith.muli %arg1, %mul3A : i32
    %add3A = arith.constant 0 : i32
    %add3A_23 = arith.addi %mul3A_22, %add3A : i32
    "tpu.region"() ({
      %run_scoped3A = tpu.sem_alloc : memref<!tpu.dma_semaphore, #tpu.memory_space<semaphore_mem>>
      %dma_start3A_217 = arith.constant 0 : i32
      %dma_start3A_218 = tpu.memref_slice %arg20[%add3A_23, %dma_start3A_217] : memref<20096x64xbf16, #tpu.memory_space<vmem_shared>> -> memref<64x64xbf16, #tpu.memory_space<vmem_shared>>
      %dma_start3A_219 = arith.constant 0 : i32
      %dma_start3A_220 = tpu.memref_slice %arg20[%add3A_23, %dma_start3A_219] : memref<20096x64xbf16, #tpu.memory_space<vmem_shared>> -> memref<64x64xbf16, #tpu.memory_space<vmem_shared>>
      tpu.enqueue_dma source(%arg18 : memref<64x64xbf16, #tpu.memory_space<vmem>>) target(%dma_start3A_220 : memref<64x64xbf16, #tpu.memory_space<vmem_shared>>) target_semaphore(%run_scoped3A : memref<!tpu.dma_semaphore, #tpu.memory_space<semaphore_mem>>)
      %dma_wait3A_221 = arith.constant 0 : i32
      %dma_wait3A_222 = tpu.memref_slice %arg20[%add3A_23, %dma_wait3A_221] : memref<20096x64xbf16, #tpu.memory_space<vmem_shared>> -> memref<64x64xbf16, #tpu.memory_space<vmem_shared>>
      %dma_wait3A_223 = arith.constant 0 : i32
      %dma_wait3A_224 = tpu.memref_slice %arg20[%add3A_23, %dma_wait3A_223] : memref<20096x64xbf16, #tpu.memory_space<vmem_shared>> -> memref<64x64xbf16, #tpu.memory_space<vmem_shared>>
      tpu.wait_dma2 semaphore(%run_scoped3A : memref<!tpu.dma_semaphore, #tpu.memory_space<semaphore_mem>>) src(%arg18 : memref<64x64xbf16, #tpu.memory_space<vmem>>) dst(%dma_wait3A_224 : memref<64x64xbf16, #tpu.memory_space<vmem_shared>>)
      tpu.yield
    }) : () -> ()
    %add3A_24 = arith.constant 64 : i32
    %add3A_25 = arith.addi %mul3A_22, %add3A_24 : i32
    "tpu.region"() ({
      %run_scoped3A = tpu.sem_alloc : memref<!tpu.dma_semaphore, #tpu.memory_space<semaphore_mem>>
      %dma_start3A_217 = arith.constant 0 : i32
      %dma_start3A_218 = tpu.memref_slice %arg20[%add3A_25, %dma_start3A_217] : memref<20096x64xbf16, #tpu.memory_space<vmem_shared>> -> memref<64x64xbf16, #tpu.memory_space<vmem_shared>>
      %dma_start3A_219 = arith.constant 0 : i32
      %dma_start3A_220 = tpu.memref_slice %arg20[%add3A_25, %dma_start3A_219] : memref<20096x64xbf16, #tpu.memory_space<vmem_shared>> -> memref<64x64xbf16, #tpu.memory_space<vmem_shared>>
      tpu.enqueue_dma source(%arg18 : memref<64x64xbf16, #tpu.memory_space<vmem>>) target(%dma_start3A_220 : memref<64x64xbf16, #tpu.memory_space<vmem_shared>>) target_semaphore(%run_scoped3A : memref<!tpu.dma_semaphore, #tpu.memory_space<semaphore_mem>>)
      %dma_wait3A_221 = arith.constant 0 : i32
      %dma_wait3A_222 = tpu.memref_slice %arg20[%add3A_25, %dma_wait3A_221] : memref<20096x64xbf16, #tpu.memory_space<vmem_shared>> -> memref<64x64xbf16, #tpu.memory_space<vmem_shared>>
      %dma_wait3A_223 = arith.constant 0 : i32
      %dma_wait3A_224 = tpu.memref_slice %arg20[%add3A_25, %dma_wait3A_223] : memref<20096x64xbf16, #tpu.memory_space<vmem_shared>> -> memref<64x64xbf16, #tpu.memory_space<vmem_shared>>
      tpu.wait_dma2 semaphore(%run_scoped3A : memref<!tpu.dma_semaphore, #tpu.memory_space<semaphore_mem>>) src(%arg18 : memref<64x64xbf16, #tpu.memory_space<vmem>>) dst(%dma_wait3A_224 : memref<64x64xbf16, #tpu.memory_space<vmem_shared>>)
      tpu.yield
    }) : () -> ()
    %add3A_26 = arith.constant 128 : i32
    %add3A_27 = arith.addi %mul3A_22, %add3A_26 : i32
    "tpu.region"() ({
      %run_scoped3A = tpu.sem_alloc : memref<!tpu.dma_semaphore, #tpu.memory_space<semaphore_mem>>
      %dma_start3A_217 = arith.constant 0 : i32
      %dma_start3A_218 = tpu.memref_slice %arg20[%add3A_27, %dma_start3A_217] : memref<20096x64xbf16, #tpu.memory_space<vmem_shared>> -> memref<64x64xbf16, #tpu.memory_space<vmem_shared>>
      %dma_start3A_219 = arith.constant 0 : i32
      %dma_start3A_220 = tpu.memref_slice %arg20[%add3A_27, %dma_start3A_219] : memref<20096x64xbf16, #tpu.memory_space<vmem_shared>> -> memref<64x64xbf16, #tpu.memory_space<vmem_shared>>
      tpu.enqueue_dma source(%arg18 : memref<64x64xbf16, #tpu.memory_space<vmem>>) target(%dma_start3A_220 : memref<64x64xbf16, #tpu.memory_space<vmem_shared>>) target_semaphore(%run_scoped3A : memref<!tpu.dma_semaphore, #tpu.memory_space<semaphore_mem>>)
      %dma_wait3A_221 = arith.constant 0 : i32
      %dma_wait3A_222 = tpu.memref_slice %arg20[%add3A_27, %dma_wait3A_221] : memref<20096x64xbf16, #tpu.memory_space<vmem_shared>> -> memref<64x64xbf16, #tpu.memory_space<vmem_shared>>
      %dma_wait3A_223 = arith.constant 0 : i32
      %dma_wait3A_224 = tpu.memref_slice %arg20[%add3A_27, %dma_wait3A_223] : memref<20096x64xbf16, #tpu.memory_space<vmem_shared>> -> memref<64x64xbf16, #tpu.memory_space<vmem_shared>>
      tpu.wait_dma2 semaphore(%run_scoped3A : memref<!tpu.dma_semaphore, #tpu.memory_space<semaphore_mem>>) src(%arg18 : memref<64x64xbf16, #tpu.memory_space<vmem>>) dst(%dma_wait3A_224 : memref<64x64xbf16, #tpu.memory_space<vmem_shared>>)
      tpu.yield
    }) : () -> ()
    %add3A_28 = arith.constant 192 : i32
    %add3A_29 = arith.addi %mul3A_22, %add3A_28 : i32
    "tpu.region"() ({
      %run_scoped3A = tpu.sem_alloc : memref<!tpu.dma_semaphore, #tpu.memory_space<semaphore_mem>>
      %dma_start3A_217 = arith.constant 0 : i32
      %dma_start3A_218 = tpu.memref_slice %arg20[%add3A_29, %dma_start3A_217] : memref<20096x64xbf16, #tpu.memory_space<vmem_shared>> -> memref<64x64xbf16, #tpu.memory_space<vmem_shared>>
      %dma_start3A_219 = arith.constant 0 : i32
      %dma_start3A_220 = tpu.memref_slice %arg20[%add3A_29, %dma_start3A_219] : memref<20096x64xbf16, #tpu.memory_space<vmem_shared>> -> memref<64x64xbf16, #tpu.memory_space<vmem_shared>>
      tpu.enqueue_dma source(%arg18 : memref<64x64xbf16, #tpu.memory_space<vmem>>) target(%dma_start3A_220 : memref<64x64xbf16, #tpu.memory_space<vmem_shared>>) target_semaphore(%run_scoped3A : memref<!tpu.dma_semaphore, #tpu.memory_space<semaphore_mem>>)
      %dma_wait3A_221 = arith.constant 0 : i32
      %dma_wait3A_222 = tpu.memref_slice %arg20[%add3A_29, %dma_wait3A_221] : memref<20096x64xbf16, #tpu.memory_space<vmem_shared>> -> memref<64x64xbf16, #tpu.memory_space<vmem_shared>>
      %dma_wait3A_223 = arith.constant 0 : i32
      %dma_wait3A_224 = tpu.memref_slice %arg20[%add3A_29, %dma_wait3A_223] : memref<20096x64xbf16, #tpu.memory_space<vmem_shared>> -> memref<64x64xbf16, #tpu.memory_space<vmem_shared>>
      tpu.wait_dma2 semaphore(%run_scoped3A : memref<!tpu.dma_semaphore, #tpu.memory_space<semaphore_mem>>) src(%arg18 : memref<64x64xbf16, #tpu.memory_space<vmem>>) dst(%dma_wait3A_224 : memref<64x64xbf16, #tpu.memory_space<vmem_shared>>)
      tpu.yield
    }) : () -> ()
    %add3A_30 = arith.constant 256 : i32
    %add3A_31 = arith.addi %mul3A_22, %add3A_30 : i32
    "tpu.region"() ({
      %run_scoped3A = tpu.sem_alloc : memref<!tpu.dma_semaphore, #tpu.memory_space<semaphore_mem>>
      %dma_start3A_217 = arith.constant 0 : i32
      %dma_start3A_218 = tpu.memref_slice %arg20[%add3A_31, %dma_start3A_217] : memref<20096x64xbf16, #tpu.memory_space<vmem_shared>> -> memref<64x64xbf16, #tpu.memory_space<vmem_shared>>
      %dma_start3A_219 = arith.constant 0 : i32
      %dma_start3A_220 = tpu.memref_slice %arg20[%add3A_31, %dma_start3A_219] : memref<20096x64xbf16, #tpu.memory_space<vmem_shared>> -> memref<64x64xbf16, #tpu.memory_space<vmem_shared>>
      tpu.enqueue_dma source(%arg18 : memref<64x64xbf16, #tpu.memory_space<vmem>>) target(%dma_start3A_220 : memref<64x64xbf16, #tpu.memory_space<vmem_shared>>) target_semaphore(%run_scoped3A : memref<!tpu.dma_semaphore, #tpu.memory_space<semaphore_mem>>)
      %dma_wait3A_221 = arith.constant 0 : i32
      %dma_wait3A_222 = tpu.memref_slice %arg20[%add3A_31, %dma_wait3A_221] : memref<20096x64xbf16, #tpu.memory_space<vmem_shared>> -> memref<64x64xbf16, #tpu.memory_space<vmem_shared>>
      %dma_wait3A_223 = arith.constant 0 : i32
      %dma_wait3A_224 = tpu.memref_slice %arg20[%add3A_31, %dma_wait3A_223] : memref<20096x64xbf16, #tpu.memory_space<vmem_shared>> -> memref<64x64xbf16, #tpu.memory_space<vmem_shared>>
      tpu.wait_dma2 semaphore(%run_scoped3A : memref<!tpu.dma_semaphore, #tpu.memory_space<semaphore_mem>>) src(%arg18 : memref<64x64xbf16, #tpu.memory_space<vmem>>) dst(%dma_wait3A_224 : memref<64x64xbf16, #tpu.memory_space<vmem_shared>>)
      tpu.yield
    }) : () -> ()
    %add3A_32 = arith.constant 320 : i32
    %add3A_33 = arith.addi %mul3A_22, %add3A_32 : i32
    "tpu.region"() ({
      %run_scoped3A = tpu.sem_alloc : memref<!tpu.dma_semaphore, #tpu.memory_space<semaphore_mem>>
      %dma_start3A_217 = arith.constant 0 : i32
      %dma_start3A_218 = tpu.memref_slice %arg20[%add3A_33, %dma_start3A_217] : memref<20096x64xbf16, #tpu.memory_space<vmem_shared>> -> memref<64x64xbf16, #tpu.memory_space<vmem_shared>>
      %dma_start3A_219 = arith.constant 0 : i32
      %dma_start3A_220 = tpu.memref_slice %arg20[%add3A_33, %dma_start3A_219] : memref<20096x64xbf16, #tpu.memory_space<vmem_shared>> -> memref<64x64xbf16, #tpu.memory_space<vmem_shared>>
      tpu.enqueue_dma source(%arg18 : memref<64x64xbf16, #tpu.memory_space<vmem>>) target(%dma_start3A_220 : memref<64x64xbf16, #tpu.memory_space<vmem_shared>>) target_semaphore(%run_scoped3A : memref<!tpu.dma_semaphore, #tpu.memory_space<semaphore_mem>>)
      %dma_wait3A_221 = arith.constant 0 : i32
      %dma_wait3A_222 = tpu.memref_slice %arg20[%add3A_33, %dma_wait3A_221] : memref<20096x64xbf16, #tpu.memory_space<vmem_shared>> -> memref<64x64xbf16, #tpu.memory_space<vmem_shared>>
      %dma_wait3A_223 = arith.constant 0 : i32
      %dma_wait3A_224 = tpu.memref_slice %arg20[%add3A_33, %dma_wait3A_223] : memref<20096x64xbf16, #tpu.memory_space<vmem_shared>> -> memref<64x64xbf16, #tpu.memory_space<vmem_shared>>
      tpu.wait_dma2 semaphore(%run_scoped3A : memref<!tpu.dma_semaphore, #tpu.memory_space<semaphore_mem>>) src(%arg18 : memref<64x64xbf16, #tpu.memory_space<vmem>>) dst(%dma_wait3A_224 : memref<64x64xbf16, #tpu.memory_space<vmem_shared>>)
      tpu.yield
    }) : () -> ()
    %add3A_34 = arith.constant 384 : i32
    %add3A_35 = arith.addi %mul3A_22, %add3A_34 : i32
    "tpu.region"() ({
      %run_scoped3A = tpu.sem_alloc : memref<!tpu.dma_semaphore, #tpu.memory_space<semaphore_mem>>
      %dma_start3A_217 = arith.constant 0 : i32
      %dma_start3A_218 = tpu.memref_slice %arg20[%add3A_35, %dma_start3A_217] : memref<20096x64xbf16, #tpu.memory_space<vmem_shared>> -> memref<64x64xbf16, #tpu.memory_space<vmem_shared>>
      %dma_start3A_219 = arith.constant 0 : i32
      %dma_start3A_220 = tpu.memref_slice %arg20[%add3A_35, %dma_start3A_219] : memref<20096x64xbf16, #tpu.memory_space<vmem_shared>> -> memref<64x64xbf16, #tpu.memory_space<vmem_shared>>
      tpu.enqueue_dma source(%arg18 : memref<64x64xbf16, #tpu.memory_space<vmem>>) target(%dma_start3A_220 : memref<64x64xbf16, #tpu.memory_space<vmem_shared>>) target_semaphore(%run_scoped3A : memref<!tpu.dma_semaphore, #tpu.memory_space<semaphore_mem>>)
      %dma_wait3A_221 = arith.constant 0 : i32
      %dma_wait3A_222 = tpu.memref_slice %arg20[%add3A_35, %dma_wait3A_221] : memref<20096x64xbf16, #tpu.memory_space<vmem_shared>> -> memref<64x64xbf16, #tpu.memory_space<vmem_shared>>
      %dma_wait3A_223 = arith.constant 0 : i32
      %dma_wait3A_224 = tpu.memref_slice %arg20[%add3A_35, %dma_wait3A_223] : memref<20096x64xbf16, #tpu.memory_space<vmem_shared>> -> memref<64x64xbf16, #tpu.memory_space<vmem_shared>>
      tpu.wait_dma2 semaphore(%run_scoped3A : memref<!tpu.dma_semaphore, #tpu.memory_space<semaphore_mem>>) src(%arg18 : memref<64x64xbf16, #tpu.memory_space<vmem>>) dst(%dma_wait3A_224 : memref<64x64xbf16, #tpu.memory_space<vmem_shared>>)
      tpu.yield
    }) : () -> ()
    %add3A_36 = arith.constant 448 : i32
    %add3A_37 = arith.addi %mul3A_22, %add3A_36 : i32
    "tpu.region"() ({
      %run_scoped3A = tpu.sem_alloc : memref<!tpu.dma_semaphore, #tpu.memory_space<semaphore_mem>>
      %dma_start3A_217 = arith.constant 0 : i32
      %dma_start3A_218 = tpu.memref_slice %arg20[%add3A_37, %dma_start3A_217] : memref<20096x64xbf16, #tpu.memory_space<vmem_shared>> -> memref<64x64xbf16, #tpu.memory_space<vmem_shared>>
      %dma_start3A_219 = arith.constant 0 : i32
      %dma_start3A_220 = tpu.memref_slice %arg20[%add3A_37, %dma_start3A_219] : memref<20096x64xbf16, #tpu.memory_space<vmem_shared>> -> memref<64x64xbf16, #tpu.memory_space<vmem_shared>>
      tpu.enqueue_dma source(%arg18 : memref<64x64xbf16, #tpu.memory_space<vmem>>) target(%dma_start3A_220 : memref<64x64xbf16, #tpu.memory_space<vmem_shared>>) target_semaphore(%run_scoped3A : memref<!tpu.dma_semaphore, #tpu.memory_space<semaphore_mem>>)
      %dma_wait3A_221 = arith.constant 0 : i32
      %dma_wait3A_222 = tpu.memref_slice %arg20[%add3A_37, %dma_wait3A_221] : memref<20096x64xbf16, #tpu.memory_space<vmem_shared>> -> memref<64x64xbf16, #tpu.memory_space<vmem_shared>>
      %dma_wait3A_223 = arith.constant 0 : i32
      %dma_wait3A_224 = tpu.memref_slice %arg20[%add3A_37, %dma_wait3A_223] : memref<20096x64xbf16, #tpu.memory_space<vmem_shared>> -> memref<64x64xbf16, #tpu.memory_space<vmem_shared>>
      tpu.wait_dma2 semaphore(%run_scoped3A : memref<!tpu.dma_semaphore, #tpu.memory_space<semaphore_mem>>) src(%arg18 : memref<64x64xbf16, #tpu.memory_space<vmem>>) dst(%dma_wait3A_224 : memref<64x64xbf16, #tpu.memory_space<vmem_shared>>)
      tpu.yield
    }) : () -> ()
    %add3A_38 = arith.constant 512 : i32
    %add3A_39 = arith.addi %mul3A_22, %add3A_38 : i32
    "tpu.region"() ({
      %run_scoped3A = tpu.sem_alloc : memref<!tpu.dma_semaphore, #tpu.memory_space<semaphore_mem>>
      %dma_start3A_217 = arith.constant 0 : i32
      %dma_start3A_218 = tpu.memref_slice %arg20[%add3A_39, %dma_start3A_217] : memref<20096x64xbf16, #tpu.memory_space<vmem_shared>> -> memref<64x64xbf16, #tpu.memory_space<vmem_shared>>
      %dma_start3A_219 = arith.constant 0 : i32
      %dma_start3A_220 = tpu.memref_slice %arg20[%add3A_39, %dma_start3A_219] : memref<20096x64xbf16, #tpu.memory_space<vmem_shared>> -> memref<64x64xbf16, #tpu.memory_space<vmem_shared>>
      tpu.enqueue_dma source(%arg18 : memref<64x64xbf16, #tpu.memory_space<vmem>>) target(%dma_start3A_220 : memref<64x64xbf16, #tpu.memory_space<vmem_shared>>) target_semaphore(%run_scoped3A : memref<!tpu.dma_semaphore, #tpu.memory_space<semaphore_mem>>)
      %dma_wait3A_221 = arith.constant 0 : i32
      %dma_wait3A_222 = tpu.memref_slice %arg20[%add3A_39, %dma_wait3A_221] : memref<20096x64xbf16, #tpu.memory_space<vmem_shared>> -> memref<64x64xbf16, #tpu.memory_space<vmem_shared>>
      %dma_wait3A_223 = arith.constant 0 : i32
      %dma_wait3A_224 = tpu.memref_slice %arg20[%add3A_39, %dma_wait3A_223] : memref<20096x64xbf16, #tpu.memory_space<vmem_shared>> -> memref<64x64xbf16, #tpu.memory_space<vmem_shared>>
      tpu.wait_dma2 semaphore(%run_scoped3A : memref<!tpu.dma_semaphore, #tpu.memory_space<semaphore_mem>>) src(%arg18 : memref<64x64xbf16, #tpu.memory_space<vmem>>) dst(%dma_wait3A_224 : memref<64x64xbf16, #tpu.memory_space<vmem_shared>>)
      tpu.yield
    }) : () -> ()
    %add3A_40 = arith.constant 576 : i32
    %add3A_41 = arith.addi %mul3A_22, %add3A_40 : i32
    "tpu.region"() ({
      %run_scoped3A = tpu.sem_alloc : memref<!tpu.dma_semaphore, #tpu.memory_space<semaphore_mem>>
      %dma_start3A_217 = arith.constant 0 : i32
      %dma_start3A_218 = tpu.memref_slice %arg20[%add3A_41, %dma_start3A_217] : memref<20096x64xbf16, #tpu.memory_space<vmem_shared>> -> memref<64x64xbf16, #tpu.memory_space<vmem_shared>>
      %dma_start3A_219 = arith.constant 0 : i32
      %dma_start3A_220 = tpu.memref_slice %arg20[%add3A_41, %dma_start3A_219] : memref<20096x64xbf16, #tpu.memory_space<vmem_shared>> -> memref<64x64xbf16, #tpu.memory_space<vmem_shared>>
      tpu.enqueue_dma source(%arg18 : memref<64x64xbf16, #tpu.memory_space<vmem>>) target(%dma_start3A_220 : memref<64x64xbf16, #tpu.memory_space<vmem_shared>>) target_semaphore(%run_scoped3A : memref<!tpu.dma_semaphore, #tpu.memory_space<semaphore_mem>>)
      %dma_wait3A_221 = arith.constant 0 : i32
      %dma_wait3A_222 = tpu.memref_slice %arg20[%add3A_41, %dma_wait3A_221] : memref<20096x64xbf16, #tpu.memory_space<vmem_shared>> -> memref<64x64xbf16, #tpu.memory_space<vmem_shared>>
      %dma_wait3A_223 = arith.constant 0 : i32
      %dma_wait3A_224 = tpu.memref_slice %arg20[%add3A_41, %dma_wait3A_223] : memref<20096x64xbf16, #tpu.memory_space<vmem_shared>> -> memref<64x64xbf16, #tpu.memory_space<vmem_shared>>
      tpu.wait_dma2 semaphore(%run_scoped3A : memref<!tpu.dma_semaphore, #tpu.memory_space<semaphore_mem>>) src(%arg18 : memref<64x64xbf16, #tpu.memory_space<vmem>>) dst(%dma_wait3A_224 : memref<64x64xbf16, #tpu.memory_space<vmem_shared>>)
      tpu.yield
    }) : () -> ()
    %add3A_42 = arith.constant 640 : i32
    %add3A_43 = arith.addi %mul3A_22, %add3A_42 : i32
    "tpu.region"() ({
      %run_scoped3A = tpu.sem_alloc : memref<!tpu.dma_semaphore, #tpu.memory_space<semaphore_mem>>
      %dma_start3A_217 = arith.constant 0 : i32
      %dma_start3A_218 = tpu.memref_slice %arg20[%add3A_43, %dma_start3A_217] : memref<20096x64xbf16, #tpu.memory_space<vmem_shared>> -> memref<64x64xbf16, #tpu.memory_space<vmem_shared>>
      %dma_start3A_219 = arith.constant 0 : i32
      %dma_start3A_220 = tpu.memref_slice %arg20[%add3A_43, %dma_start3A_219] : memref<20096x64xbf16, #tpu.memory_space<vmem_shared>> -> memref<64x64xbf16, #tpu.memory_space<vmem_shared>>
      tpu.enqueue_dma source(%arg18 : memref<64x64xbf16, #tpu.memory_space<vmem>>) target(%dma_start3A_220 : memref<64x64xbf16, #tpu.memory_space<vmem_shared>>) target_semaphore(%run_scoped3A : memref<!tpu.dma_semaphore, #tpu.memory_space<semaphore_mem>>)
      %dma_wait3A_221 = arith.constant 0 : i32
      %dma_wait3A_222 = tpu.memref_slice %arg20[%add3A_43, %dma_wait3A_221] : memref<20096x64xbf16, #tpu.memory_space<vmem_shared>> -> memref<64x64xbf16, #tpu.memory_space<vmem_shared>>
      %dma_wait3A_223 = arith.constant 0 : i32
      %dma_wait3A_224 = tpu.memref_slice %arg20[%add3A_43, %dma_wait3A_223] : memref<20096x64xbf16, #tpu.memory_space<vmem_shared>> -> memref<64x64xbf16, #tpu.memory_space<vmem_shared>>
      tpu.wait_dma2 semaphore(%run_scoped3A : memref<!tpu.dma_semaphore, #tpu.memory_space<semaphore_mem>>) src(%arg18 : memref<64x64xbf16, #tpu.memory_space<vmem>>) dst(%dma_wait3A_224 : memref<64x64xbf16, #tpu.memory_space<vmem_shared>>)
      tpu.yield
    }) : () -> ()
    %add3A_44 = arith.constant 704 : i32
    %add3A_45 = arith.addi %mul3A_22, %add3A_44 : i32
    "tpu.region"() ({
      %run_scoped3A = tpu.sem_alloc : memref<!tpu.dma_semaphore, #tpu.memory_space<semaphore_mem>>
      %dma_start3A_217 = arith.constant 0 : i32
      %dma_start3A_218 = tpu.memref_slice %arg20[%add3A_45, %dma_start3A_217] : memref<20096x64xbf16, #tpu.memory_space<vmem_shared>> -> memref<64x64xbf16, #tpu.memory_space<vmem_shared>>
      %dma_start3A_219 = arith.constant 0 : i32
      %dma_start3A_220 = tpu.memref_slice %arg20[%add3A_45, %dma_start3A_219] : memref<20096x64xbf16, #tpu.memory_space<vmem_shared>> -> memref<64x64xbf16, #tpu.memory_space<vmem_shared>>
      tpu.enqueue_dma source(%arg18 : memref<64x64xbf16, #tpu.memory_space<vmem>>) target(%dma_start3A_220 : memref<64x64xbf16, #tpu.memory_space<vmem_shared>>) target_semaphore(%run_scoped3A : memref<!tpu.dma_semaphore, #tpu.memory_space<semaphore_mem>>)
      %dma_wait3A_221 = arith.constant 0 : i32
      %dma_wait3A_222 = tpu.memref_slice %arg20[%add3A_45, %dma_wait3A_221] : memref<20096x64xbf16, #tpu.memory_space<vmem_shared>> -> memref<64x64xbf16, #tpu.memory_space<vmem_shared>>
      %dma_wait3A_223 = arith.constant 0 : i32
      %dma_wait3A_224 = tpu.memref_slice %arg20[%add3A_45, %dma_wait3A_223] : memref<20096x64xbf16, #tpu.memory_space<vmem_shared>> -> memref<64x64xbf16, #tpu.memory_space<vmem_shared>>
      tpu.wait_dma2 semaphore(%run_scoped3A : memref<!tpu.dma_semaphore, #tpu.memory_space<semaphore_mem>>) src(%arg18 : memref<64x64xbf16, #tpu.memory_space<vmem>>) dst(%dma_wait3A_224 : memref<64x64xbf16, #tpu.memory_space<vmem_shared>>)
      tpu.yield
    }) : () -> ()
    %add3A_46 = arith.constant 768 : i32
    %add3A_47 = arith.addi %mul3A_22, %add3A_46 : i32
    "tpu.region"() ({
      %run_scoped3A = tpu.sem_alloc : memref<!tpu.dma_semaphore, #tpu.memory_space<semaphore_mem>>
      %dma_start3A_217 = arith.constant 0 : i32
      %dma_start3A_218 = tpu.memref_slice %arg20[%add3A_47, %dma_start3A_217] : memref<20096x64xbf16, #tpu.memory_space<vmem_shared>> -> memref<64x64xbf16, #tpu.memory_space<vmem_shared>>
      %dma_start3A_219 = arith.constant 0 : i32
      %dma_start3A_220 = tpu.memref_slice %arg20[%add3A_47, %dma_start3A_219] : memref<20096x64xbf16, #tpu.memory_space<vmem_shared>> -> memref<64x64xbf16, #tpu.memory_space<vmem_shared>>
      tpu.enqueue_dma source(%arg18 : memref<64x64xbf16, #tpu.memory_space<vmem>>) target(%dma_start3A_220 : memref<64x64xbf16, #tpu.memory_space<vmem_shared>>) target_semaphore(%run_scoped3A : memref<!tpu.dma_semaphore, #tpu.memory_space<semaphore_mem>>)
      %dma_wait3A_221 = arith.constant 0 : i32
      %dma_wait3A_222 = tpu.memref_slice %arg20[%add3A_47, %dma_wait3A_221] : memref<20096x64xbf16, #tpu.memory_space<vmem_shared>> -> memref<64x64xbf16, #tpu.memory_space<vmem_shared>>
      %dma_wait3A_223 = arith.constant 0 : i32
      %dma_wait3A_224 = tpu.memref_slice %arg20[%add3A_47, %dma_wait3A_223] : memref<20096x64xbf16, #tpu.memory_space<vmem_shared>> -> memref<64x64xbf16, #tpu.memory_space<vmem_shared>>
      tpu.wait_dma2 semaphore(%run_scoped3A : memref<!tpu.dma_semaphore, #tpu.memory_space<semaphore_mem>>) src(%arg18 : memref<64x64xbf16, #tpu.memory_space<vmem>>) dst(%dma_wait3A_224 : memref<64x64xbf16, #tpu.memory_space<vmem_shared>>)
      tpu.yield
    }) : () -> ()
    %add3A_48 = arith.constant 832 : i32
    %add3A_49 = arith.addi %mul3A_22, %add3A_48 : i32
    "tpu.region"() ({
      %run_scoped3A = tpu.sem_alloc : memref<!tpu.dma_semaphore, #tpu.memory_space<semaphore_mem>>
      %dma_start3A_217 = arith.constant 0 : i32
      %dma_start3A_218 = tpu.memref_slice %arg20[%add3A_49, %dma_start3A_217] : memref<20096x64xbf16, #tpu.memory_space<vmem_shared>> -> memref<64x64xbf16, #tpu.memory_space<vmem_shared>>
      %dma_start3A_219 = arith.constant 0 : i32
      %dma_start3A_220 = tpu.memref_slice %arg20[%add3A_49, %dma_start3A_219] : memref<20096x64xbf16, #tpu.memory_space<vmem_shared>> -> memref<64x64xbf16, #tpu.memory_space<vmem_shared>>
      tpu.enqueue_dma source(%arg18 : memref<64x64xbf16, #tpu.memory_space<vmem>>) target(%dma_start3A_220 : memref<64x64xbf16, #tpu.memory_space<vmem_shared>>) target_semaphore(%run_scoped3A : memref<!tpu.dma_semaphore, #tpu.memory_space<semaphore_mem>>)
      %dma_wait3A_221 = arith.constant 0 : i32
      %dma_wait3A_222 = tpu.memref_slice %arg20[%add3A_49, %dma_wait3A_221] : memref<20096x64xbf16, #tpu.memory_space<vmem_shared>> -> memref<64x64xbf16, #tpu.memory_space<vmem_shared>>
      %dma_wait3A_223 = arith.constant 0 : i32
      %dma_wait3A_224 = tpu.memref_slice %arg20[%add3A_49, %dma_wait3A_223] : memref<20096x64xbf16, #tpu.memory_space<vmem_shared>> -> memref<64x64xbf16, #tpu.memory_space<vmem_shared>>
      tpu.wait_dma2 semaphore(%run_scoped3A : memref<!tpu.dma_semaphore, #tpu.memory_space<semaphore_mem>>) src(%arg18 : memref<64x64xbf16, #tpu.memory_space<vmem>>) dst(%dma_wait3A_224 : memref<64x64xbf16, #tpu.memory_space<vmem_shared>>)
      tpu.yield
    }) : () -> ()
    %add3A_50 = arith.constant 896 : i32
    %add3A_51 = arith.addi %mul3A_22, %add3A_50 : i32
    "tpu.region"() ({
      %run_scoped3A = tpu.sem_alloc : memref<!tpu.dma_semaphore, #tpu.memory_space<semaphore_mem>>
      %dma_start3A_217 = arith.constant 0 : i32
      %dma_start3A_218 = tpu.memref_slice %arg20[%add3A_51, %dma_start3A_217] : memref<20096x64xbf16, #tpu.memory_space<vmem_shared>> -> memref<64x64xbf16, #tpu.memory_space<vmem_shared>>
      %dma_start3A_219 = arith.constant 0 : i32
      %dma_start3A_220 = tpu.memref_slice %arg20[%add3A_51, %dma_start3A_219] : memref<20096x64xbf16, #tpu.memory_space<vmem_shared>> -> memref<64x64xbf16, #tpu.memory_space<vmem_shared>>
      tpu.enqueue_dma source(%arg18 : memref<64x64xbf16, #tpu.memory_space<vmem>>) target(%dma_start3A_220 : memref<64x64xbf16, #tpu.memory_space<vmem_shared>>) target_semaphore(%run_scoped3A : memref<!tpu.dma_semaphore, #tpu.memory_space<semaphore_mem>>)
      %dma_wait3A_221 = arith.constant 0 : i32
      %dma_wait3A_222 = tpu.memref_slice %arg20[%add3A_51, %dma_wait3A_221] : memref<20096x64xbf16, #tpu.memory_space<vmem_shared>> -> memref<64x64xbf16, #tpu.memory_space<vmem_shared>>
      %dma_wait3A_223 = arith.constant 0 : i32
      %dma_wait3A_224 = tpu.memref_slice %arg20[%add3A_51, %dma_wait3A_223] : memref<20096x64xbf16, #tpu.memory_space<vmem_shared>> -> memref<64x64xbf16, #tpu.memory_space<vmem_shared>>
      tpu.wait_dma2 semaphore(%run_scoped3A : memref<!tpu.dma_semaphore, #tpu.memory_space<semaphore_mem>>) src(%arg18 : memref<64x64xbf16, #tpu.memory_space<vmem>>) dst(%dma_wait3A_224 : memref<64x64xbf16, #tpu.memory_space<vmem_shared>>)
      tpu.yield
    }) : () -> ()
    %add3A_52 = arith.constant 960 : i32
    %add3A_53 = arith.addi %mul3A_22, %add3A_52 : i32
    "tpu.region"() ({
      %run_scoped3A = tpu.sem_alloc : memref<!tpu.dma_semaphore, #tpu.memory_space<semaphore_mem>>
      %dma_start3A_217 = arith.constant 0 : i32
      %dma_start3A_218 = tpu.memref_slice %arg20[%add3A_53, %dma_start3A_217] : memref<20096x64xbf16, #tpu.memory_space<vmem_shared>> -> memref<64x64xbf16, #tpu.memory_space<vmem_shared>>
      %dma_start3A_219 = arith.constant 0 : i32
      %dma_start3A_220 = tpu.memref_slice %arg20[%add3A_53, %dma_start3A_219] : memref<20096x64xbf16, #tpu.memory_space<vmem_shared>> -> memref<64x64xbf16, #tpu.memory_space<vmem_shared>>
      tpu.enqueue_dma source(%arg18 : memref<64x64xbf16, #tpu.memory_space<vmem>>) target(%dma_start3A_220 : memref<64x64xbf16, #tpu.memory_space<vmem_shared>>) target_semaphore(%run_scoped3A : memref<!tpu.dma_semaphore, #tpu.memory_space<semaphore_mem>>)
      %dma_wait3A_221 = arith.constant 0 : i32
      %dma_wait3A_222 = tpu.memref_slice %arg20[%add3A_53, %dma_wait3A_221] : memref<20096x64xbf16, #tpu.memory_space<vmem_shared>> -> memref<64x64xbf16, #tpu.memory_space<vmem_shared>>
      %dma_wait3A_223 = arith.constant 0 : i32
      %dma_wait3A_224 = tpu.memref_slice %arg20[%add3A_53, %dma_wait3A_223] : memref<20096x64xbf16, #tpu.memory_space<vmem_shared>> -> memref<64x64xbf16, #tpu.memory_space<vmem_shared>>
      tpu.wait_dma2 semaphore(%run_scoped3A : memref<!tpu.dma_semaphore, #tpu.memory_space<semaphore_mem>>) src(%arg18 : memref<64x64xbf16, #tpu.memory_space<vmem>>) dst(%dma_wait3A_224 : memref<64x64xbf16, #tpu.memory_space<vmem_shared>>)
      tpu.yield
    }) : () -> ()
    %add3A_54 = arith.constant 1024 : i32
    %add3A_55 = arith.addi %mul3A_22, %add3A_54 : i32
    "tpu.region"() ({
      %run_scoped3A = tpu.sem_alloc : memref<!tpu.dma_semaphore, #tpu.memory_space<semaphore_mem>>
      %dma_start3A_217 = arith.constant 0 : i32
      %dma_start3A_218 = tpu.memref_slice %arg20[%add3A_55, %dma_start3A_217] : memref<20096x64xbf16, #tpu.memory_space<vmem_shared>> -> memref<64x64xbf16, #tpu.memory_space<vmem_shared>>
      %dma_start3A_219 = arith.constant 0 : i32
      %dma_start3A_220 = tpu.memref_slice %arg20[%add3A_55, %dma_start3A_219] : memref<20096x64xbf16, #tpu.memory_space<vmem_shared>> -> memref<64x64xbf16, #tpu.memory_space<vmem_shared>>
      tpu.enqueue_dma source(%arg18 : memref<64x64xbf16, #tpu.memory_space<vmem>>) target(%dma_start3A_220 : memref<64x64xbf16, #tpu.memory_space<vmem_shared>>) target_semaphore(%run_scoped3A : memref<!tpu.dma_semaphore, #tpu.memory_space<semaphore_mem>>)
      %dma_wait3A_221 = arith.constant 0 : i32
      %dma_wait3A_222 = tpu.memref_slice %arg20[%add3A_55, %dma_wait3A_221] : memref<20096x64xbf16, #tpu.memory_space<vmem_shared>> -> memref<64x64xbf16, #tpu.memory_space<vmem_shared>>
      %dma_wait3A_223 = arith.constant 0 : i32
      %dma_wait3A_224 = tpu.memref_slice %arg20[%add3A_55, %dma_wait3A_223] : memref<20096x64xbf16, #tpu.memory_space<vmem_shared>> -> memref<64x64xbf16, #tpu.memory_space<vmem_shared>>
      tpu.wait_dma2 semaphore(%run_scoped3A : memref<!tpu.dma_semaphore, #tpu.memory_space<semaphore_mem>>) src(%arg18 : memref<64x64xbf16, #tpu.memory_space<vmem>>) dst(%dma_wait3A_224 : memref<64x64xbf16, #tpu.memory_space<vmem_shared>>)
      tpu.yield
    }) : () -> ()
    %add3A_56 = arith.constant 1088 : i32
    %add3A_57 = arith.addi %mul3A_22, %add3A_56 : i32
    "tpu.region"() ({
      %run_scoped3A = tpu.sem_alloc : memref<!tpu.dma_semaphore, #tpu.memory_space<semaphore_mem>>
      %dma_start3A_217 = arith.constant 0 : i32
      %dma_start3A_218 = tpu.memref_slice %arg20[%add3A_57, %dma_start3A_217] : memref<20096x64xbf16, #tpu.memory_space<vmem_shared>> -> memref<64x64xbf16, #tpu.memory_space<vmem_shared>>
      %dma_start3A_219 = arith.constant 0 : i32
      %dma_start3A_220 = tpu.memref_slice %arg20[%add3A_57, %dma_start3A_219] : memref<20096x64xbf16, #tpu.memory_space<vmem_shared>> -> memref<64x64xbf16, #tpu.memory_space<vmem_shared>>
      tpu.enqueue_dma source(%arg18 : memref<64x64xbf16, #tpu.memory_space<vmem>>) target(%dma_start3A_220 : memref<64x64xbf16, #tpu.memory_space<vmem_shared>>) target_semaphore(%run_scoped3A : memref<!tpu.dma_semaphore, #tpu.memory_space<semaphore_mem>>)
      %dma_wait3A_221 = arith.constant 0 : i32
      %dma_wait3A_222 = tpu.memref_slice %arg20[%add3A_57, %dma_wait3A_221] : memref<20096x64xbf16, #tpu.memory_space<vmem_shared>> -> memref<64x64xbf16, #tpu.memory_space<vmem_shared>>
      %dma_wait3A_223 = arith.constant 0 : i32
      %dma_wait3A_224 = tpu.memref_slice %arg20[%add3A_57, %dma_wait3A_223] : memref<20096x64xbf16, #tpu.memory_space<vmem_shared>> -> memref<64x64xbf16, #tpu.memory_space<vmem_shared>>
      tpu.wait_dma2 semaphore(%run_scoped3A : memref<!tpu.dma_semaphore, #tpu.memory_space<semaphore_mem>>) src(%arg18 : memref<64x64xbf16, #tpu.memory_space<vmem>>) dst(%dma_wait3A_224 : memref<64x64xbf16, #tpu.memory_space<vmem_shared>>)
      tpu.yield
    }) : () -> ()
    %add3A_58 = arith.constant 1152 : i32
    %add3A_59 = arith.addi %mul3A_22, %add3A_58 : i32
    "tpu.region"() ({
      %run_scoped3A = tpu.sem_alloc : memref<!tpu.dma_semaphore, #tpu.memory_space<semaphore_mem>>
      %dma_start3A_217 = arith.constant 0 : i32
      %dma_start3A_218 = tpu.memref_slice %arg20[%add3A_59, %dma_start3A_217] : memref<20096x64xbf16, #tpu.memory_space<vmem_shared>> -> memref<64x64xbf16, #tpu.memory_space<vmem_shared>>
      %dma_start3A_219 = arith.constant 0 : i32
      %dma_start3A_220 = tpu.memref_slice %arg20[%add3A_59, %dma_start3A_219] : memref<20096x64xbf16, #tpu.memory_space<vmem_shared>> -> memref<64x64xbf16, #tpu.memory_space<vmem_shared>>
      tpu.enqueue_dma source(%arg18 : memref<64x64xbf16, #tpu.memory_space<vmem>>) target(%dma_start3A_220 : memref<64x64xbf16, #tpu.memory_space<vmem_shared>>) target_semaphore(%run_scoped3A : memref<!tpu.dma_semaphore, #tpu.memory_space<semaphore_mem>>)
      %dma_wait3A_221 = arith.constant 0 : i32
      %dma_wait3A_222 = tpu.memref_slice %arg20[%add3A_59, %dma_wait3A_221] : memref<20096x64xbf16, #tpu.memory_space<vmem_shared>> -> memref<64x64xbf16, #tpu.memory_space<vmem_shared>>
      %dma_wait3A_223 = arith.constant 0 : i32
      %dma_wait3A_224 = tpu.memref_slice %arg20[%add3A_59, %dma_wait3A_223] : memref<20096x64xbf16, #tpu.memory_space<vmem_shared>> -> memref<64x64xbf16, #tpu.memory_space<vmem_shared>>
      tpu.wait_dma2 semaphore(%run_scoped3A : memref<!tpu.dma_semaphore, #tpu.memory_space<semaphore_mem>>) src(%arg18 : memref<64x64xbf16, #tpu.memory_space<vmem>>) dst(%dma_wait3A_224 : memref<64x64xbf16, #tpu.memory_space<vmem_shared>>)
      tpu.yield
    }) : () -> ()
    %add3A_60 = arith.constant 1216 : i32
    %add3A_61 = arith.addi %mul3A_22, %add3A_60 : i32
    "tpu.region"() ({
      %run_scoped3A = tpu.sem_alloc : memref<!tpu.dma_semaphore, #tpu.memory_space<semaphore_mem>>
      %dma_start3A_217 = arith.constant 0 : i32
      %dma_start3A_218 = arith.constant 0 : i32
      %dma_start3A_219 = tpu.memref_slice %arg18[%dma_start3A_217, %dma_start3A_218] : memref<64x64xbf16, #tpu.memory_space<vmem>> -> memref<40x64xbf16, #tpu.memory_space<vmem>>
      %dma_start3A_220 = arith.constant 0 : i32
      %dma_start3A_221 = tpu.memref_slice %arg20[%add3A_61, %dma_start3A_220] : memref<20096x64xbf16, #tpu.memory_space<vmem_shared>> -> memref<40x64xbf16, #tpu.memory_space<vmem_shared>>
      %dma_start3A_222 = arith.constant 0 : i32
      %dma_start3A_223 = tpu.memref_slice %arg20[%add3A_61, %dma_start3A_222] : memref<20096x64xbf16, #tpu.memory_space<vmem_shared>> -> memref<40x64xbf16, #tpu.memory_space<vmem_shared>>
      %dma_start3A_224 = arith.constant 0 : i32
      %dma_start3A_225 = arith.constant 0 : i32
      %dma_start3A_226 = tpu.memref_slice %arg18[%dma_start3A_224, %dma_start3A_225] : memref<64x64xbf16, #tpu.memory_space<vmem>> -> memref<40x64xbf16, #tpu.memory_space<vmem>>
      tpu.enqueue_dma source(%dma_start3A_226 : memref<40x64xbf16, #tpu.memory_space<vmem>>) target(%dma_start3A_223 : memref<40x64xbf16, #tpu.memory_space<vmem_shared>>) target_semaphore(%run_scoped3A : memref<!tpu.dma_semaphore, #tpu.memory_space<semaphore_mem>>)
      %dma_wait3A_227 = arith.constant 0 : i32
      %dma_wait3A_228 = arith.constant 0 : i32
      %dma_wait3A_229 = tpu.memref_slice %arg18[%dma_wait3A_227, %dma_wait3A_228] : memref<64x64xbf16, #tpu.memory_space<vmem>> -> memref<40x64xbf16, #tpu.memory_space<vmem>>
      %dma_wait3A_230 = arith.constant 0 : i32
      %dma_wait3A_231 = tpu.memref_slice %arg20[%add3A_61, %dma_wait3A_230] : memref<20096x64xbf16, #tpu.memory_space<vmem_shared>> -> memref<40x64xbf16, #tpu.memory_space<vmem_shared>>
      %dma_wait3A_232 = arith.constant 0 : i32
      %dma_wait3A_233 = tpu.memref_slice %arg20[%add3A_61, %dma_wait3A_232] : memref<20096x64xbf16, #tpu.memory_space<vmem_shared>> -> memref<40x64xbf16, #tpu.memory_space<vmem_shared>>
      %dma_wait3A_234 = arith.constant 0 : i32
      %dma_wait3A_235 = arith.constant 0 : i32
      %dma_wait3A_236 = tpu.memref_slice %arg18[%dma_wait3A_234, %dma_wait3A_235] : memref<64x64xbf16, #tpu.memory_space<vmem>> -> memref<40x64xbf16, #tpu.memory_space<vmem>>
      tpu.wait_dma2 semaphore(%run_scoped3A : memref<!tpu.dma_semaphore, #tpu.memory_space<semaphore_mem>>) src(%dma_wait3A_236 : memref<40x64xbf16, #tpu.memory_space<vmem>>) dst(%dma_wait3A_233 : memref<40x64xbf16, #tpu.memory_space<vmem_shared>>)
      tpu.yield
    }) : () -> ()
    "tpu.region"() ({
      %run_scoped3A = tpu.sem_alloc : memref<!tpu.dma_semaphore, #tpu.memory_space<semaphore_mem>>
      %dma_start3A_217 = arith.constant 0 : i32
      %dma_start3A_218 = tpu.memref_slice %arg19[%dma_start3A_217] : memref<1280xf32, #tpu.memory_space<vmem>> -> memref<1256xf32, #tpu.memory_space<vmem>>
      %dma_start3A_219 = tpu.memref_slice %arg21[%mul3A_22] : memref<20096xf32, #tpu.memory_space<vmem_shared>> -> memref<1256xf32, #tpu.memory_space<vmem_shared>>
      %dma_start3A_220 = tpu.memref_slice %arg21[%mul3A_22] : memref<20096xf32, #tpu.memory_space<vmem_shared>> -> memref<1256xf32, #tpu.memory_space<vmem_shared>>
      %dma_start3A_221 = arith.constant 0 : i32
      %dma_start3A_222 = tpu.memref_slice %arg19[%dma_start3A_221] : memref<1280xf32, #tpu.memory_space<vmem>> -> memref<1256xf32, #tpu.memory_space<vmem>>
      tpu.enqueue_dma source(%dma_start3A_222 : memref<1256xf32, #tpu.memory_space<vmem>>) target(%dma_start3A_220 : memref<1256xf32, #tpu.memory_space<vmem_shared>>) target_semaphore(%run_scoped3A : memref<!tpu.dma_semaphore, #tpu.memory_space<semaphore_mem>>)
      %dma_wait3A_223 = arith.constant 0 : i32
      %dma_wait3A_224 = tpu.memref_slice %arg19[%dma_wait3A_223] : memref<1280xf32, #tpu.memory_space<vmem>> -> memref<1256xf32, #tpu.memory_space<vmem>>
      %dma_wait3A_225 = tpu.memref_slice %arg21[%mul3A_22] : memref<20096xf32, #tpu.memory_space<vmem_shared>> -> memref<1256xf32, #tpu.memory_space<vmem_shared>>
      %dma_wait3A_226 = tpu.memref_slice %arg21[%mul3A_22] : memref<20096xf32, #tpu.memory_space<vmem_shared>> -> memref<1256xf32, #tpu.memory_space<vmem_shared>>
      %dma_wait3A_227 = arith.constant 0 : i32
      %dma_wait3A_228 = tpu.memref_slice %arg19[%dma_wait3A_227] : memref<1280xf32, #tpu.memory_space<vmem>> -> memref<1256xf32, #tpu.memory_space<vmem>>
      tpu.wait_dma2 semaphore(%run_scoped3A : memref<!tpu.dma_semaphore, #tpu.memory_space<semaphore_mem>>) src(%dma_wait3A_228 : memref<1256xf32, #tpu.memory_space<vmem>>) dst(%dma_wait3A_226 : memref<1256xf32, #tpu.memory_space<vmem_shared>>)
      tpu.yield
    }) : () -> ()
    %barrier3A = arith.constant 0 : index
    tpu.barrier barrier_id(%barrier3A)
    %mul3A_62 = arith.constant 20000 : i32
    %mul3A_63 = arith.muli %arg0, %mul3A_62 : i32
    %scan3A_64 = arith.constant 0 : i32
    %scan3A_65 = arith.constant 0 : i32
    %scan3A_66 = arith.constant 5 : i32
    %scan3A_67 = arith.addi %scan3A_65, %scan3A_66 : i32
    %scan3A_68 = arith.constant 1 : i32
    scf.for %scan3A_217 = %scan3A_65 to %scan3A_67 step %scan3A_68  : i32 {
      %mul3A_218 = arith.constant 20000 : i32
      %mul3A_219 = arith.muli %arg1, %mul3A_218 : i32
      %mul3A_220 = arith.constant 4000 : i32
      %mul3A_221 = arith.muli %scan3A_217, %mul3A_220 : i32
      %add3A_222 = arith.addi %mul3A_219, %mul3A_221 : i32
      "tpu.region"() ({
        %run_scoped3A = tpu.sem_alloc : memref<!tpu.dma_semaphore, #tpu.memory_space<semaphore_mem>>
        %dma_start3A_292 = tpu.memref_slice %arg4[%add3A_222] : memref<320000xi32, #tpu.memory_space<hbm>> -> memref<4000xi32, #tpu.memory_space<hbm>>
        %dma_start3A_293 = tpu.memref_slice %arg4[%add3A_222] : memref<320000xi32, #tpu.memory_space<hbm>> -> memref<4000xi32, #tpu.memory_space<hbm>>
        tpu.enqueue_dma source(%dma_start3A_293 : memref<4000xi32, #tpu.memory_space<hbm>>) target(%arg10 : memref<4000xi32, #tpu.memory_space<vmem>>) target_semaphore(%run_scoped3A : memref<!tpu.dma_semaphore, #tpu.memory_space<semaphore_mem>>)
        %dma_wait3A_294 = tpu.memref_slice %arg4[%add3A_222] : memref<320000xi32, #tpu.memory_space<hbm>> -> memref<4000xi32, #tpu.memory_space<hbm>>
        %dma_wait3A_295 = tpu.memref_slice %arg4[%add3A_222] : memref<320000xi32, #tpu.memory_space<hbm>> -> memref<4000xi32, #tpu.memory_space<hbm>>
        tpu.wait_dma2 semaphore(%run_scoped3A : memref<!tpu.dma_semaphore, #tpu.memory_space<semaphore_mem>>) src(%dma_wait3A_295 : memref<4000xi32, #tpu.memory_space<hbm>>) dst(%arg10 : memref<4000xi32, #tpu.memory_space<vmem>>)
        tpu.yield
      }) : () -> ()
      "tpu.region"() ({
        %run_scoped3A = tpu.sem_alloc : memref<!tpu.dma_semaphore, #tpu.memory_space<semaphore_mem>>
        %dma_start3A_292 = tpu.memref_slice %arg5[%add3A_222] : memref<320000xi32, #tpu.memory_space<hbm>> -> memref<4000xi32, #tpu.memory_space<hbm>>
        %dma_start3A_293 = tpu.memref_slice %arg5[%add3A_222] : memref<320000xi32, #tpu.memory_space<hbm>> -> memref<4000xi32, #tpu.memory_space<hbm>>
        tpu.enqueue_dma source(%dma_start3A_293 : memref<4000xi32, #tpu.memory_space<hbm>>) target(%arg11 : memref<4000xi32, #tpu.memory_space<vmem>>) target_semaphore(%run_scoped3A : memref<!tpu.dma_semaphore, #tpu.memory_space<semaphore_mem>>)
        %dma_wait3A_294 = tpu.memref_slice %arg5[%add3A_222] : memref<320000xi32, #tpu.memory_space<hbm>> -> memref<4000xi32, #tpu.memory_space<hbm>>
        %dma_wait3A_295 = tpu.memref_slice %arg5[%add3A_222] : memref<320000xi32, #tpu.memory_space<hbm>> -> memref<4000xi32, #tpu.memory_space<hbm>>
        tpu.wait_dma2 semaphore(%run_scoped3A : memref<!tpu.dma_semaphore, #tpu.memory_space<semaphore_mem>>) src(%dma_wait3A_295 : memref<4000xi32, #tpu.memory_space<hbm>>) dst(%arg11 : memref<4000xi32, #tpu.memory_space<vmem>>)
        tpu.yield
      }) : () -> ()
      %get3A_223 = arith.constant 0 : index
      %get3A_224 = tpu.vector_load %arg10[%get3A_223] {strides = array<i32>} : memref<4000xi32, #tpu.memory_space<vmem>>, vector<16xi32>,
      %get3A_225 = vector.shape_cast %get3A_224 : vector<16xi32> to vector<16xi32>
      %add3A_226 = vector.broadcast %mul3A_63 : i32 to vector<16xi32>
      %add3A_227 = arith.addi %get3A_225, %add3A_226 : vector<16xi32>
      %swap3A_228 = arith.constant 0 : index
      %swap3A_229 = tpu.vector_load %arg12[%swap3A_228] {strides = array<i32>} : memref<80xi32, #tpu.memory_space<vmem>>, vector<16xi32>,
      %swap3A_230 = vector.shape_cast %swap3A_229 : vector<16xi32> to vector<16xi32>
      %swap3A_231 = vector.shape_cast %add3A_227 : vector<16xi32> to vector<16xi32>
      tpu.vector_store %arg12[%swap3A_228], %swap3A_231 {strides = array<i32>} : memref<80xi32, #tpu.memory_space<vmem>>, vector<16xi32>,
      %get3A_232 = arith.constant 16 : index
      %get3A_233 = tpu.vector_load %arg10[%get3A_232] {strides = array<i32>} : memref<4000xi32, #tpu.memory_space<vmem>>, vector<16xi32>,
      %get3A_234 = vector.shape_cast %get3A_233 : vector<16xi32> to vector<16xi32>
      %add3A_235 = vector.broadcast %mul3A_63 : i32 to vector<16xi32>
      %add3A_236 = arith.addi %get3A_234, %add3A_235 : vector<16xi32>
      %swap3A_237 = arith.constant 16 : index
      %swap3A_238 = tpu.vector_load %arg12[%swap3A_237] {strides = array<i32>} : memref<80xi32, #tpu.memory_space<vmem>>, vector<16xi32>,
      %swap3A_239 = vector.shape_cast %swap3A_238 : vector<16xi32> to vector<16xi32>
      %swap3A_240 = vector.shape_cast %add3A_236 : vector<16xi32> to vector<16xi32>
      tpu.vector_store %arg12[%swap3A_237], %swap3A_240 {strides = array<i32>} : memref<80xi32, #tpu.memory_space<vmem>>, vector<16xi32>,
      %get3A_241 = arith.constant 32 : index
      %get3A_242 = tpu.vector_load %arg10[%get3A_241] {strides = array<i32>} : memref<4000xi32, #tpu.memory_space<vmem>>, vector<16xi32>,
      %get3A_243 = vector.shape_cast %get3A_242 : vector<16xi32> to vector<16xi32>
      %add3A_244 = vector.broadcast %mul3A_63 : i32 to vector<16xi32>
      %add3A_245 = arith.addi %get3A_243, %add3A_244 : vector<16xi32>
      %swap3A_246 = arith.constant 32 : index
      %swap3A_247 = tpu.vector_load %arg12[%swap3A_246] {strides = array<i32>} : memref<80xi32, #tpu.memory_space<vmem>>, vector<16xi32>,
      %swap3A_248 = vector.shape_cast %swap3A_247 : vector<16xi32> to vector<16xi32>
      %swap3A_249 = vector.shape_cast %add3A_245 : vector<16xi32> to vector<16xi32>
      tpu.vector_store %arg12[%swap3A_246], %swap3A_249 {strides = array<i32>} : memref<80xi32, #tpu.memory_space<vmem>>, vector<16xi32>,
      %get3A_250 = arith.constant 48 : index
      %get3A_251 = tpu.vector_load %arg10[%get3A_250] {strides = array<i32>} : memref<4000xi32, #tpu.memory_space<vmem>>, vector<16xi32>,
      %get3A_252 = vector.shape_cast %get3A_251 : vector<16xi32> to vector<16xi32>
      %add3A_253 = vector.broadcast %mul3A_63 : i32 to vector<16xi32>
      %add3A_254 = arith.addi %get3A_252, %add3A_253 : vector<16xi32>
      %swap3A_255 = arith.constant 48 : index
      %swap3A_256 = tpu.vector_load %arg12[%swap3A_255] {strides = array<i32>} : memref<80xi32, #tpu.memory_space<vmem>>, vector<16xi32>,
      %swap3A_257 = vector.shape_cast %swap3A_256 : vector<16xi32> to vector<16xi32>
      %swap3A_258 = vector.shape_cast %add3A_254 : vector<16xi32> to vector<16xi32>
      tpu.vector_store %arg12[%swap3A_255], %swap3A_258 {strides = array<i32>} : memref<80xi32, #tpu.memory_space<vmem>>, vector<16xi32>,
      %get3A_259 = arith.constant 64 : index
      %get3A_260 = tpu.vector_load %arg10[%get3A_259] {strides = array<i32>} : memref<4000xi32, #tpu.memory_space<vmem>>, vector<16xi32>,
      %get3A_261 = vector.shape_cast %get3A_260 : vector<16xi32> to vector<16xi32>
      %add3A_262 = vector.broadcast %mul3A_63 : i32 to vector<16xi32>
      %add3A_263 = arith.addi %get3A_261, %add3A_262 : vector<16xi32>
      %swap3A_264 = arith.constant 64 : index
      %swap3A_265 = tpu.vector_load %arg12[%swap3A_264] {strides = array<i32>} : memref<80xi32, #tpu.memory_space<vmem>>, vector<16xi32>,
      %swap3A_266 = vector.shape_cast %swap3A_265 : vector<16xi32> to vector<16xi32>
      %swap3A_267 = vector.shape_cast %add3A_263 : vector<16xi32> to vector<16xi32>
      tpu.vector_store %arg12[%swap3A_264], %swap3A_267 {strides = array<i32>} : memref<80xi32, #tpu.memory_space<vmem>>, vector<16xi32>,
      %dma_start3A_268 = arith.constant 0 : i32
      %dma_start3A_269 = arith.constant 0 : i32
      %dma_start3A_270 = arith.constant 0 : i32
      %dma_start3A_271 = tpu.memref_slice %arg16[%dma_start3A_268, %dma_start3A_269, %dma_start3A_270] : memref<2x80x64xbf16, #tpu.memory_space<vmem>> -> memref<1x80x64xbf16, #tpu.memory_space<vmem>>
      %dma_start3A_272 = tpu.memref_squeeze %dma_start3A_271 : memref<1x80x64xbf16, #tpu.memory_space<vmem>> -> memref<80x64xbf16, #tpu.memory_space<vmem>>
      %dma_start3A_273 = arith.constant 0 : i32
      %dma_start3A_274 = arith.constant 0 : i32
      %dma_start3A_275 = tpu.memref_slice %arg2[%dma_start3A_273, %dma_start3A_274] : memref<40000x64xbf16, #tpu.memory_space<hbm>> -> memref<40000x64xbf16, #tpu.memory_space<hbm>>
      tpu.enqueue_indirect_dma source(%dma_start3A_275 : memref<40000x64xbf16, #tpu.memory_space<hbm>>) target(%dma_start3A_272 : memref<80x64xbf16, #tpu.memory_space<vmem>>) offsets(%arg12 : memref<80xi32, #tpu.memory_space<vmem>>) semaphore(%arg22 : memref<!tpu.dma_semaphore, #tpu.memory_space<semaphore_mem>>)
      %scan3A_276 = arith.constant 0 : i32
      %scan3A_277 = arith.constant 0 : i32
      %scan3A_278 = arith.constant 25 : i32
      %scan3A_279 = arith.addi %scan3A_277, %scan3A_278 : i32
      %scan3A_280 = arith.constant 1 : i32
      scf.for %scan3A_292 = %scan3A_277 to %scan3A_279 step %scan3A_280  : i32 {
        %mul3A_293 = arith.constant 2 : i32
        %mul3A_294 = arith.muli %mul3A_293, %scan3A_292 : i32
        %dma_wait3A_295 = arith.constant 0 : i32
        %dma_wait3A_296 = arith.constant 0 : i32
        %dma_wait3A_297 = arith.constant 0 : i32
        %dma_wait3A_298 = tpu.memref_slice %arg16[%dma_wait3A_295, %dma_wait3A_296, %dma_wait3A_297] : memref<2x80x64xbf16, #tpu.memory_space<vmem>> -> memref<1x80x64xbf16, #tpu.memory_space<vmem>>
        %dma_wait3A_299 = tpu.memref_squeeze %dma_wait3A_298 : memref<1x80x64xbf16, #tpu.memory_space<vmem>> -> memref<80x64xbf16, #tpu.memory_space<vmem>>
        %dma_wait3A_300 = arith.constant 0 : i32
        %dma_wait3A_301 = arith.constant 0 : i32
        %dma_wait3A_302 = tpu.memref_slice %arg2[%dma_wait3A_300, %dma_wait3A_301] : memref<40000x64xbf16, #tpu.memory_space<hbm>> -> memref<40000x64xbf16, #tpu.memory_space<hbm>>
        tpu.wait_indirect_dma semaphore(%arg22 : memref<!tpu.dma_semaphore, #tpu.memory_space<semaphore_mem>>) src(%dma_wait3A_302 : memref<40000x64xbf16, #tpu.memory_space<hbm>>) dst(%dma_wait3A_299 : memref<80x64xbf16, #tpu.memory_space<vmem>>)
        %gt3A = arith.constant 0 : i32
        %gt3A_303 = arith.cmpi sgt, %scan3A_292, %gt3A : i32
        %convert_element_type3A_304 = arith.extui %gt3A_303 : i1 to i32
        %cond3A_305 = arith.constant 0 : i32
        %cond3A_306 = arith.cmpi ne, %convert_element_type3A_304, %cond3A_305 : i32
        scf.if %cond3A_306 {
          %dma_wait3A_539 = arith.constant 1 : i32
          %dma_wait3A_540 = arith.constant 0 : i32
          %dma_wait3A_541 = arith.constant 0 : i32
          %dma_wait3A_542 = tpu.memref_slice %arg16[%dma_wait3A_539, %dma_wait3A_540, %dma_wait3A_541] : memref<2x80x64xbf16, #tpu.memory_space<vmem>> -> memref<1x80x64xbf16, #tpu.memory_space<vmem>>
          %dma_wait3A_543 = tpu.memref_squeeze %dma_wait3A_542 : memref<1x80x64xbf16, #tpu.memory_space<vmem>> -> memref<80x64xbf16, #tpu.memory_space<vmem>>
          %dma_wait3A_544 = arith.constant 0 : i32
          %dma_wait3A_545 = arith.constant 0 : i32
          %dma_wait3A_546 = tpu.memref_slice %arg20[%dma_wait3A_544, %dma_wait3A_545] : memref<20096x64xbf16, #tpu.memory_space<vmem_shared>> -> memref<20096x64xbf16, #tpu.memory_space<vmem_shared>>
          tpu.wait_indirect_dma semaphore(%arg25 : memref<!tpu.dma_semaphore, #tpu.memory_space<semaphore_mem>>) src(%dma_wait3A_543 : memref<80x64xbf16, #tpu.memory_space<vmem>>) dst(%dma_wait3A_546 : memref<20096x64xbf16, #tpu.memory_space<vmem_shared>>)
          %dma_wait3A_547 = arith.constant 0 : i32
          %dma_wait3A_548 = tpu.memref_slice %arg21[%dma_wait3A_547] : memref<20096xf32, #tpu.memory_space<vmem_shared>> -> memref<20096xf32, #tpu.memory_space<vmem_shared>>
          tpu.wait_indirect_dma semaphore(%arg27 : memref<!tpu.dma_semaphore, #tpu.memory_space<semaphore_mem>>) src(%arg17 : memref<80xf32, #tpu.memory_space<vmem>>) dst(%dma_wait3A_548 : memref<20096xf32, #tpu.memory_space<vmem_shared>>)
        } else {
        }
        %mul3A_307 = arith.constant 80 : i32
        %mul3A_308 = arith.muli %mul3A_294, %mul3A_307 : i32
        %add3A_309 = arith.constant 0 : i32
        %add3A_310 = arith.addi %mul3A_308, %add3A_309 : i32
        %get3A_311 = arith.index_cast %add3A_310 : i32 to index
        %get3A_312 = tpu.vector_load %arg11[%get3A_311] {strides = array<i32>} : memref<4000xi32, #tpu.memory_space<vmem>>, vector<16xi32>,
        %get3A_313 = vector.shape_cast %get3A_312 : vector<16xi32> to vector<16xi32>
        %swap3A_314 = arith.constant 0 : index
        %swap3A_315 = tpu.vector_load %arg14[%swap3A_314] {strides = array<i32>} : memref<80xi32, #tpu.memory_space<vmem>>, vector<16xi32>,
        %swap3A_316 = vector.shape_cast %swap3A_315 : vector<16xi32> to vector<16xi32>
        %swap3A_317 = vector.shape_cast %get3A_313 : vector<16xi32> to vector<16xi32>
        tpu.vector_store %arg14[%swap3A_314], %swap3A_317 {strides = array<i32>} : memref<80xi32, #tpu.memory_space<vmem>>, vector<16xi32>,
        %mul3A_318 = arith.constant 80 : i32
        %mul3A_319 = arith.muli %mul3A_294, %mul3A_318 : i32
        %add3A_320 = arith.constant 16 : i32
        %add3A_321 = arith.addi %mul3A_319, %add3A_320 : i32
        %get3A_322 = arith.index_cast %add3A_321 : i32 to index
        %get3A_323 = tpu.vector_load %arg11[%get3A_322] {strides = array<i32>} : memref<4000xi32, #tpu.memory_space<vmem>>, vector<16xi32>,
        %get3A_324 = vector.shape_cast %get3A_323 : vector<16xi32> to vector<16xi32>
        %swap3A_325 = arith.constant 16 : index
        %swap3A_326 = tpu.vector_load %arg14[%swap3A_325] {strides = array<i32>} : memref<80xi32, #tpu.memory_space<vmem>>, vector<16xi32>,
        %swap3A_327 = vector.shape_cast %swap3A_326 : vector<16xi32> to vector<16xi32>
        %swap3A_328 = vector.shape_cast %get3A_324 : vector<16xi32> to vector<16xi32>
        tpu.vector_store %arg14[%swap3A_325], %swap3A_328 {strides = array<i32>} : memref<80xi32, #tpu.memory_space<vmem>>, vector<16xi32>,
        %mul3A_329 = arith.constant 80 : i32
        %mul3A_330 = arith.muli %mul3A_294, %mul3A_329 : i32
        %add3A_331 = arith.constant 32 : i32
        %add3A_332 = arith.addi %mul3A_330, %add3A_331 : i32
        %get3A_333 = arith.index_cast %add3A_332 : i32 to index
        %get3A_334 = tpu.vector_load %arg11[%get3A_333] {strides = array<i32>} : memref<4000xi32, #tpu.memory_space<vmem>>, vector<16xi32>,
        %get3A_335 = vector.shape_cast %get3A_334 : vector<16xi32> to vector<16xi32>
        %swap3A_336 = arith.constant 32 : index
        %swap3A_337 = tpu.vector_load %arg14[%swap3A_336] {strides = array<i32>} : memref<80xi32, #tpu.memory_space<vmem>>, vector<16xi32>,
        %swap3A_338 = vector.shape_cast %swap3A_337 : vector<16xi32> to vector<16xi32>
        %swap3A_339 = vector.shape_cast %get3A_335 : vector<16xi32> to vector<16xi32>
        tpu.vector_store %arg14[%swap3A_336], %swap3A_339 {strides = array<i32>} : memref<80xi32, #tpu.memory_space<vmem>>, vector<16xi32>,
        %mul3A_340 = arith.constant 80 : i32
        %mul3A_341 = arith.muli %mul3A_294, %mul3A_340 : i32
        %add3A_342 = arith.constant 48 : i32
        %add3A_343 = arith.addi %mul3A_341, %add3A_342 : i32
        %get3A_344 = arith.index_cast %add3A_343 : i32 to index
        %get3A_345 = tpu.vector_load %arg11[%get3A_344] {strides = array<i32>} : memref<4000xi32, #tpu.memory_space<vmem>>, vector<16xi32>,
        %get3A_346 = vector.shape_cast %get3A_345 : vector<16xi32> to vector<16xi32>
        %swap3A_347 = arith.constant 48 : index
        %swap3A_348 = tpu.vector_load %arg14[%swap3A_347] {strides = array<i32>} : memref<80xi32, #tpu.memory_space<vmem>>, vector<16xi32>,
        %swap3A_349 = vector.shape_cast %swap3A_348 : vector<16xi32> to vector<16xi32>
        %swap3A_350 = vector.shape_cast %get3A_346 : vector<16xi32> to vector<16xi32>
        tpu.vector_store %arg14[%swap3A_347], %swap3A_350 {strides = array<i32>} : memref<80xi32, #tpu.memory_space<vmem>>, vector<16xi32>,
        %mul3A_351 = arith.constant 80 : i32
        %mul3A_352 = arith.muli %mul3A_294, %mul3A_351 : i32
        %add3A_353 = arith.constant 64 : i32
        %add3A_354 = arith.addi %mul3A_352, %add3A_353 : i32
        %get3A_355 = arith.index_cast %add3A_354 : i32 to index
        %get3A_356 = tpu.vector_load %arg11[%get3A_355] {strides = array<i32>} : memref<4000xi32, #tpu.memory_space<vmem>>, vector<16xi32>,
        %get3A_357 = vector.shape_cast %get3A_356 : vector<16xi32> to vector<16xi32>
        %swap3A_358 = arith.constant 64 : index
        %swap3A_359 = tpu.vector_load %arg14[%swap3A_358] {strides = array<i32>} : memref<80xi32, #tpu.memory_space<vmem>>, vector<16xi32>,
        %swap3A_360 = vector.shape_cast %swap3A_359 : vector<16xi32> to vector<16xi32>
        %swap3A_361 = vector.shape_cast %get3A_357 : vector<16xi32> to vector<16xi32>
        tpu.vector_store %arg14[%swap3A_358], %swap3A_361 {strides = array<i32>} : memref<80xi32, #tpu.memory_space<vmem>>, vector<16xi32>,
        %dma_start3A_362 = arith.constant 0 : i32
        %dma_start3A_363 = arith.constant 0 : i32
        %dma_start3A_364 = arith.constant 0 : i32
        %dma_start3A_365 = tpu.memref_slice %arg16[%dma_start3A_362, %dma_start3A_363, %dma_start3A_364] : memref<2x80x64xbf16, #tpu.memory_space<vmem>> -> memref<1x80x64xbf16, #tpu.memory_space<vmem>>
        %dma_start3A_366 = tpu.memref_squeeze %dma_start3A_365 : memref<1x80x64xbf16, #tpu.memory_space<vmem>> -> memref<80x64xbf16, #tpu.memory_space<vmem>>
        %dma_start3A_367 = arith.constant 0 : i32
        %dma_start3A_368 = arith.constant 0 : i32
        %dma_start3A_369 = tpu.memref_slice %arg20[%dma_start3A_367, %dma_start3A_368] : memref<20096x64xbf16, #tpu.memory_space<vmem_shared>> -> memref<20096x64xbf16, #tpu.memory_space<vmem_shared>>
        tpu.enqueue_indirect_dma source(%dma_start3A_366 : memref<80x64xbf16, #tpu.memory_space<vmem>>) target(%dma_start3A_369 : memref<20096x64xbf16, #tpu.memory_space<vmem_shared>>) offsets(%arg14 : memref<80xi32, #tpu.memory_space<vmem>>) semaphore(%arg24 : memref<!tpu.dma_semaphore, #tpu.memory_space<semaphore_mem>>) {add = true}
        %dma_start3A_370 = arith.constant 0 : i32
        %dma_start3A_371 = tpu.memref_slice %arg21[%dma_start3A_370] : memref<20096xf32, #tpu.memory_space<vmem_shared>> -> memref<20096xf32, #tpu.memory_space<vmem_shared>>
        tpu.enqueue_indirect_dma source(%arg17 : memref<80xf32, #tpu.memory_space<vmem>>) target(%dma_start3A_371 : memref<20096xf32, #tpu.memory_space<vmem_shared>>) offsets(%arg14 : memref<80xi32, #tpu.memory_space<vmem>>) semaphore(%arg26 : memref<!tpu.dma_semaphore, #tpu.memory_space<semaphore_mem>>) {add = true}
        %add3A_372 = arith.constant 1 : i32
        %add3A_373 = arith.addi %mul3A_294, %add3A_372 : i32
        %mul3A_374 = arith.constant 80 : i32
        %mul3A_375 = arith.muli %add3A_373, %mul3A_374 : i32
        %add3A_376 = arith.constant 0 : i32
        %add3A_377 = arith.addi %mul3A_375, %add3A_376 : i32
        %get3A_378 = arith.index_cast %add3A_377 : i32 to index
        %get3A_379 = tpu.vector_load %arg10[%get3A_378] {strides = array<i32>} : memref<4000xi32, #tpu.memory_space<vmem>>, vector<16xi32>,
        %get3A_380 = vector.shape_cast %get3A_379 : vector<16xi32> to vector<16xi32>
        %add3A_381 = vector.broadcast %mul3A_63 : i32 to vector<16xi32>
        %add3A_382 = arith.addi %get3A_380, %add3A_381 : vector<16xi32>
        %swap3A_383 = arith.constant 0 : index
        %swap3A_384 = tpu.vector_load %arg13[%swap3A_383] {strides = array<i32>} : memref<80xi32, #tpu.memory_space<vmem>>, vector<16xi32>,
        %swap3A_385 = vector.shape_cast %swap3A_384 : vector<16xi32> to vector<16xi32>
        %swap3A_386 = vector.shape_cast %add3A_382 : vector<16xi32> to vector<16xi32>
        tpu.vector_store %arg13[%swap3A_383], %swap3A_386 {strides = array<i32>} : memref<80xi32, #tpu.memory_space<vmem>>, vector<16xi32>,
        %mul3A_387 = arith.constant 80 : i32
        %mul3A_388 = arith.muli %add3A_373, %mul3A_387 : i32
        %add3A_389 = arith.constant 16 : i32
        %add3A_390 = arith.addi %mul3A_388, %add3A_389 : i32
        %get3A_391 = arith.index_cast %add3A_390 : i32 to index
        %get3A_392 = tpu.vector_load %arg10[%get3A_391] {strides = array<i32>} : memref<4000xi32, #tpu.memory_space<vmem>>, vector<16xi32>,
        %get3A_393 = vector.shape_cast %get3A_392 : vector<16xi32> to vector<16xi32>
        %add3A_394 = vector.broadcast %mul3A_63 : i32 to vector<16xi32>
        %add3A_395 = arith.addi %get3A_393, %add3A_394 : vector<16xi32>
        %swap3A_396 = arith.constant 16 : index
        %swap3A_397 = tpu.vector_load %arg13[%swap3A_396] {strides = array<i32>} : memref<80xi32, #tpu.memory_space<vmem>>, vector<16xi32>,
        %swap3A_398 = vector.shape_cast %swap3A_397 : vector<16xi32> to vector<16xi32>
        %swap3A_399 = vector.shape_cast %add3A_395 : vector<16xi32> to vector<16xi32>
        tpu.vector_store %arg13[%swap3A_396], %swap3A_399 {strides = array<i32>} : memref<80xi32, #tpu.memory_space<vmem>>, vector<16xi32>,
        %mul3A_400 = arith.constant 80 : i32
        %mul3A_401 = arith.muli %add3A_373, %mul3A_400 : i32
        %add3A_402 = arith.constant 32 : i32
        %add3A_403 = arith.addi %mul3A_401, %add3A_402 : i32
        %get3A_404 = arith.index_cast %add3A_403 : i32 to index
        %get3A_405 = tpu.vector_load %arg10[%get3A_404] {strides = array<i32>} : memref<4000xi32, #tpu.memory_space<vmem>>, vector<16xi32>,
        %get3A_406 = vector.shape_cast %get3A_405 : vector<16xi32> to vector<16xi32>
        %add3A_407 = vector.broadcast %mul3A_63 : i32 to vector<16xi32>
        %add3A_408 = arith.addi %get3A_406, %add3A_407 : vector<16xi32>
        %swap3A_409 = arith.constant 32 : index
        %swap3A_410 = tpu.vector_load %arg13[%swap3A_409] {strides = array<i32>} : memref<80xi32, #tpu.memory_space<vmem>>, vector<16xi32>,
        %swap3A_411 = vector.shape_cast %swap3A_410 : vector<16xi32> to vector<16xi32>
        %swap3A_412 = vector.shape_cast %add3A_408 : vector<16xi32> to vector<16xi32>
        tpu.vector_store %arg13[%swap3A_409], %swap3A_412 {strides = array<i32>} : memref<80xi32, #tpu.memory_space<vmem>>, vector<16xi32>,
        %mul3A_413 = arith.constant 80 : i32
        %mul3A_414 = arith.muli %add3A_373, %mul3A_413 : i32
        %add3A_415 = arith.constant 48 : i32
        %add3A_416 = arith.addi %mul3A_414, %add3A_415 : i32
        %get3A_417 = arith.index_cast %add3A_416 : i32 to index
        %get3A_418 = tpu.vector_load %arg10[%get3A_417] {strides = array<i32>} : memref<4000xi32, #tpu.memory_space<vmem>>, vector<16xi32>,
        %get3A_419 = vector.shape_cast %get3A_418 : vector<16xi32> to vector<16xi32>
        %add3A_420 = vector.broadcast %mul3A_63 : i32 to vector<16xi32>
        %add3A_421 = arith.addi %get3A_419, %add3A_420 : vector<16xi32>
        %swap3A_422 = arith.constant 48 : index
        %swap3A_423 = tpu.vector_load %arg13[%swap3A_422] {strides = array<i32>} : memref<80xi32, #tpu.memory_space<vmem>>, vector<16xi32>,
        %swap3A_424 = vector.shape_cast %swap3A_423 : vector<16xi32> to vector<16xi32>
        %swap3A_425 = vector.shape_cast %add3A_421 : vector<16xi32> to vector<16xi32>
        tpu.vector_store %arg13[%swap3A_422], %swap3A_425 {strides = array<i32>} : memref<80xi32, #tpu.memory_space<vmem>>, vector<16xi32>,
        %mul3A_426 = arith.constant 80 : i32
        %mul3A_427 = arith.muli %add3A_373, %mul3A_426 : i32
        %add3A_428 = arith.constant 64 : i32
        %add3A_429 = arith.addi %mul3A_427, %add3A_428 : i32
        %get3A_430 = arith.index_cast %add3A_429 : i32 to index
        %get3A_431 = tpu.vector_load %arg10[%get3A_430] {strides = array<i32>} : memref<4000xi32, #tpu.memory_space<vmem>>, vector<16xi32>,
        %get3A_432 = vector.shape_cast %get3A_431 : vector<16xi32> to vector<16xi32>
        %add3A_433 = vector.broadcast %mul3A_63 : i32 to vector<16xi32>
        %add3A_434 = arith.addi %get3A_432, %add3A_433 : vector<16xi32>
        %swap3A_435 = arith.constant 64 : index
        %swap3A_436 = tpu.vector_load %arg13[%swap3A_435] {strides = array<i32>} : memref<80xi32, #tpu.memory_space<vmem>>, vector<16xi32>,
        %swap3A_437 = vector.shape_cast %swap3A_436 : vector<16xi32> to vector<16xi32>
        %swap3A_438 = vector.shape_cast %add3A_434 : vector<16xi32> to vector<16xi32>
        tpu.vector_store %arg13[%swap3A_435], %swap3A_438 {strides = array<i32>} : memref<80xi32, #tpu.memory_space<vmem>>, vector<16xi32>,
        %dma_start3A_439 = arith.constant 1 : i32
        %dma_start3A_440 = arith.constant 0 : i32
        %dma_start3A_441 = arith.constant 0 : i32
        %dma_start3A_442 = tpu.memref_slice %arg16[%dma_start3A_439, %dma_start3A_440, %dma_start3A_441] : memref<2x80x64xbf16, #tpu.memory_space<vmem>> -> memref<1x80x64xbf16, #tpu.memory_space<vmem>>
        %dma_start3A_443 = tpu.memref_squeeze %dma_start3A_442 : memref<1x80x64xbf16, #tpu.memory_space<vmem>> -> memref<80x64xbf16, #tpu.memory_space<vmem>>
        %dma_start3A_444 = arith.constant 0 : i32
        %dma_start3A_445 = arith.constant 0 : i32
        %dma_start3A_446 = tpu.memref_slice %arg2[%dma_start3A_444, %dma_start3A_445] : memref<40000x64xbf16, #tpu.memory_space<hbm>> -> memref<40000x64xbf16, #tpu.memory_space<hbm>>
        tpu.enqueue_indirect_dma source(%dma_start3A_446 : memref<40000x64xbf16, #tpu.memory_space<hbm>>) target(%dma_start3A_443 : memref<80x64xbf16, #tpu.memory_space<vmem>>) offsets(%arg13 : memref<80xi32, #tpu.memory_space<vmem>>) semaphore(%arg23 : memref<!tpu.dma_semaphore, #tpu.memory_space<semaphore_mem>>)
        %dma_wait3A_447 = arith.constant 1 : i32
        %dma_wait3A_448 = arith.constant 0 : i32
        %dma_wait3A_449 = arith.constant 0 : i32
        %dma_wait3A_450 = tpu.memref_slice %arg16[%dma_wait3A_447, %dma_wait3A_448, %dma_wait3A_449] : memref<2x80x64xbf16, #tpu.memory_space<vmem>> -> memref<1x80x64xbf16, #tpu.memory_space<vmem>>
        %dma_wait3A_451 = tpu.memref_squeeze %dma_wait3A_450 : memref<1x80x64xbf16, #tpu.memory_space<vmem>> -> memref<80x64xbf16, #tpu.memory_space<vmem>>
        %dma_wait3A_452 = arith.constant 0 : i32
        %dma_wait3A_453 = arith.constant 0 : i32
        %dma_wait3A_454 = tpu.memref_slice %arg2[%dma_wait3A_452, %dma_wait3A_453] : memref<40000x64xbf16, #tpu.memory_space<hbm>> -> memref<40000x64xbf16, #tpu.memory_space<hbm>>
        tpu.wait_indirect_dma semaphore(%arg23 : memref<!tpu.dma_semaphore, #tpu.memory_space<semaphore_mem>>) src(%dma_wait3A_454 : memref<40000x64xbf16, #tpu.memory_space<hbm>>) dst(%dma_wait3A_451 : memref<80x64xbf16, #tpu.memory_space<vmem>>)
        %add3A_455 = arith.constant 1 : i32
        %add3A_456 = arith.addi %mul3A_294, %add3A_455 : i32
        %mul3A_457 = arith.constant 80 : i32
        %mul3A_458 = arith.muli %add3A_456, %mul3A_457 : i32
        %add3A_459 = arith.constant 0 : i32
        %add3A_460 = arith.addi %mul3A_458, %add3A_459 : i32
        %get3A_461 = arith.index_cast %add3A_460 : i32 to index
        %get3A_462 = tpu.vector_load %arg11[%get3A_461] {strides = array<i32>} : memref<4000xi32, #tpu.memory_space<vmem>>, vector<16xi32>,
        %get3A_463 = vector.shape_cast %get3A_462 : vector<16xi32> to vector<16xi32>
        %swap3A_464 = arith.constant 0 : index
        %swap3A_465 = tpu.vector_load %arg15[%swap3A_464] {strides = array<i32>} : memref<80xi32, #tpu.memory_space<vmem>>, vector<16xi32>,
        %swap3A_466 = vector.shape_cast %swap3A_465 : vector<16xi32> to vector<16xi32>
        %swap3A_467 = vector.shape_cast %get3A_463 : vector<16xi32> to vector<16xi32>
        tpu.vector_store %arg15[%swap3A_464], %swap3A_467 {strides = array<i32>} : memref<80xi32, #tpu.memory_space<vmem>>, vector<16xi32>,
        %mul3A_468 = arith.constant 80 : i32
        %mul3A_469 = arith.muli %add3A_456, %mul3A_468 : i32
        %add3A_470 = arith.constant 16 : i32
        %add3A_471 = arith.addi %mul3A_469, %add3A_470 : i32
        %get3A_472 = arith.index_cast %add3A_471 : i32 to index
        %get3A_473 = tpu.vector_load %arg11[%get3A_472] {strides = array<i32>} : memref<4000xi32, #tpu.memory_space<vmem>>, vector<16xi32>,
        %get3A_474 = vector.shape_cast %get3A_473 : vector<16xi32> to vector<16xi32>
        %swap3A_475 = arith.constant 16 : index
        %swap3A_476 = tpu.vector_load %arg15[%swap3A_475] {strides = array<i32>} : memref<80xi32, #tpu.memory_space<vmem>>, vector<16xi32>,
        %swap3A_477 = vector.shape_cast %swap3A_476 : vector<16xi32> to vector<16xi32>
        %swap3A_478 = vector.shape_cast %get3A_474 : vector<16xi32> to vector<16xi32>
        tpu.vector_store %arg15[%swap3A_475], %swap3A_478 {strides = array<i32>} : memref<80xi32, #tpu.memory_space<vmem>>, vector<16xi32>,
        %mul3A_479 = arith.constant 80 : i32
        %mul3A_480 = arith.muli %add3A_456, %mul3A_479 : i32
        %add3A_481 = arith.constant 32 : i32
        %add3A_482 = arith.addi %mul3A_480, %add3A_481 : i32
        %get3A_483 = arith.index_cast %add3A_482 : i32 to index
        %get3A_484 = tpu.vector_load %arg11[%get3A_483] {strides = array<i32>} : memref<4000xi32, #tpu.memory_space<vmem>>, vector<16xi32>,
        %get3A_485 = vector.shape_cast %get3A_484 : vector<16xi32> to vector<16xi32>
        %swap3A_486 = arith.constant 32 : index
        %swap3A_487 = tpu.vector_load %arg15[%swap3A_486] {strides = array<i32>} : memref<80xi32, #tpu.memory_space<vmem>>, vector<16xi32>,
        %swap3A_488 = vector.shape_cast %swap3A_487 : vector<16xi32> to vector<16xi32>
        %swap3A_489 = vector.shape_cast %get3A_485 : vector<16xi32> to vector<16xi32>
        tpu.vector_store %arg15[%swap3A_486], %swap3A_489 {strides = array<i32>} : memref<80xi32, #tpu.memory_space<vmem>>, vector<16xi32>,
        %mul3A_490 = arith.constant 80 : i32
        %mul3A_491 = arith.muli %add3A_456, %mul3A_490 : i32
        %add3A_492 = arith.constant 48 : i32
        %add3A_493 = arith.addi %mul3A_491, %add3A_492 : i32
        %get3A_494 = arith.index_cast %add3A_493 : i32 to index
        %get3A_495 = tpu.vector_load %arg11[%get3A_494] {strides = array<i32>} : memref<4000xi32, #tpu.memory_space<vmem>>, vector<16xi32>,
        %get3A_496 = vector.shape_cast %get3A_495 : vector<16xi32> to vector<16xi32>
        %swap3A_497 = arith.constant 48 : index
        %swap3A_498 = tpu.vector_load %arg15[%swap3A_497] {strides = array<i32>} : memref<80xi32, #tpu.memory_space<vmem>>, vector<16xi32>,
        %swap3A_499 = vector.shape_cast %swap3A_498 : vector<16xi32> to vector<16xi32>
        %swap3A_500 = vector.shape_cast %get3A_496 : vector<16xi32> to vector<16xi32>
        tpu.vector_store %arg15[%swap3A_497], %swap3A_500 {strides = array<i32>} : memref<80xi32, #tpu.memory_space<vmem>>, vector<16xi32>,
        %mul3A_501 = arith.constant 80 : i32
        %mul3A_502 = arith.muli %add3A_456, %mul3A_501 : i32
        %add3A_503 = arith.constant 64 : i32
        %add3A_504 = arith.addi %mul3A_502, %add3A_503 : i32
        %get3A_505 = arith.index_cast %add3A_504 : i32 to index
        %get3A_506 = tpu.vector_load %arg11[%get3A_505] {strides = array<i32>} : memref<4000xi32, #tpu.memory_space<vmem>>, vector<16xi32>,
        %get3A_507 = vector.shape_cast %get3A_506 : vector<16xi32> to vector<16xi32>
        %swap3A_508 = arith.constant 64 : index
        %swap3A_509 = tpu.vector_load %arg15[%swap3A_508] {strides = array<i32>} : memref<80xi32, #tpu.memory_space<vmem>>, vector<16xi32>,
        %swap3A_510 = vector.shape_cast %swap3A_509 : vector<16xi32> to vector<16xi32>
        %swap3A_511 = vector.shape_cast %get3A_507 : vector<16xi32> to vector<16xi32>
        tpu.vector_store %arg15[%swap3A_508], %swap3A_511 {strides = array<i32>} : memref<80xi32, #tpu.memory_space<vmem>>, vector<16xi32>,
        %dma_start3A_512 = arith.constant 1 : i32
        %dma_start3A_513 = arith.constant 0 : i32
        %dma_start3A_514 = arith.constant 0 : i32
        %dma_start3A_515 = tpu.memref_slice %arg16[%dma_start3A_512, %dma_start3A_513, %dma_start3A_514] : memref<2x80x64xbf16, #tpu.memory_space<vmem>> -> memref<1x80x64xbf16, #tpu.memory_space<vmem>>
        %dma_start3A_516 = tpu.memref_squeeze %dma_start3A_515 : memref<1x80x64xbf16, #tpu.memory_space<vmem>> -> memref<80x64xbf16, #tpu.memory_space<vmem>>
        %dma_start3A_517 = arith.constant 0 : i32
        %dma_start3A_518 = arith.constant 0 : i32
        %dma_start3A_519 = tpu.memref_slice %arg20[%dma_start3A_517, %dma_start3A_518] : memref<20096x64xbf16, #tpu.memory_space<vmem_shared>> -> memref<20096x64xbf16, #tpu.memory_space<vmem_shared>>
        tpu.enqueue_indirect_dma source(%dma_start3A_516 : memref<80x64xbf16, #tpu.memory_space<vmem>>) target(%dma_start3A_519 : memref<20096x64xbf16, #tpu.memory_space<vmem_shared>>) offsets(%arg15 : memref<80xi32, #tpu.memory_space<vmem>>) semaphore(%arg25 : memref<!tpu.dma_semaphore, #tpu.memory_space<semaphore_mem>>) {add = true}
        %dma_start3A_520 = arith.constant 0 : i32
        %dma_start3A_521 = tpu.memref_slice %arg21[%dma_start3A_520] : memref<20096xf32, #tpu.memory_space<vmem_shared>> -> memref<20096xf32, #tpu.memory_space<vmem_shared>>
        tpu.enqueue_indirect_dma source(%arg17 : memref<80xf32, #tpu.memory_space<vmem>>) target(%dma_start3A_521 : memref<20096xf32, #tpu.memory_space<vmem_shared>>) offsets(%arg15 : memref<80xi32, #tpu.memory_space<vmem>>) semaphore(%arg27 : memref<!tpu.dma_semaphore, #tpu.memory_space<semaphore_mem>>) {add = true}
        %dma_wait3A_522 = arith.constant 0 : i32
        %dma_wait3A_523 = arith.constant 0 : i32
        %dma_wait3A_524 = arith.constant 0 : i32
        %dma_wait3A_525 = tpu.memref_slice %arg16[%dma_wait3A_522, %dma_wait3A_523, %dma_wait3A_524] : memref<2x80x64xbf16, #tpu.memory_space<vmem>> -> memref<1x80x64xbf16, #tpu.memory_space<vmem>>
        %dma_wait3A_526 = tpu.memref_squeeze %dma_wait3A_525 : memref<1x80x64xbf16, #tpu.memory_space<vmem>> -> memref<80x64xbf16, #tpu.memory_space<vmem>>
        %dma_wait3A_527 = arith.constant 0 : i32
        %dma_wait3A_528 = arith.constant 0 : i32
        %dma_wait3A_529 = tpu.memref_slice %arg20[%dma_wait3A_527, %dma_wait3A_528] : memref<20096x64xbf16, #tpu.memory_space<vmem_shared>> -> memref<20096x64xbf16, #tpu.memory_space<vmem_shared>>
        tpu.wait_indirect_dma semaphore(%arg24 : memref<!tpu.dma_semaphore, #tpu.memory_space<semaphore_mem>>) src(%dma_wait3A_526 : memref<80x64xbf16, #tpu.memory_space<vmem>>) dst(%dma_wait3A_529 : memref<20096x64xbf16, #tpu.memory_space<vmem_shared>>)
        %dma_wait3A_530 = arith.constant 0 : i32
        %dma_wait3A_531 = tpu.memref_slice %arg21[%dma_wait3A_530] : memref<20096xf32, #tpu.memory_space<vmem_shared>> -> memref<20096xf32, #tpu.memory_space<vmem_shared>>
        tpu.wait_indirect_dma semaphore(%arg26 : memref<!tpu.dma_semaphore, #tpu.memory_space<semaphore_mem>>) src(%arg17 : memref<80xf32, #tpu.memory_space<vmem>>) dst(%dma_wait3A_531 : memref<20096xf32, #tpu.memory_space<vmem_shared>>)
        %add3A_532 = arith.constant 1 : i32
        %add3A_533 = arith.addi %scan3A_292, %add3A_532 : i32
        %lt3A_534 = arith.constant 25 : i32
        %lt3A_535 = arith.cmpi slt, %add3A_533, %lt3A_534 : i32
        %convert_element_type3A_536 = arith.extui %lt3A_535 : i1 to i32
        %cond3A_537 = arith.constant 0 : i32
        %cond3A_538 = arith.cmpi ne, %convert_element_type3A_536, %cond3A_537 : i32
        scf.if %cond3A_538 {
          %add3A_539 = arith.constant 2 : i32
          %add3A_540 = arith.addi %mul3A_294, %add3A_539 : i32
          %mul3A_541 = arith.constant 80 : i32
          %mul3A_542 = arith.muli %add3A_540, %mul3A_541 : i32
          %add3A_543 = arith.constant 0 : i32
          %add3A_544 = arith.addi %mul3A_542, %add3A_543 : i32
          %get3A_545 = arith.index_cast %add3A_544 : i32 to index
          %get3A_546 = tpu.vector_load %arg10[%get3A_545] {strides = array<i32>} : memref<4000xi32, #tpu.memory_space<vmem>>, vector<16xi32>,
          %get3A_547 = vector.shape_cast %get3A_546 : vector<16xi32> to vector<16xi32>
          %add3A_548 = vector.broadcast %mul3A_63 : i32 to vector<16xi32>
          %add3A_549 = arith.addi %get3A_547, %add3A_548 : vector<16xi32>
          %swap3A_550 = arith.constant 0 : index
          %swap3A_551 = tpu.vector_load %arg12[%swap3A_550] {strides = array<i32>} : memref<80xi32, #tpu.memory_space<vmem>>, vector<16xi32>,
          %swap3A_552 = vector.shape_cast %swap3A_551 : vector<16xi32> to vector<16xi32>
          %swap3A_553 = vector.shape_cast %add3A_549 : vector<16xi32> to vector<16xi32>
          tpu.vector_store %arg12[%swap3A_550], %swap3A_553 {strides = array<i32>} : memref<80xi32, #tpu.memory_space<vmem>>, vector<16xi32>,
          %mul3A_554 = arith.constant 80 : i32
          %mul3A_555 = arith.muli %add3A_540, %mul3A_554 : i32
          %add3A_556 = arith.constant 16 : i32
          %add3A_557 = arith.addi %mul3A_555, %add3A_556 : i32
          %get3A_558 = arith.index_cast %add3A_557 : i32 to index
          %get3A_559 = tpu.vector_load %arg10[%get3A_558] {strides = array<i32>} : memref<4000xi32, #tpu.memory_space<vmem>>, vector<16xi32>,
          %get3A_560 = vector.shape_cast %get3A_559 : vector<16xi32> to vector<16xi32>
          %add3A_561 = vector.broadcast %mul3A_63 : i32 to vector<16xi32>
          %add3A_562 = arith.addi %get3A_560, %add3A_561 : vector<16xi32>
          %swap3A_563 = arith.constant 16 : index
          %swap3A_564 = tpu.vector_load %arg12[%swap3A_563] {strides = array<i32>} : memref<80xi32, #tpu.memory_space<vmem>>, vector<16xi32>,
          %swap3A_565 = vector.shape_cast %swap3A_564 : vector<16xi32> to vector<16xi32>
          %swap3A_566 = vector.shape_cast %add3A_562 : vector<16xi32> to vector<16xi32>
          tpu.vector_store %arg12[%swap3A_563], %swap3A_566 {strides = array<i32>} : memref<80xi32, #tpu.memory_space<vmem>>, vector<16xi32>,
          %mul3A_567 = arith.constant 80 : i32
          %mul3A_568 = arith.muli %add3A_540, %mul3A_567 : i32
          %add3A_569 = arith.constant 32 : i32
          %add3A_570 = arith.addi %mul3A_568, %add3A_569 : i32
          %get3A_571 = arith.index_cast %add3A_570 : i32 to index
          %get3A_572 = tpu.vector_load %arg10[%get3A_571] {strides = array<i32>} : memref<4000xi32, #tpu.memory_space<vmem>>, vector<16xi32>,
          %get3A_573 = vector.shape_cast %get3A_572 : vector<16xi32> to vector<16xi32>
          %add3A_574 = vector.broadcast %mul3A_63 : i32 to vector<16xi32>
          %add3A_575 = arith.addi %get3A_573, %add3A_574 : vector<16xi32>
          %swap3A_576 = arith.constant 32 : index
          %swap3A_577 = tpu.vector_load %arg12[%swap3A_576] {strides = array<i32>} : memref<80xi32, #tpu.memory_space<vmem>>, vector<16xi32>,
          %swap3A_578 = vector.shape_cast %swap3A_577 : vector<16xi32> to vector<16xi32>
          %swap3A_579 = vector.shape_cast %add3A_575 : vector<16xi32> to vector<16xi32>
          tpu.vector_store %arg12[%swap3A_576], %swap3A_579 {strides = array<i32>} : memref<80xi32, #tpu.memory_space<vmem>>, vector<16xi32>,
          %mul3A_580 = arith.constant 80 : i32
          %mul3A_581 = arith.muli %add3A_540, %mul3A_580 : i32
          %add3A_582 = arith.constant 48 : i32
          %add3A_583 = arith.addi %mul3A_581, %add3A_582 : i32
          %get3A_584 = arith.index_cast %add3A_583 : i32 to index
          %get3A_585 = tpu.vector_load %arg10[%get3A_584] {strides = array<i32>} : memref<4000xi32, #tpu.memory_space<vmem>>, vector<16xi32>,
          %get3A_586 = vector.shape_cast %get3A_585 : vector<16xi32> to vector<16xi32>
          %add3A_587 = vector.broadcast %mul3A_63 : i32 to vector<16xi32>
          %add3A_588 = arith.addi %get3A_586, %add3A_587 : vector<16xi32>
          %swap3A_589 = arith.constant 48 : index
          %swap3A_590 = tpu.vector_load %arg12[%swap3A_589] {strides = array<i32>} : memref<80xi32, #tpu.memory_space<vmem>>, vector<16xi32>,
          %swap3A_591 = vector.shape_cast %swap3A_590 : vector<16xi32> to vector<16xi32>
          %swap3A_592 = vector.shape_cast %add3A_588 : vector<16xi32> to vector<16xi32>
          tpu.vector_store %arg12[%swap3A_589], %swap3A_592 {strides = array<i32>} : memref<80xi32, #tpu.memory_space<vmem>>, vector<16xi32>,
          %mul3A_593 = arith.constant 80 : i32
          %mul3A_594 = arith.muli %add3A_540, %mul3A_593 : i32
          %add3A_595 = arith.constant 64 : i32
          %add3A_596 = arith.addi %mul3A_594, %add3A_595 : i32
          %get3A_597 = arith.index_cast %add3A_596 : i32 to index
          %get3A_598 = tpu.vector_load %arg10[%get3A_597] {strides = array<i32>} : memref<4000xi32, #tpu.memory_space<vmem>>, vector<16xi32>,
          %get3A_599 = vector.shape_cast %get3A_598 : vector<16xi32> to vector<16xi32>
          %add3A_600 = vector.broadcast %mul3A_63 : i32 to vector<16xi32>
          %add3A_601 = arith.addi %get3A_599, %add3A_600 : vector<16xi32>
          %swap3A_602 = arith.constant 64 : index
          %swap3A_603 = tpu.vector_load %arg12[%swap3A_602] {strides = array<i32>} : memref<80xi32, #tpu.memory_space<vmem>>, vector<16xi32>,
          %swap3A_604 = vector.shape_cast %swap3A_603 : vector<16xi32> to vector<16xi32>
          %swap3A_605 = vector.shape_cast %add3A_601 : vector<16xi32> to vector<16xi32>
          tpu.vector_store %arg12[%swap3A_602], %swap3A_605 {strides = array<i32>} : memref<80xi32, #tpu.memory_space<vmem>>, vector<16xi32>,
          %dma_start3A_606 = arith.constant 0 : i32
          %dma_start3A_607 = arith.constant 0 : i32
          %dma_start3A_608 = arith.constant 0 : i32
          %dma_start3A_609 = tpu.memref_slice %arg16[%dma_start3A_606, %dma_start3A_607, %dma_start3A_608] : memref<2x80x64xbf16, #tpu.memory_space<vmem>> -> memref<1x80x64xbf16, #tpu.memory_space<vmem>>
          %dma_start3A_610 = tpu.memref_squeeze %dma_start3A_609 : memref<1x80x64xbf16, #tpu.memory_space<vmem>> -> memref<80x64xbf16, #tpu.memory_space<vmem>>
          %dma_start3A_611 = arith.constant 0 : i32
          %dma_start3A_612 = arith.constant 0 : i32
          %dma_start3A_613 = tpu.memref_slice %arg2[%dma_start3A_611, %dma_start3A_612] : memref<40000x64xbf16, #tpu.memory_space<hbm>> -> memref<40000x64xbf16, #tpu.memory_space<hbm>>
          tpu.enqueue_indirect_dma source(%dma_start3A_613 : memref<40000x64xbf16, #tpu.memory_space<hbm>>) target(%dma_start3A_610 : memref<80x64xbf16, #tpu.memory_space<vmem>>) offsets(%arg12 : memref<80xi32, #tpu.memory_space<vmem>>) semaphore(%arg22 : memref<!tpu.dma_semaphore, #tpu.memory_space<semaphore_mem>>)
        } else {
        }
      }
      %scan3A_281 = arith.constant 25 : i32
      %dma_wait3A_282 = arith.constant 1 : i32
      %dma_wait3A_283 = arith.constant 0 : i32
      %dma_wait3A_284 = arith.constant 0 : i32
      %dma_wait3A_285 = tpu.memref_slice %arg16[%dma_wait3A_282, %dma_wait3A_283, %dma_wait3A_284] : memref<2x80x64xbf16, #tpu.memory_space<vmem>> -> memref<1x80x64xbf16, #tpu.memory_space<vmem>>
      %dma_wait3A_286 = tpu.memref_squeeze %dma_wait3A_285 : memref<1x80x64xbf16, #tpu.memory_space<vmem>> -> memref<80x64xbf16, #tpu.memory_space<vmem>>
      %dma_wait3A_287 = arith.constant 0 : i32
      %dma_wait3A_288 = arith.constant 0 : i32
      %dma_wait3A_289 = tpu.memref_slice %arg20[%dma_wait3A_287, %dma_wait3A_288] : memref<20096x64xbf16, #tpu.memory_space<vmem_shared>> -> memref<20096x64xbf16, #tpu.memory_space<vmem_shared>>
      tpu.wait_indirect_dma semaphore(%arg25 : memref<!tpu.dma_semaphore, #tpu.memory_space<semaphore_mem>>) src(%dma_wait3A_286 : memref<80x64xbf16, #tpu.memory_space<vmem>>) dst(%dma_wait3A_289 : memref<20096x64xbf16, #tpu.memory_space<vmem_shared>>)
      %dma_wait3A_290 = arith.constant 0 : i32
      %dma_wait3A_291 = tpu.memref_slice %arg21[%dma_wait3A_290] : memref<20096xf32, #tpu.memory_space<vmem_shared>> -> memref<20096xf32, #tpu.memory_space<vmem_shared>>
      tpu.wait_indirect_dma semaphore(%arg27 : memref<!tpu.dma_semaphore, #tpu.memory_space<semaphore_mem>>) src(%arg17 : memref<80xf32, #tpu.memory_space<vmem>>) dst(%dma_wait3A_291 : memref<20096xf32, #tpu.memory_space<vmem_shared>>)
    }
    %scan3A_69 = arith.constant 5 : i32
    %mul3A_70 = arith.constant 10000 : i32
    %mul3A_71 = arith.muli %arg0, %mul3A_70 : i32
    %scan3A_72 = arith.constant 0 : i32
    %scan3A_73 = arith.constant 0 : i32
    %mul3A_74 = arith.constant 4000 : i32
    %mul3A_75 = arith.muli %arg1, %mul3A_74 : i32
    %mul3A_76 = arith.constant 4000 : i32
    %mul3A_77 = arith.muli %scan3A_73, %mul3A_76 : i32
    %add3A_78 = arith.addi %mul3A_75, %mul3A_77 : i32
    "tpu.region"() ({
      %run_scoped3A = tpu.sem_alloc : memref<!tpu.dma_semaphore, #tpu.memory_space<semaphore_mem>>
      %dma_start3A_217 = tpu.memref_slice %arg6[%add3A_78] : memref<64000xi32, #tpu.memory_space<hbm>> -> memref<4000xi32, #tpu.memory_space<hbm>>
      %dma_start3A_218 = tpu.memref_slice %arg6[%add3A_78] : memref<64000xi32, #tpu.memory_space<hbm>> -> memref<4000xi32, #tpu.memory_space<hbm>>
      tpu.enqueue_dma source(%dma_start3A_218 : memref<4000xi32, #tpu.memory_space<hbm>>) target(%arg10 : memref<4000xi32, #tpu.memory_space<vmem>>) target_semaphore(%run_scoped3A : memref<!tpu.dma_semaphore, #tpu.memory_space<semaphore_mem>>)
      %dma_wait3A_219 = tpu.memref_slice %arg6[%add3A_78] : memref<64000xi32, #tpu.memory_space<hbm>> -> memref<4000xi32, #tpu.memory_space<hbm>>
      %dma_wait3A_220 = tpu.memref_slice %arg6[%add3A_78] : memref<64000xi32, #tpu.memory_space<hbm>> -> memref<4000xi32, #tpu.memory_space<hbm>>
      tpu.wait_dma2 semaphore(%run_scoped3A : memref<!tpu.dma_semaphore, #tpu.memory_space<semaphore_mem>>) src(%dma_wait3A_220 : memref<4000xi32, #tpu.memory_space<hbm>>) dst(%arg10 : memref<4000xi32, #tpu.memory_space<vmem>>)
      tpu.yield
    }) : () -> ()
    "tpu.region"() ({
      %run_scoped3A = tpu.sem_alloc : memref<!tpu.dma_semaphore, #tpu.memory_space<semaphore_mem>>
      %dma_start3A_217 = tpu.memref_slice %arg7[%add3A_78] : memref<64000xi32, #tpu.memory_space<hbm>> -> memref<4000xi32, #tpu.memory_space<hbm>>
      %dma_start3A_218 = tpu.memref_slice %arg7[%add3A_78] : memref<64000xi32, #tpu.memory_space<hbm>> -> memref<4000xi32, #tpu.memory_space<hbm>>
      tpu.enqueue_dma source(%dma_start3A_218 : memref<4000xi32, #tpu.memory_space<hbm>>) target(%arg11 : memref<4000xi32, #tpu.memory_space<vmem>>) target_semaphore(%run_scoped3A : memref<!tpu.dma_semaphore, #tpu.memory_space<semaphore_mem>>)
      %dma_wait3A_219 = tpu.memref_slice %arg7[%add3A_78] : memref<64000xi32, #tpu.memory_space<hbm>> -> memref<4000xi32, #tpu.memory_space<hbm>>
      %dma_wait3A_220 = tpu.memref_slice %arg7[%add3A_78] : memref<64000xi32, #tpu.memory_space<hbm>> -> memref<4000xi32, #tpu.memory_space<hbm>>
      tpu.wait_dma2 semaphore(%run_scoped3A : memref<!tpu.dma_semaphore, #tpu.memory_space<semaphore_mem>>) src(%dma_wait3A_220 : memref<4000xi32, #tpu.memory_space<hbm>>) dst(%arg11 : memref<4000xi32, #tpu.memory_space<vmem>>)
      tpu.yield
    }) : () -> ()
    %get3A = arith.constant 0 : index
    %get3A_79 = tpu.vector_load %arg10[%get3A] {strides = array<i32>} : memref<4000xi32, #tpu.memory_space<vmem>>, vector<16xi32>,
    %get3A_80 = vector.shape_cast %get3A_79 : vector<16xi32> to vector<16xi32>
    %ge3A = arith.constant 10000 : i32
    %ge3A_81 = vector.broadcast %ge3A : i32 to vector<16xi32>
    %ge3A_82 = arith.cmpi sge, %get3A_80, %ge3A_81 : vector<16xi32>
    %lt3A = arith.constant 20000 : i32
    %lt3A_83 = vector.broadcast %lt3A : i32 to vector<16xi32>
    %lt3A_84 = arith.cmpi slt, %get3A_80, %lt3A_83 : vector<16xi32>
    %and3A = arith.andi %ge3A_82, %lt3A_84 : vector<16xi1>
    %sub3A = arith.constant 10000 : i32
    %sub3A_85 = vector.broadcast %sub3A : i32 to vector<16xi32>
    %sub3A_86 = arith.subi %get3A_80, %sub3A_85 : vector<16xi32>
    %jit3A = arith.constant 0 : i32
    %broadcast_in_dim3A_87 = vector.broadcast %jit3A : i32 to vector<16xi32>
    %select_n3A = arith.select %and3A, %sub3A_86, %broadcast_in_dim3A_87 : vector<16xi1>, vector<16xi32>
    %add3A_88 = vector.broadcast %mul3A_71 : i32 to vector<16xi32>
    %add3A_89 = arith.addi %select_n3A, %add3A_88 : vector<16xi32>
    %swap3A = arith.constant 0 : index
    %swap3A_90 = tpu.vector_load %arg12[%swap3A] {strides = array<i32>} : memref<80xi32, #tpu.memory_space<vmem>>, vector<16xi32>,
    %swap3A_91 = vector.shape_cast %swap3A_90 : vector<16xi32> to vector<16xi32>
    %swap3A_92 = vector.shape_cast %add3A_89 : vector<16xi32> to vector<16xi32>
    tpu.vector_store %arg12[%swap3A], %swap3A_92 {strides = array<i32>} : memref<80xi32, #tpu.memory_space<vmem>>, vector<16xi32>,
    %get3A_93 = arith.constant 16 : index
    %get3A_94 = tpu.vector_load %arg10[%get3A_93] {strides = array<i32>} : memref<4000xi32, #tpu.memory_space<vmem>>, vector<16xi32>,
    %get3A_95 = vector.shape_cast %get3A_94 : vector<16xi32> to vector<16xi32>
    %ge3A_96 = arith.constant 10000 : i32
    %ge3A_97 = vector.broadcast %ge3A_96 : i32 to vector<16xi32>
    %ge3A_98 = arith.cmpi sge, %get3A_95, %ge3A_97 : vector<16xi32>
    %lt3A_99 = arith.constant 20000 : i32
    %lt3A_100 = vector.broadcast %lt3A_99 : i32 to vector<16xi32>
    %lt3A_101 = arith.cmpi slt, %get3A_95, %lt3A_100 : vector<16xi32>
    %and3A_102 = arith.andi %ge3A_98, %lt3A_101 : vector<16xi1>
    %sub3A_103 = arith.constant 10000 : i32
    %sub3A_104 = vector.broadcast %sub3A_103 : i32 to vector<16xi32>
    %sub3A_105 = arith.subi %get3A_95, %sub3A_104 : vector<16xi32>
    %jit3A_106 = arith.constant 0 : i32
    %broadcast_in_dim3A_107 = vector.broadcast %jit3A_106 : i32 to vector<16xi32>
    %select_n3A_108 = arith.select %and3A_102, %sub3A_105, %broadcast_in_dim3A_107 : vector<16xi1>, vector<16xi32>
    %add3A_109 = vector.broadcast %mul3A_71 : i32 to vector<16xi32>
    %add3A_110 = arith.addi %select_n3A_108, %add3A_109 : vector<16xi32>
    %swap3A_111 = arith.constant 16 : index
    %swap3A_112 = tpu.vector_load %arg12[%swap3A_111] {strides = array<i32>} : memref<80xi32, #tpu.memory_space<vmem>>, vector<16xi32>,
    %swap3A_113 = vector.shape_cast %swap3A_112 : vector<16xi32> to vector<16xi32>
    %swap3A_114 = vector.shape_cast %add3A_110 : vector<16xi32> to vector<16xi32>
    tpu.vector_store %arg12[%swap3A_111], %swap3A_114 {strides = array<i32>} : memref<80xi32, #tpu.memory_space<vmem>>, vector<16xi32>,
    %get3A_115 = arith.constant 32 : index
    %get3A_116 = tpu.vector_load %arg10[%get3A_115] {strides = array<i32>} : memref<4000xi32, #tpu.memory_space<vmem>>, vector<16xi32>,
    %get3A_117 = vector.shape_cast %get3A_116 : vector<16xi32> to vector<16xi32>
    %ge3A_118 = arith.constant 10000 : i32
    %ge3A_119 = vector.broadcast %ge3A_118 : i32 to vector<16xi32>
    %ge3A_120 = arith.cmpi sge, %get3A_117, %ge3A_119 : vector<16xi32>
    %lt3A_121 = arith.constant 20000 : i32
    %lt3A_122 = vector.broadcast %lt3A_121 : i32 to vector<16xi32>
    %lt3A_123 = arith.cmpi slt, %get3A_117, %lt3A_122 : vector<16xi32>
    %and3A_124 = arith.andi %ge3A_120, %lt3A_123 : vector<16xi1>
    %sub3A_125 = arith.constant 10000 : i32
    %sub3A_126 = vector.broadcast %sub3A_125 : i32 to vector<16xi32>
    %sub3A_127 = arith.subi %get3A_117, %sub3A_126 : vector<16xi32>
    %jit3A_128 = arith.constant 0 : i32
    %broadcast_in_dim3A_129 = vector.broadcast %jit3A_128 : i32 to vector<16xi32>
    %select_n3A_130 = arith.select %and3A_124, %sub3A_127, %broadcast_in_dim3A_129 : vector<16xi1>, vector<16xi32>
    %add3A_131 = vector.broadcast %mul3A_71 : i32 to vector<16xi32>
    %add3A_132 = arith.addi %select_n3A_130, %add3A_131 : vector<16xi32>
    %swap3A_133 = arith.constant 32 : index
    %swap3A_134 = tpu.vector_load %arg12[%swap3A_133] {strides = array<i32>} : memref<80xi32, #tpu.memory_space<vmem>>, vector<16xi32>,
    %swap3A_135 = vector.shape_cast %swap3A_134 : vector<16xi32> to vector<16xi32>
    %swap3A_136 = vector.shape_cast %add3A_132 : vector<16xi32> to vector<16xi32>
    tpu.vector_store %arg12[%swap3A_133], %swap3A_136 {strides = array<i32>} : memref<80xi32, #tpu.memory_space<vmem>>, vector<16xi32>,
    %get3A_137 = arith.constant 48 : index
    %get3A_138 = tpu.vector_load %arg10[%get3A_137] {strides = array<i32>} : memref<4000xi32, #tpu.memory_space<vmem>>, vector<16xi32>,
    %get3A_139 = vector.shape_cast %get3A_138 : vector<16xi32> to vector<16xi32>
    %ge3A_140 = arith.constant 10000 : i32
    %ge3A_141 = vector.broadcast %ge3A_140 : i32 to vector<16xi32>
    %ge3A_142 = arith.cmpi sge, %get3A_139, %ge3A_141 : vector<16xi32>
    %lt3A_143 = arith.constant 20000 : i32
    %lt3A_144 = vector.broadcast %lt3A_143 : i32 to vector<16xi32>
    %lt3A_145 = arith.cmpi slt, %get3A_139, %lt3A_144 : vector<16xi32>
    %and3A_146 = arith.andi %ge3A_142, %lt3A_145 : vector<16xi1>
    %sub3A_147 = arith.constant 10000 : i32
    %sub3A_148 = vector.broadcast %sub3A_147 : i32 to vector<16xi32>
    %sub3A_149 = arith.subi %get3A_139, %sub3A_148 : vector<16xi32>
    %jit3A_150 = arith.constant 0 : i32
    %broadcast_in_dim3A_151 = vector.broadcast %jit3A_150 : i32 to vector<16xi32>
    %select_n3A_152 = arith.select %and3A_146, %sub3A_149, %broadcast_in_dim3A_151 : vector<16xi1>, vector<16xi32>
    %add3A_153 = vector.broadcast %mul3A_71 : i32 to vector<16xi32>
    %add3A_154 = arith.addi %select_n3A_152, %add3A_153 : vector<16xi32>
    %swap3A_155 = arith.constant 48 : index
    %swap3A_156 = tpu.vector_load %arg12[%swap3A_155] {strides = array<i32>} : memref<80xi32, #tpu.memory_space<vmem>>, vector<16xi32>,
    %swap3A_157 = vector.shape_cast %swap3A_156 : vector<16xi32> to vector<16xi32>
    %swap3A_158 = vector.shape_cast %add3A_154 : vector<16xi32> to vector<16xi32>
    tpu.vector_store %arg12[%swap3A_155], %swap3A_158 {strides = array<i32>} : memref<80xi32, #tpu.memory_space<vmem>>, vector<16xi32>,
    %get3A_159 = arith.constant 64 : index
    %get3A_160 = tpu.vector_load %arg10[%get3A_159] {strides = array<i32>} : memref<4000xi32, #tpu.memory_space<vmem>>, vector<16xi32>,
    %get3A_161 = vector.shape_cast %get3A_160 : vector<16xi32> to vector<16xi32>
    %ge3A_162 = arith.constant 10000 : i32
    %ge3A_163 = vector.broadcast %ge3A_162 : i32 to vector<16xi32>
    %ge3A_164 = arith.cmpi sge, %get3A_161, %ge3A_163 : vector<16xi32>
    %lt3A_165 = arith.constant 20000 : i32
    %lt3A_166 = vector.broadcast %lt3A_165 : i32 to vector<16xi32>
    %lt3A_167 = arith.cmpi slt, %get3A_161, %lt3A_166 : vector<16xi32>
    %and3A_168 = arith.andi %ge3A_164, %lt3A_167 : vector<16xi1>
    %sub3A_169 = arith.constant 10000 : i32
    %sub3A_170 = vector.broadcast %sub3A_169 : i32 to vector<16xi32>
    %sub3A_171 = arith.subi %get3A_161, %sub3A_170 : vector<16xi32>
    %jit3A_172 = arith.constant 0 : i32
    %broadcast_in_dim3A_173 = vector.broadcast %jit3A_172 : i32 to vector<16xi32>
    %select_n3A_174 = arith.select %and3A_168, %sub3A_171, %broadcast_in_dim3A_173 : vector<16xi1>, vector<16xi32>
    %add3A_175 = vector.broadcast %mul3A_71 : i32 to vector<16xi32>
    %add3A_176 = arith.addi %select_n3A_174, %add3A_175 : vector<16xi32>
    %swap3A_177 = arith.constant 64 : index
    %swap3A_178 = tpu.vector_load %arg12[%swap3A_177] {strides = array<i32>} : memref<80xi32, #tpu.memory_space<vmem>>, vector<16xi32>,
    %swap3A_179 = vector.shape_cast %swap3A_178 : vector<16xi32> to vector<16xi32>
    %swap3A_180 = vector.shape_cast %add3A_176 : vector<16xi32> to vector<16xi32>
    tpu.vector_store %arg12[%swap3A_177], %swap3A_180 {strides = array<i32>} : memref<80xi32, #tpu.memory_space<vmem>>, vector<16xi32>,
    %dma_start3A = arith.constant 0 : i32
    %dma_start3A_181 = arith.constant 0 : i32
    %dma_start3A_182 = arith.constant 0 : i32
    %dma_start3A_183 = tpu.memref_slice %arg16[%dma_start3A, %dma_start3A_181, %dma_start3A_182] : memref<2x80x64xbf16, #tpu.memory_space<vmem>> -> memref<1x80x64xbf16, #tpu.memory_space<vmem>>
    %dma_start3A_184 = tpu.memref_squeeze %dma_start3A_183 : memref<1x80x64xbf16, #tpu.memory_space<vmem>> -> memref<80x64xbf16, #tpu.memory_space<vmem>>
    %dma_start3A_185 = arith.constant 0 : i32
    %dma_start3A_186 = arith.constant 0 : i32
    %dma_start3A_187 = tpu.memref_slice %arg3[%dma_start3A_185, %dma_start3A_186] : memref<20000x64xbf16, #tpu.memory_space<hbm>> -> memref<20000x64xbf16, #tpu.memory_space<hbm>>
    tpu.enqueue_indirect_dma source(%dma_start3A_187 : memref<20000x64xbf16, #tpu.memory_space<hbm>>) target(%dma_start3A_184 : memref<80x64xbf16, #tpu.memory_space<vmem>>) offsets(%arg12 : memref<80xi32, #tpu.memory_space<vmem>>) semaphore(%arg22 : memref<!tpu.dma_semaphore, #tpu.memory_space<semaphore_mem>>)
    %scan3A_188 = arith.constant 0 : i32
    %scan3A_189 = arith.constant 0 : i32
    %scan3A_190 = arith.constant 25 : i32
    %scan3A_191 = arith.addi %scan3A_189, %scan3A_190 : i32
    %scan3A_192 = arith.constant 1 : i32
    scf.for %scan3A_217 = %scan3A_189 to %scan3A_191 step %scan3A_192  : i32 {
      %mul3A_218 = arith.constant 2 : i32
      %mul3A_219 = arith.muli %mul3A_218, %scan3A_217 : i32
      %dma_wait3A_220 = arith.constant 0 : i32
      %dma_wait3A_221 = arith.constant 0 : i32
      %dma_wait3A_222 = arith.constant 0 : i32
      %dma_wait3A_223 = tpu.memref_slice %arg16[%dma_wait3A_220, %dma_wait3A_221, %dma_wait3A_222] : memref<2x80x64xbf16, #tpu.memory_space<vmem>> -> memref<1x80x64xbf16, #tpu.memory_space<vmem>>
      %dma_wait3A_224 = tpu.memref_squeeze %dma_wait3A_223 : memref<1x80x64xbf16, #tpu.memory_space<vmem>> -> memref<80x64xbf16, #tpu.memory_space<vmem>>
      %dma_wait3A_225 = arith.constant 0 : i32
      %dma_wait3A_226 = arith.constant 0 : i32
      %dma_wait3A_227 = tpu.memref_slice %arg3[%dma_wait3A_225, %dma_wait3A_226] : memref<20000x64xbf16, #tpu.memory_space<hbm>> -> memref<20000x64xbf16, #tpu.memory_space<hbm>>
      tpu.wait_indirect_dma semaphore(%arg22 : memref<!tpu.dma_semaphore, #tpu.memory_space<semaphore_mem>>) src(%dma_wait3A_227 : memref<20000x64xbf16, #tpu.memory_space<hbm>>) dst(%dma_wait3A_224 : memref<80x64xbf16, #tpu.memory_space<vmem>>)
      %gt3A = arith.constant 0 : i32
      %gt3A_228 = arith.cmpi sgt, %scan3A_217, %gt3A : i32
      %convert_element_type3A_229 = arith.extui %gt3A_228 : i1 to i32
      %cond3A_230 = arith.constant 0 : i32
      %cond3A_231 = arith.cmpi ne, %convert_element_type3A_229, %cond3A_230 : i32
      scf.if %cond3A_231 {
        %dma_wait3A_699 = arith.constant 1 : i32
        %dma_wait3A_700 = arith.constant 0 : i32
        %dma_wait3A_701 = arith.constant 0 : i32
        %dma_wait3A_702 = tpu.memref_slice %arg16[%dma_wait3A_699, %dma_wait3A_700, %dma_wait3A_701] : memref<2x80x64xbf16, #tpu.memory_space<vmem>> -> memref<1x80x64xbf16, #tpu.memory_space<vmem>>
        %dma_wait3A_703 = tpu.memref_squeeze %dma_wait3A_702 : memref<1x80x64xbf16, #tpu.memory_space<vmem>> -> memref<80x64xbf16, #tpu.memory_space<vmem>>
        %dma_wait3A_704 = arith.constant 0 : i32
        %dma_wait3A_705 = arith.constant 0 : i32
        %dma_wait3A_706 = tpu.memref_slice %arg20[%dma_wait3A_704, %dma_wait3A_705] : memref<20096x64xbf16, #tpu.memory_space<vmem_shared>> -> memref<20096x64xbf16, #tpu.memory_space<vmem_shared>>
        tpu.wait_indirect_dma semaphore(%arg25 : memref<!tpu.dma_semaphore, #tpu.memory_space<semaphore_mem>>) src(%dma_wait3A_703 : memref<80x64xbf16, #tpu.memory_space<vmem>>) dst(%dma_wait3A_706 : memref<20096x64xbf16, #tpu.memory_space<vmem_shared>>)
        %dma_wait3A_707 = arith.constant 0 : i32
        %dma_wait3A_708 = tpu.memref_slice %arg21[%dma_wait3A_707] : memref<20096xf32, #tpu.memory_space<vmem_shared>> -> memref<20096xf32, #tpu.memory_space<vmem_shared>>
        tpu.wait_indirect_dma semaphore(%arg27 : memref<!tpu.dma_semaphore, #tpu.memory_space<semaphore_mem>>) src(%arg17 : memref<80xf32, #tpu.memory_space<vmem>>) dst(%dma_wait3A_708 : memref<20096xf32, #tpu.memory_space<vmem_shared>>)
      } else {
      }
      %mul3A_232 = arith.constant 80 : i32
      %mul3A_233 = arith.muli %mul3A_219, %mul3A_232 : i32
      %add3A_234 = arith.constant 0 : i32
      %add3A_235 = arith.addi %mul3A_233, %add3A_234 : i32
      %get3A_236 = arith.index_cast %add3A_235 : i32 to index
      %get3A_237 = tpu.vector_load %arg11[%get3A_236] {strides = array<i32>} : memref<4000xi32, #tpu.memory_space<vmem>>, vector<16xi32>,
      %get3A_238 = vector.shape_cast %get3A_237 : vector<16xi32> to vector<16xi32>
      %mul3A_239 = arith.constant 80 : i32
      %mul3A_240 = arith.muli %mul3A_219, %mul3A_239 : i32
      %add3A_241 = arith.constant 0 : i32
      %add3A_242 = arith.addi %mul3A_240, %add3A_241 : i32
      %get3A_243 = arith.index_cast %add3A_242 : i32 to index
      %get3A_244 = tpu.vector_load %arg10[%get3A_243] {strides = array<i32>} : memref<4000xi32, #tpu.memory_space<vmem>>, vector<16xi32>,
      %get3A_245 = vector.shape_cast %get3A_244 : vector<16xi32> to vector<16xi32>
      %ge3A_246 = arith.constant 10000 : i32
      %ge3A_247 = vector.broadcast %ge3A_246 : i32 to vector<16xi32>
      %ge3A_248 = arith.cmpi sge, %get3A_245, %ge3A_247 : vector<16xi32>
      %lt3A_249 = arith.constant 20000 : i32
      %lt3A_250 = vector.broadcast %lt3A_249 : i32 to vector<16xi32>
      %lt3A_251 = arith.cmpi slt, %get3A_245, %lt3A_250 : vector<16xi32>
      %and3A_252 = arith.andi %ge3A_248, %lt3A_251 : vector<16xi1>
      %jit3A_253 = arith.constant 20000 : i32
      %broadcast_in_dim3A_254 = vector.broadcast %jit3A_253 : i32 to vector<16xi32>
      %select_n3A_255 = arith.select %and3A_252, %get3A_238, %broadcast_in_dim3A_254 : vector<16xi1>, vector<16xi32>
      %swap3A_256 = arith.constant 0 : index
      %swap3A_257 = tpu.vector_load %arg14[%swap3A_256] {strides = array<i32>} : memref<80xi32, #tpu.memory_space<vmem>>, vector<16xi32>,
      %swap3A_258 = vector.shape_cast %swap3A_257 : vector<16xi32> to vector<16xi32>
      %swap3A_259 = vector.shape_cast %select_n3A_255 : vector<16xi32> to vector<16xi32>
      tpu.vector_store %arg14[%swap3A_256], %swap3A_259 {strides = array<i32>} : memref<80xi32, #tpu.memory_space<vmem>>, vector<16xi32>,
      %mul3A_260 = arith.constant 80 : i32
      %mul3A_261 = arith.muli %mul3A_219, %mul3A_260 : i32
      %add3A_262 = arith.constant 16 : i32
      %add3A_263 = arith.addi %mul3A_261, %add3A_262 : i32
      %get3A_264 = arith.index_cast %add3A_263 : i32 to index
      %get3A_265 = tpu.vector_load %arg11[%get3A_264] {strides = array<i32>} : memref<4000xi32, #tpu.memory_space<vmem>>, vector<16xi32>,
      %get3A_266 = vector.shape_cast %get3A_265 : vector<16xi32> to vector<16xi32>
      %mul3A_267 = arith.constant 80 : i32
      %mul3A_268 = arith.muli %mul3A_219, %mul3A_267 : i32
      %add3A_269 = arith.constant 16 : i32
      %add3A_270 = arith.addi %mul3A_268, %add3A_269 : i32
      %get3A_271 = arith.index_cast %add3A_270 : i32 to index
      %get3A_272 = tpu.vector_load %arg10[%get3A_271] {strides = array<i32>} : memref<4000xi32, #tpu.memory_space<vmem>>, vector<16xi32>,
      %get3A_273 = vector.shape_cast %get3A_272 : vector<16xi32> to vector<16xi32>
      %ge3A_274 = arith.constant 10000 : i32
      %ge3A_275 = vector.broadcast %ge3A_274 : i32 to vector<16xi32>
      %ge3A_276 = arith.cmpi sge, %get3A_273, %ge3A_275 : vector<16xi32>
      %lt3A_277 = arith.constant 20000 : i32
      %lt3A_278 = vector.broadcast %lt3A_277 : i32 to vector<16xi32>
      %lt3A_279 = arith.cmpi slt, %get3A_273, %lt3A_278 : vector<16xi32>
      %and3A_280 = arith.andi %ge3A_276, %lt3A_279 : vector<16xi1>
      %jit3A_281 = arith.constant 20000 : i32
      %broadcast_in_dim3A_282 = vector.broadcast %jit3A_281 : i32 to vector<16xi32>
      %select_n3A_283 = arith.select %and3A_280, %get3A_266, %broadcast_in_dim3A_282 : vector<16xi1>, vector<16xi32>
      %swap3A_284 = arith.constant 16 : index
      %swap3A_285 = tpu.vector_load %arg14[%swap3A_284] {strides = array<i32>} : memref<80xi32, #tpu.memory_space<vmem>>, vector<16xi32>,
      %swap3A_286 = vector.shape_cast %swap3A_285 : vector<16xi32> to vector<16xi32>
      %swap3A_287 = vector.shape_cast %select_n3A_283 : vector<16xi32> to vector<16xi32>
      tpu.vector_store %arg14[%swap3A_284], %swap3A_287 {strides = array<i32>} : memref<80xi32, #tpu.memory_space<vmem>>, vector<16xi32>,
      %mul3A_288 = arith.constant 80 : i32
      %mul3A_289 = arith.muli %mul3A_219, %mul3A_288 : i32
      %add3A_290 = arith.constant 32 : i32
      %add3A_291 = arith.addi %mul3A_289, %add3A_290 : i32
      %get3A_292 = arith.index_cast %add3A_291 : i32 to index
      %get3A_293 = tpu.vector_load %arg11[%get3A_292] {strides = array<i32>} : memref<4000xi32, #tpu.memory_space<vmem>>, vector<16xi32>,
      %get3A_294 = vector.shape_cast %get3A_293 : vector<16xi32> to vector<16xi32>
      %mul3A_295 = arith.constant 80 : i32
      %mul3A_296 = arith.muli %mul3A_219, %mul3A_295 : i32
      %add3A_297 = arith.constant 32 : i32
      %add3A_298 = arith.addi %mul3A_296, %add3A_297 : i32
      %get3A_299 = arith.index_cast %add3A_298 : i32 to index
      %get3A_300 = tpu.vector_load %arg10[%get3A_299] {strides = array<i32>} : memref<4000xi32, #tpu.memory_space<vmem>>, vector<16xi32>,
      %get3A_301 = vector.shape_cast %get3A_300 : vector<16xi32> to vector<16xi32>
      %ge3A_302 = arith.constant 10000 : i32
      %ge3A_303 = vector.broadcast %ge3A_302 : i32 to vector<16xi32>
      %ge3A_304 = arith.cmpi sge, %get3A_301, %ge3A_303 : vector<16xi32>
      %lt3A_305 = arith.constant 20000 : i32
      %lt3A_306 = vector.broadcast %lt3A_305 : i32 to vector<16xi32>
      %lt3A_307 = arith.cmpi slt, %get3A_301, %lt3A_306 : vector<16xi32>
      %and3A_308 = arith.andi %ge3A_304, %lt3A_307 : vector<16xi1>
      %jit3A_309 = arith.constant 20000 : i32
      %broadcast_in_dim3A_310 = vector.broadcast %jit3A_309 : i32 to vector<16xi32>
      %select_n3A_311 = arith.select %and3A_308, %get3A_294, %broadcast_in_dim3A_310 : vector<16xi1>, vector<16xi32>
      %swap3A_312 = arith.constant 32 : index
      %swap3A_313 = tpu.vector_load %arg14[%swap3A_312] {strides = array<i32>} : memref<80xi32, #tpu.memory_space<vmem>>, vector<16xi32>,
      %swap3A_314 = vector.shape_cast %swap3A_313 : vector<16xi32> to vector<16xi32>
      %swap3A_315 = vector.shape_cast %select_n3A_311 : vector<16xi32> to vector<16xi32>
      tpu.vector_store %arg14[%swap3A_312], %swap3A_315 {strides = array<i32>} : memref<80xi32, #tpu.memory_space<vmem>>, vector<16xi32>,
      %mul3A_316 = arith.constant 80 : i32
      %mul3A_317 = arith.muli %mul3A_219, %mul3A_316 : i32
      %add3A_318 = arith.constant 48 : i32
      %add3A_319 = arith.addi %mul3A_317, %add3A_318 : i32
      %get3A_320 = arith.index_cast %add3A_319 : i32 to index
      %get3A_321 = tpu.vector_load %arg11[%get3A_320] {strides = array<i32>} : memref<4000xi32, #tpu.memory_space<vmem>>, vector<16xi32>,
      %get3A_322 = vector.shape_cast %get3A_321 : vector<16xi32> to vector<16xi32>
      %mul3A_323 = arith.constant 80 : i32
      %mul3A_324 = arith.muli %mul3A_219, %mul3A_323 : i32
      %add3A_325 = arith.constant 48 : i32
      %add3A_326 = arith.addi %mul3A_324, %add3A_325 : i32
      %get3A_327 = arith.index_cast %add3A_326 : i32 to index
      %get3A_328 = tpu.vector_load %arg10[%get3A_327] {strides = array<i32>} : memref<4000xi32, #tpu.memory_space<vmem>>, vector<16xi32>,
      %get3A_329 = vector.shape_cast %get3A_328 : vector<16xi32> to vector<16xi32>
      %ge3A_330 = arith.constant 10000 : i32
      %ge3A_331 = vector.broadcast %ge3A_330 : i32 to vector<16xi32>
      %ge3A_332 = arith.cmpi sge, %get3A_329, %ge3A_331 : vector<16xi32>
      %lt3A_333 = arith.constant 20000 : i32
      %lt3A_334 = vector.broadcast %lt3A_333 : i32 to vector<16xi32>
      %lt3A_335 = arith.cmpi slt, %get3A_329, %lt3A_334 : vector<16xi32>
      %and3A_336 = arith.andi %ge3A_332, %lt3A_335 : vector<16xi1>
      %jit3A_337 = arith.constant 20000 : i32
      %broadcast_in_dim3A_338 = vector.broadcast %jit3A_337 : i32 to vector<16xi32>
      %select_n3A_339 = arith.select %and3A_336, %get3A_322, %broadcast_in_dim3A_338 : vector<16xi1>, vector<16xi32>
      %swap3A_340 = arith.constant 48 : index
      %swap3A_341 = tpu.vector_load %arg14[%swap3A_340] {strides = array<i32>} : memref<80xi32, #tpu.memory_space<vmem>>, vector<16xi32>,
      %swap3A_342 = vector.shape_cast %swap3A_341 : vector<16xi32> to vector<16xi32>
      %swap3A_343 = vector.shape_cast %select_n3A_339 : vector<16xi32> to vector<16xi32>
      tpu.vector_store %arg14[%swap3A_340], %swap3A_343 {strides = array<i32>} : memref<80xi32, #tpu.memory_space<vmem>>, vector<16xi32>,
      %mul3A_344 = arith.constant 80 : i32
      %mul3A_345 = arith.muli %mul3A_219, %mul3A_344 : i32
      %add3A_346 = arith.constant 64 : i32
      %add3A_347 = arith.addi %mul3A_345, %add3A_346 : i32
      %get3A_348 = arith.index_cast %add3A_347 : i32 to index
      %get3A_349 = tpu.vector_load %arg11[%get3A_348] {strides = array<i32>} : memref<4000xi32, #tpu.memory_space<vmem>>, vector<16xi32>,
      %get3A_350 = vector.shape_cast %get3A_349 : vector<16xi32> to vector<16xi32>
      %mul3A_351 = arith.constant 80 : i32
      %mul3A_352 = arith.muli %mul3A_219, %mul3A_351 : i32
      %add3A_353 = arith.constant 64 : i32
      %add3A_354 = arith.addi %mul3A_352, %add3A_353 : i32
      %get3A_355 = arith.index_cast %add3A_354 : i32 to index
      %get3A_356 = tpu.vector_load %arg10[%get3A_355] {strides = array<i32>} : memref<4000xi32, #tpu.memory_space<vmem>>, vector<16xi32>,
      %get3A_357 = vector.shape_cast %get3A_356 : vector<16xi32> to vector<16xi32>
      %ge3A_358 = arith.constant 10000 : i32
      %ge3A_359 = vector.broadcast %ge3A_358 : i32 to vector<16xi32>
      %ge3A_360 = arith.cmpi sge, %get3A_357, %ge3A_359 : vector<16xi32>
      %lt3A_361 = arith.constant 20000 : i32
      %lt3A_362 = vector.broadcast %lt3A_361 : i32 to vector<16xi32>
      %lt3A_363 = arith.cmpi slt, %get3A_357, %lt3A_362 : vector<16xi32>
      %and3A_364 = arith.andi %ge3A_360, %lt3A_363 : vector<16xi1>
      %jit3A_365 = arith.constant 20000 : i32
      %broadcast_in_dim3A_366 = vector.broadcast %jit3A_365 : i32 to vector<16xi32>
      %select_n3A_367 = arith.select %and3A_364, %get3A_350, %broadcast_in_dim3A_366 : vector<16xi1>, vector<16xi32>
      %swap3A_368 = arith.constant 64 : index
      %swap3A_369 = tpu.vector_load %arg14[%swap3A_368] {strides = array<i32>} : memref<80xi32, #tpu.memory_space<vmem>>, vector<16xi32>,
      %swap3A_370 = vector.shape_cast %swap3A_369 : vector<16xi32> to vector<16xi32>
      %swap3A_371 = vector.shape_cast %select_n3A_367 : vector<16xi32> to vector<16xi32>
      tpu.vector_store %arg14[%swap3A_368], %swap3A_371 {strides = array<i32>} : memref<80xi32, #tpu.memory_space<vmem>>, vector<16xi32>,
      %dma_start3A_372 = arith.constant 0 : i32
      %dma_start3A_373 = arith.constant 0 : i32
      %dma_start3A_374 = arith.constant 0 : i32
      %dma_start3A_375 = tpu.memref_slice %arg16[%dma_start3A_372, %dma_start3A_373, %dma_start3A_374] : memref<2x80x64xbf16, #tpu.memory_space<vmem>> -> memref<1x80x64xbf16, #tpu.memory_space<vmem>>
      %dma_start3A_376 = tpu.memref_squeeze %dma_start3A_375 : memref<1x80x64xbf16, #tpu.memory_space<vmem>> -> memref<80x64xbf16, #tpu.memory_space<vmem>>
      %dma_start3A_377 = arith.constant 0 : i32
      %dma_start3A_378 = arith.constant 0 : i32
      %dma_start3A_379 = tpu.memref_slice %arg20[%dma_start3A_377, %dma_start3A_378] : memref<20096x64xbf16, #tpu.memory_space<vmem_shared>> -> memref<20096x64xbf16, #tpu.memory_space<vmem_shared>>
      tpu.enqueue_indirect_dma source(%dma_start3A_376 : memref<80x64xbf16, #tpu.memory_space<vmem>>) target(%dma_start3A_379 : memref<20096x64xbf16, #tpu.memory_space<vmem_shared>>) offsets(%arg14 : memref<80xi32, #tpu.memory_space<vmem>>) semaphore(%arg24 : memref<!tpu.dma_semaphore, #tpu.memory_space<semaphore_mem>>) {add = true}
      %dma_start3A_380 = arith.constant 0 : i32
      %dma_start3A_381 = tpu.memref_slice %arg21[%dma_start3A_380] : memref<20096xf32, #tpu.memory_space<vmem_shared>> -> memref<20096xf32, #tpu.memory_space<vmem_shared>>
      tpu.enqueue_indirect_dma source(%arg17 : memref<80xf32, #tpu.memory_space<vmem>>) target(%dma_start3A_381 : memref<20096xf32, #tpu.memory_space<vmem_shared>>) offsets(%arg14 : memref<80xi32, #tpu.memory_space<vmem>>) semaphore(%arg26 : memref<!tpu.dma_semaphore, #tpu.memory_space<semaphore_mem>>) {add = true}
      %add3A_382 = arith.constant 1 : i32
      %add3A_383 = arith.addi %mul3A_219, %add3A_382 : i32
      %mul3A_384 = arith.constant 80 : i32
      %mul3A_385 = arith.muli %add3A_383, %mul3A_384 : i32
      %add3A_386 = arith.constant 0 : i32
      %add3A_387 = arith.addi %mul3A_385, %add3A_386 : i32
      %get3A_388 = arith.index_cast %add3A_387 : i32 to index
      %get3A_389 = tpu.vector_load %arg10[%get3A_388] {strides = array<i32>} : memref<4000xi32, #tpu.memory_space<vmem>>, vector<16xi32>,
      %get3A_390 = vector.shape_cast %get3A_389 : vector<16xi32> to vector<16xi32>
      %ge3A_391 = arith.constant 10000 : i32
      %ge3A_392 = vector.broadcast %ge3A_391 : i32 to vector<16xi32>
      %ge3A_393 = arith.cmpi sge, %get3A_390, %ge3A_392 : vector<16xi32>
      %lt3A_394 = arith.constant 20000 : i32
      %lt3A_395 = vector.broadcast %lt3A_394 : i32 to vector<16xi32>
      %lt3A_396 = arith.cmpi slt, %get3A_390, %lt3A_395 : vector<16xi32>
      %and3A_397 = arith.andi %ge3A_393, %lt3A_396 : vector<16xi1>
      %sub3A_398 = arith.constant 10000 : i32
      %sub3A_399 = vector.broadcast %sub3A_398 : i32 to vector<16xi32>
      %sub3A_400 = arith.subi %get3A_390, %sub3A_399 : vector<16xi32>
      %jit3A_401 = arith.constant 0 : i32
      %broadcast_in_dim3A_402 = vector.broadcast %jit3A_401 : i32 to vector<16xi32>
      %select_n3A_403 = arith.select %and3A_397, %sub3A_400, %broadcast_in_dim3A_402 : vector<16xi1>, vector<16xi32>
      %add3A_404 = vector.broadcast %mul3A_71 : i32 to vector<16xi32>
      %add3A_405 = arith.addi %select_n3A_403, %add3A_404 : vector<16xi32>
      %swap3A_406 = arith.constant 0 : index
      %swap3A_407 = tpu.vector_load %arg13[%swap3A_406] {strides = array<i32>} : memref<80xi32, #tpu.memory_space<vmem>>, vector<16xi32>,
      %swap3A_408 = vector.shape_cast %swap3A_407 : vector<16xi32> to vector<16xi32>
      %swap3A_409 = vector.shape_cast %add3A_405 : vector<16xi32> to vector<16xi32>
      tpu.vector_store %arg13[%swap3A_406], %swap3A_409 {strides = array<i32>} : memref<80xi32, #tpu.memory_space<vmem>>, vector<16xi32>,
      %mul3A_410 = arith.constant 80 : i32
      %mul3A_411 = arith.muli %add3A_383, %mul3A_410 : i32
      %add3A_412 = arith.constant 16 : i32
      %add3A_413 = arith.addi %mul3A_411, %add3A_412 : i32
      %get3A_414 = arith.index_cast %add3A_413 : i32 to index
      %get3A_415 = tpu.vector_load %arg10[%get3A_414] {strides = array<i32>} : memref<4000xi32, #tpu.memory_space<vmem>>, vector<16xi32>,
      %get3A_416 = vector.shape_cast %get3A_415 : vector<16xi32> to vector<16xi32>
      %ge3A_417 = arith.constant 10000 : i32
      %ge3A_418 = vector.broadcast %ge3A_417 : i32 to vector<16xi32>
      %ge3A_419 = arith.cmpi sge, %get3A_416, %ge3A_418 : vector<16xi32>
      %lt3A_420 = arith.constant 20000 : i32
      %lt3A_421 = vector.broadcast %lt3A_420 : i32 to vector<16xi32>
      %lt3A_422 = arith.cmpi slt, %get3A_416, %lt3A_421 : vector<16xi32>
      %and3A_423 = arith.andi %ge3A_419, %lt3A_422 : vector<16xi1>
      %sub3A_424 = arith.constant 10000 : i32
      %sub3A_425 = vector.broadcast %sub3A_424 : i32 to vector<16xi32>
      %sub3A_426 = arith.subi %get3A_416, %sub3A_425 : vector<16xi32>
      %jit3A_427 = arith.constant 0 : i32
      %broadcast_in_dim3A_428 = vector.broadcast %jit3A_427 : i32 to vector<16xi32>
      %select_n3A_429 = arith.select %and3A_423, %sub3A_426, %broadcast_in_dim3A_428 : vector<16xi1>, vector<16xi32>
      %add3A_430 = vector.broadcast %mul3A_71 : i32 to vector<16xi32>
      %add3A_431 = arith.addi %select_n3A_429, %add3A_430 : vector<16xi32>
      %swap3A_432 = arith.constant 16 : index
      %swap3A_433 = tpu.vector_load %arg13[%swap3A_432] {strides = array<i32>} : memref<80xi32, #tpu.memory_space<vmem>>, vector<16xi32>,
      %swap3A_434 = vector.shape_cast %swap3A_433 : vector<16xi32> to vector<16xi32>
      %swap3A_435 = vector.shape_cast %add3A_431 : vector<16xi32> to vector<16xi32>
      tpu.vector_store %arg13[%swap3A_432], %swap3A_435 {strides = array<i32>} : memref<80xi32, #tpu.memory_space<vmem>>, vector<16xi32>,
      %mul3A_436 = arith.constant 80 : i32
      %mul3A_437 = arith.muli %add3A_383, %mul3A_436 : i32
      %add3A_438 = arith.constant 32 : i32
      %add3A_439 = arith.addi %mul3A_437, %add3A_438 : i32
      %get3A_440 = arith.index_cast %add3A_439 : i32 to index
      %get3A_441 = tpu.vector_load %arg10[%get3A_440] {strides = array<i32>} : memref<4000xi32, #tpu.memory_space<vmem>>, vector<16xi32>,
      %get3A_442 = vector.shape_cast %get3A_441 : vector<16xi32> to vector<16xi32>
      %ge3A_443 = arith.constant 10000 : i32
      %ge3A_444 = vector.broadcast %ge3A_443 : i32 to vector<16xi32>
      %ge3A_445 = arith.cmpi sge, %get3A_442, %ge3A_444 : vector<16xi32>
      %lt3A_446 = arith.constant 20000 : i32
      %lt3A_447 = vector.broadcast %lt3A_446 : i32 to vector<16xi32>
      %lt3A_448 = arith.cmpi slt, %get3A_442, %lt3A_447 : vector<16xi32>
      %and3A_449 = arith.andi %ge3A_445, %lt3A_448 : vector<16xi1>
      %sub3A_450 = arith.constant 10000 : i32
      %sub3A_451 = vector.broadcast %sub3A_450 : i32 to vector<16xi32>
      %sub3A_452 = arith.subi %get3A_442, %sub3A_451 : vector<16xi32>
      %jit3A_453 = arith.constant 0 : i32
      %broadcast_in_dim3A_454 = vector.broadcast %jit3A_453 : i32 to vector<16xi32>
      %select_n3A_455 = arith.select %and3A_449, %sub3A_452, %broadcast_in_dim3A_454 : vector<16xi1>, vector<16xi32>
      %add3A_456 = vector.broadcast %mul3A_71 : i32 to vector<16xi32>
      %add3A_457 = arith.addi %select_n3A_455, %add3A_456 : vector<16xi32>
      %swap3A_458 = arith.constant 32 : index
      %swap3A_459 = tpu.vector_load %arg13[%swap3A_458] {strides = array<i32>} : memref<80xi32, #tpu.memory_space<vmem>>, vector<16xi32>,
      %swap3A_460 = vector.shape_cast %swap3A_459 : vector<16xi32> to vector<16xi32>
      %swap3A_461 = vector.shape_cast %add3A_457 : vector<16xi32> to vector<16xi32>
      tpu.vector_store %arg13[%swap3A_458], %swap3A_461 {strides = array<i32>} : memref<80xi32, #tpu.memory_space<vmem>>, vector<16xi32>,
      %mul3A_462 = arith.constant 80 : i32
      %mul3A_463 = arith.muli %add3A_383, %mul3A_462 : i32
      %add3A_464 = arith.constant 48 : i32
      %add3A_465 = arith.addi %mul3A_463, %add3A_464 : i32
      %get3A_466 = arith.index_cast %add3A_465 : i32 to index
      %get3A_467 = tpu.vector_load %arg10[%get3A_466] {strides = array<i32>} : memref<4000xi32, #tpu.memory_space<vmem>>, vector<16xi32>,
      %get3A_468 = vector.shape_cast %get3A_467 : vector<16xi32> to vector<16xi32>
      %ge3A_469 = arith.constant 10000 : i32
      %ge3A_470 = vector.broadcast %ge3A_469 : i32 to vector<16xi32>
      %ge3A_471 = arith.cmpi sge, %get3A_468, %ge3A_470 : vector<16xi32>
      %lt3A_472 = arith.constant 20000 : i32
      %lt3A_473 = vector.broadcast %lt3A_472 : i32 to vector<16xi32>
      %lt3A_474 = arith.cmpi slt, %get3A_468, %lt3A_473 : vector<16xi32>
      %and3A_475 = arith.andi %ge3A_471, %lt3A_474 : vector<16xi1>
      %sub3A_476 = arith.constant 10000 : i32
      %sub3A_477 = vector.broadcast %sub3A_476 : i32 to vector<16xi32>
      %sub3A_478 = arith.subi %get3A_468, %sub3A_477 : vector<16xi32>
      %jit3A_479 = arith.constant 0 : i32
      %broadcast_in_dim3A_480 = vector.broadcast %jit3A_479 : i32 to vector<16xi32>
      %select_n3A_481 = arith.select %and3A_475, %sub3A_478, %broadcast_in_dim3A_480 : vector<16xi1>, vector<16xi32>
      %add3A_482 = vector.broadcast %mul3A_71 : i32 to vector<16xi32>
      %add3A_483 = arith.addi %select_n3A_481, %add3A_482 : vector<16xi32>
      %swap3A_484 = arith.constant 48 : index
      %swap3A_485 = tpu.vector_load %arg13[%swap3A_484] {strides = array<i32>} : memref<80xi32, #tpu.memory_space<vmem>>, vector<16xi32>,
      %swap3A_486 = vector.shape_cast %swap3A_485 : vector<16xi32> to vector<16xi32>
      %swap3A_487 = vector.shape_cast %add3A_483 : vector<16xi32> to vector<16xi32>
      tpu.vector_store %arg13[%swap3A_484], %swap3A_487 {strides = array<i32>} : memref<80xi32, #tpu.memory_space<vmem>>, vector<16xi32>,
      %mul3A_488 = arith.constant 80 : i32
      %mul3A_489 = arith.muli %add3A_383, %mul3A_488 : i32
      %add3A_490 = arith.constant 64 : i32
      %add3A_491 = arith.addi %mul3A_489, %add3A_490 : i32
      %get3A_492 = arith.index_cast %add3A_491 : i32 to index
      %get3A_493 = tpu.vector_load %arg10[%get3A_492] {strides = array<i32>} : memref<4000xi32, #tpu.memory_space<vmem>>, vector<16xi32>,
      %get3A_494 = vector.shape_cast %get3A_493 : vector<16xi32> to vector<16xi32>
      %ge3A_495 = arith.constant 10000 : i32
      %ge3A_496 = vector.broadcast %ge3A_495 : i32 to vector<16xi32>
      %ge3A_497 = arith.cmpi sge, %get3A_494, %ge3A_496 : vector<16xi32>
      %lt3A_498 = arith.constant 20000 : i32
      %lt3A_499 = vector.broadcast %lt3A_498 : i32 to vector<16xi32>
      %lt3A_500 = arith.cmpi slt, %get3A_494, %lt3A_499 : vector<16xi32>
      %and3A_501 = arith.andi %ge3A_497, %lt3A_500 : vector<16xi1>
      %sub3A_502 = arith.constant 10000 : i32
      %sub3A_503 = vector.broadcast %sub3A_502 : i32 to vector<16xi32>
      %sub3A_504 = arith.subi %get3A_494, %sub3A_503 : vector<16xi32>
      %jit3A_505 = arith.constant 0 : i32
      %broadcast_in_dim3A_506 = vector.broadcast %jit3A_505 : i32 to vector<16xi32>
      %select_n3A_507 = arith.select %and3A_501, %sub3A_504, %broadcast_in_dim3A_506 : vector<16xi1>, vector<16xi32>
      %add3A_508 = vector.broadcast %mul3A_71 : i32 to vector<16xi32>
      %add3A_509 = arith.addi %select_n3A_507, %add3A_508 : vector<16xi32>
      %swap3A_510 = arith.constant 64 : index
      %swap3A_511 = tpu.vector_load %arg13[%swap3A_510] {strides = array<i32>} : memref<80xi32, #tpu.memory_space<vmem>>, vector<16xi32>,
      %swap3A_512 = vector.shape_cast %swap3A_511 : vector<16xi32> to vector<16xi32>
      %swap3A_513 = vector.shape_cast %add3A_509 : vector<16xi32> to vector<16xi32>
      tpu.vector_store %arg13[%swap3A_510], %swap3A_513 {strides = array<i32>} : memref<80xi32, #tpu.memory_space<vmem>>, vector<16xi32>,
      %dma_start3A_514 = arith.constant 1 : i32
      %dma_start3A_515 = arith.constant 0 : i32
      %dma_start3A_516 = arith.constant 0 : i32
      %dma_start3A_517 = tpu.memref_slice %arg16[%dma_start3A_514, %dma_start3A_515, %dma_start3A_516] : memref<2x80x64xbf16, #tpu.memory_space<vmem>> -> memref<1x80x64xbf16, #tpu.memory_space<vmem>>
      %dma_start3A_518 = tpu.memref_squeeze %dma_start3A_517 : memref<1x80x64xbf16, #tpu.memory_space<vmem>> -> memref<80x64xbf16, #tpu.memory_space<vmem>>
      %dma_start3A_519 = arith.constant 0 : i32
      %dma_start3A_520 = arith.constant 0 : i32
      %dma_start3A_521 = tpu.memref_slice %arg3[%dma_start3A_519, %dma_start3A_520] : memref<20000x64xbf16, #tpu.memory_space<hbm>> -> memref<20000x64xbf16, #tpu.memory_space<hbm>>
      tpu.enqueue_indirect_dma source(%dma_start3A_521 : memref<20000x64xbf16, #tpu.memory_space<hbm>>) target(%dma_start3A_518 : memref<80x64xbf16, #tpu.memory_space<vmem>>) offsets(%arg13 : memref<80xi32, #tpu.memory_space<vmem>>) semaphore(%arg23 : memref<!tpu.dma_semaphore, #tpu.memory_space<semaphore_mem>>)
      %dma_wait3A_522 = arith.constant 1 : i32
      %dma_wait3A_523 = arith.constant 0 : i32
      %dma_wait3A_524 = arith.constant 0 : i32
      %dma_wait3A_525 = tpu.memref_slice %arg16[%dma_wait3A_522, %dma_wait3A_523, %dma_wait3A_524] : memref<2x80x64xbf16, #tpu.memory_space<vmem>> -> memref<1x80x64xbf16, #tpu.memory_space<vmem>>
      %dma_wait3A_526 = tpu.memref_squeeze %dma_wait3A_525 : memref<1x80x64xbf16, #tpu.memory_space<vmem>> -> memref<80x64xbf16, #tpu.memory_space<vmem>>
      %dma_wait3A_527 = arith.constant 0 : i32
      %dma_wait3A_528 = arith.constant 0 : i32
      %dma_wait3A_529 = tpu.memref_slice %arg3[%dma_wait3A_527, %dma_wait3A_528] : memref<20000x64xbf16, #tpu.memory_space<hbm>> -> memref<20000x64xbf16, #tpu.memory_space<hbm>>
      tpu.wait_indirect_dma semaphore(%arg23 : memref<!tpu.dma_semaphore, #tpu.memory_space<semaphore_mem>>) src(%dma_wait3A_529 : memref<20000x64xbf16, #tpu.memory_space<hbm>>) dst(%dma_wait3A_526 : memref<80x64xbf16, #tpu.memory_space<vmem>>)
      %add3A_530 = arith.constant 1 : i32
      %add3A_531 = arith.addi %mul3A_219, %add3A_530 : i32
      %mul3A_532 = arith.constant 80 : i32
      %mul3A_533 = arith.muli %add3A_531, %mul3A_532 : i32
      %add3A_534 = arith.constant 0 : i32
      %add3A_535 = arith.addi %mul3A_533, %add3A_534 : i32
      %get3A_536 = arith.index_cast %add3A_535 : i32 to index
      %get3A_537 = tpu.vector_load %arg11[%get3A_536] {strides = array<i32>} : memref<4000xi32, #tpu.memory_space<vmem>>, vector<16xi32>,
      %get3A_538 = vector.shape_cast %get3A_537 : vector<16xi32> to vector<16xi32>
      %mul3A_539 = arith.constant 80 : i32
      %mul3A_540 = arith.muli %add3A_531, %mul3A_539 : i32
      %add3A_541 = arith.constant 0 : i32
      %add3A_542 = arith.addi %mul3A_540, %add3A_541 : i32
      %get3A_543 = arith.index_cast %add3A_542 : i32 to index
      %get3A_544 = tpu.vector_load %arg10[%get3A_543] {strides = array<i32>} : memref<4000xi32, #tpu.memory_space<vmem>>, vector<16xi32>,
      %get3A_545 = vector.shape_cast %get3A_544 : vector<16xi32> to vector<16xi32>
      %ge3A_546 = arith.constant 10000 : i32
      %ge3A_547 = vector.broadcast %ge3A_546 : i32 to vector<16xi32>
      %ge3A_548 = arith.cmpi sge, %get3A_545, %ge3A_547 : vector<16xi32>
      %lt3A_549 = arith.constant 20000 : i32
      %lt3A_550 = vector.broadcast %lt3A_549 : i32 to vector<16xi32>
      %lt3A_551 = arith.cmpi slt, %get3A_545, %lt3A_550 : vector<16xi32>
      %and3A_552 = arith.andi %ge3A_548, %lt3A_551 : vector<16xi1>
      %jit3A_553 = arith.constant 20000 : i32
      %broadcast_in_dim3A_554 = vector.broadcast %jit3A_553 : i32 to vector<16xi32>
      %select_n3A_555 = arith.select %and3A_552, %get3A_538, %broadcast_in_dim3A_554 : vector<16xi1>, vector<16xi32>
      %swap3A_556 = arith.constant 0 : index
      %swap3A_557 = tpu.vector_load %arg15[%swap3A_556] {strides = array<i32>} : memref<80xi32, #tpu.memory_space<vmem>>, vector<16xi32>,
      %swap3A_558 = vector.shape_cast %swap3A_557 : vector<16xi32> to vector<16xi32>
      %swap3A_559 = vector.shape_cast %select_n3A_555 : vector<16xi32> to vector<16xi32>
      tpu.vector_store %arg15[%swap3A_556], %swap3A_559 {strides = array<i32>} : memref<80xi32, #tpu.memory_space<vmem>>, vector<16xi32>,
      %mul3A_560 = arith.constant 80 : i32
      %mul3A_561 = arith.muli %add3A_531, %mul3A_560 : i32
      %add3A_562 = arith.constant 16 : i32
      %add3A_563 = arith.addi %mul3A_561, %add3A_562 : i32
      %get3A_564 = arith.index_cast %add3A_563 : i32 to index
      %get3A_565 = tpu.vector_load %arg11[%get3A_564] {strides = array<i32>} : memref<4000xi32, #tpu.memory_space<vmem>>, vector<16xi32>,
      %get3A_566 = vector.shape_cast %get3A_565 : vector<16xi32> to vector<16xi32>
      %mul3A_567 = arith.constant 80 : i32
      %mul3A_568 = arith.muli %add3A_531, %mul3A_567 : i32
      %add3A_569 = arith.constant 16 : i32
      %add3A_570 = arith.addi %mul3A_568, %add3A_569 : i32
      %get3A_571 = arith.index_cast %add3A_570 : i32 to index
      %get3A_572 = tpu.vector_load %arg10[%get3A_571] {strides = array<i32>} : memref<4000xi32, #tpu.memory_space<vmem>>, vector<16xi32>,
      %get3A_573 = vector.shape_cast %get3A_572 : vector<16xi32> to vector<16xi32>
      %ge3A_574 = arith.constant 10000 : i32
      %ge3A_575 = vector.broadcast %ge3A_574 : i32 to vector<16xi32>
      %ge3A_576 = arith.cmpi sge, %get3A_573, %ge3A_575 : vector<16xi32>
      %lt3A_577 = arith.constant 20000 : i32
      %lt3A_578 = vector.broadcast %lt3A_577 : i32 to vector<16xi32>
      %lt3A_579 = arith.cmpi slt, %get3A_573, %lt3A_578 : vector<16xi32>
      %and3A_580 = arith.andi %ge3A_576, %lt3A_579 : vector<16xi1>
      %jit3A_581 = arith.constant 20000 : i32
      %broadcast_in_dim3A_582 = vector.broadcast %jit3A_581 : i32 to vector<16xi32>
      %select_n3A_583 = arith.select %and3A_580, %get3A_566, %broadcast_in_dim3A_582 : vector<16xi1>, vector<16xi32>
      %swap3A_584 = arith.constant 16 : index
      %swap3A_585 = tpu.vector_load %arg15[%swap3A_584] {strides = array<i32>} : memref<80xi32, #tpu.memory_space<vmem>>, vector<16xi32>,
      %swap3A_586 = vector.shape_cast %swap3A_585 : vector<16xi32> to vector<16xi32>
      %swap3A_587 = vector.shape_cast %select_n3A_583 : vector<16xi32> to vector<16xi32>
      tpu.vector_store %arg15[%swap3A_584], %swap3A_587 {strides = array<i32>} : memref<80xi32, #tpu.memory_space<vmem>>, vector<16xi32>,
      %mul3A_588 = arith.constant 80 : i32
      %mul3A_589 = arith.muli %add3A_531, %mul3A_588 : i32
      %add3A_590 = arith.constant 32 : i32
      %add3A_591 = arith.addi %mul3A_589, %add3A_590 : i32
      %get3A_592 = arith.index_cast %add3A_591 : i32 to index
      %get3A_593 = tpu.vector_load %arg11[%get3A_592] {strides = array<i32>} : memref<4000xi32, #tpu.memory_space<vmem>>, vector<16xi32>,
      %get3A_594 = vector.shape_cast %get3A_593 : vector<16xi32> to vector<16xi32>
      %mul3A_595 = arith.constant 80 : i32
      %mul3A_596 = arith.muli %add3A_531, %mul3A_595 : i32
      %add3A_597 = arith.constant 32 : i32
      %add3A_598 = arith.addi %mul3A_596, %add3A_597 : i32
      %get3A_599 = arith.index_cast %add3A_598 : i32 to index
      %get3A_600 = tpu.vector_load %arg10[%get3A_599] {strides = array<i32>} : memref<4000xi32, #tpu.memory_space<vmem>>, vector<16xi32>,
      %get3A_601 = vector.shape_cast %get3A_600 : vector<16xi32> to vector<16xi32>
      %ge3A_602 = arith.constant 10000 : i32
      %ge3A_603 = vector.broadcast %ge3A_602 : i32 to vector<16xi32>
      %ge3A_604 = arith.cmpi sge, %get3A_601, %ge3A_603 : vector<16xi32>
      %lt3A_605 = arith.constant 20000 : i32
      %lt3A_606 = vector.broadcast %lt3A_605 : i32 to vector<16xi32>
      %lt3A_607 = arith.cmpi slt, %get3A_601, %lt3A_606 : vector<16xi32>
      %and3A_608 = arith.andi %ge3A_604, %lt3A_607 : vector<16xi1>
      %jit3A_609 = arith.constant 20000 : i32
      %broadcast_in_dim3A_610 = vector.broadcast %jit3A_609 : i32 to vector<16xi32>
      %select_n3A_611 = arith.select %and3A_608, %get3A_594, %broadcast_in_dim3A_610 : vector<16xi1>, vector<16xi32>
      %swap3A_612 = arith.constant 32 : index
      %swap3A_613 = tpu.vector_load %arg15[%swap3A_612] {strides = array<i32>} : memref<80xi32, #tpu.memory_space<vmem>>, vector<16xi32>,
      %swap3A_614 = vector.shape_cast %swap3A_613 : vector<16xi32> to vector<16xi32>
      %swap3A_615 = vector.shape_cast %select_n3A_611 : vector<16xi32> to vector<16xi32>
      tpu.vector_store %arg15[%swap3A_612], %swap3A_615 {strides = array<i32>} : memref<80xi32, #tpu.memory_space<vmem>>, vector<16xi32>,
      %mul3A_616 = arith.constant 80 : i32
      %mul3A_617 = arith.muli %add3A_531, %mul3A_616 : i32
      %add3A_618 = arith.constant 48 : i32
      %add3A_619 = arith.addi %mul3A_617, %add3A_618 : i32
      %get3A_620 = arith.index_cast %add3A_619 : i32 to index
      %get3A_621 = tpu.vector_load %arg11[%get3A_620] {strides = array<i32>} : memref<4000xi32, #tpu.memory_space<vmem>>, vector<16xi32>,
      %get3A_622 = vector.shape_cast %get3A_621 : vector<16xi32> to vector<16xi32>
      %mul3A_623 = arith.constant 80 : i32
      %mul3A_624 = arith.muli %add3A_531, %mul3A_623 : i32
      %add3A_625 = arith.constant 48 : i32
      %add3A_626 = arith.addi %mul3A_624, %add3A_625 : i32
      %get3A_627 = arith.index_cast %add3A_626 : i32 to index
      %get3A_628 = tpu.vector_load %arg10[%get3A_627] {strides = array<i32>} : memref<4000xi32, #tpu.memory_space<vmem>>, vector<16xi32>,
      %get3A_629 = vector.shape_cast %get3A_628 : vector<16xi32> to vector<16xi32>
      %ge3A_630 = arith.constant 10000 : i32
      %ge3A_631 = vector.broadcast %ge3A_630 : i32 to vector<16xi32>
      %ge3A_632 = arith.cmpi sge, %get3A_629, %ge3A_631 : vector<16xi32>
      %lt3A_633 = arith.constant 20000 : i32
      %lt3A_634 = vector.broadcast %lt3A_633 : i32 to vector<16xi32>
      %lt3A_635 = arith.cmpi slt, %get3A_629, %lt3A_634 : vector<16xi32>
      %and3A_636 = arith.andi %ge3A_632, %lt3A_635 : vector<16xi1>
      %jit3A_637 = arith.constant 20000 : i32
      %broadcast_in_dim3A_638 = vector.broadcast %jit3A_637 : i32 to vector<16xi32>
      %select_n3A_639 = arith.select %and3A_636, %get3A_622, %broadcast_in_dim3A_638 : vector<16xi1>, vector<16xi32>
      %swap3A_640 = arith.constant 48 : index
      %swap3A_641 = tpu.vector_load %arg15[%swap3A_640] {strides = array<i32>} : memref<80xi32, #tpu.memory_space<vmem>>, vector<16xi32>,
      %swap3A_642 = vector.shape_cast %swap3A_641 : vector<16xi32> to vector<16xi32>
      %swap3A_643 = vector.shape_cast %select_n3A_639 : vector<16xi32> to vector<16xi32>
      tpu.vector_store %arg15[%swap3A_640], %swap3A_643 {strides = array<i32>} : memref<80xi32, #tpu.memory_space<vmem>>, vector<16xi32>,
      %mul3A_644 = arith.constant 80 : i32
      %mul3A_645 = arith.muli %add3A_531, %mul3A_644 : i32
      %add3A_646 = arith.constant 64 : i32
      %add3A_647 = arith.addi %mul3A_645, %add3A_646 : i32
      %get3A_648 = arith.index_cast %add3A_647 : i32 to index
      %get3A_649 = tpu.vector_load %arg11[%get3A_648] {strides = array<i32>} : memref<4000xi32, #tpu.memory_space<vmem>>, vector<16xi32>,
      %get3A_650 = vector.shape_cast %get3A_649 : vector<16xi32> to vector<16xi32>
      %mul3A_651 = arith.constant 80 : i32
      %mul3A_652 = arith.muli %add3A_531, %mul3A_651 : i32
      %add3A_653 = arith.constant 64 : i32
      %add3A_654 = arith.addi %mul3A_652, %add3A_653 : i32
      %get3A_655 = arith.index_cast %add3A_654 : i32 to index
      %get3A_656 = tpu.vector_load %arg10[%get3A_655] {strides = array<i32>} : memref<4000xi32, #tpu.memory_space<vmem>>, vector<16xi32>,
      %get3A_657 = vector.shape_cast %get3A_656 : vector<16xi32> to vector<16xi32>
      %ge3A_658 = arith.constant 10000 : i32
      %ge3A_659 = vector.broadcast %ge3A_658 : i32 to vector<16xi32>
      %ge3A_660 = arith.cmpi sge, %get3A_657, %ge3A_659 : vector<16xi32>
      %lt3A_661 = arith.constant 20000 : i32
      %lt3A_662 = vector.broadcast %lt3A_661 : i32 to vector<16xi32>
      %lt3A_663 = arith.cmpi slt, %get3A_657, %lt3A_662 : vector<16xi32>
      %and3A_664 = arith.andi %ge3A_660, %lt3A_663 : vector<16xi1>
      %jit3A_665 = arith.constant 20000 : i32
      %broadcast_in_dim3A_666 = vector.broadcast %jit3A_665 : i32 to vector<16xi32>
      %select_n3A_667 = arith.select %and3A_664, %get3A_650, %broadcast_in_dim3A_666 : vector<16xi1>, vector<16xi32>
      %swap3A_668 = arith.constant 64 : index
      %swap3A_669 = tpu.vector_load %arg15[%swap3A_668] {strides = array<i32>} : memref<80xi32, #tpu.memory_space<vmem>>, vector<16xi32>,
      %swap3A_670 = vector.shape_cast %swap3A_669 : vector<16xi32> to vector<16xi32>
      %swap3A_671 = vector.shape_cast %select_n3A_667 : vector<16xi32> to vector<16xi32>
      tpu.vector_store %arg15[%swap3A_668], %swap3A_671 {strides = array<i32>} : memref<80xi32, #tpu.memory_space<vmem>>, vector<16xi32>,
      %dma_start3A_672 = arith.constant 1 : i32
      %dma_start3A_673 = arith.constant 0 : i32
      %dma_start3A_674 = arith.constant 0 : i32
      %dma_start3A_675 = tpu.memref_slice %arg16[%dma_start3A_672, %dma_start3A_673, %dma_start3A_674] : memref<2x80x64xbf16, #tpu.memory_space<vmem>> -> memref<1x80x64xbf16, #tpu.memory_space<vmem>>
      %dma_start3A_676 = tpu.memref_squeeze %dma_start3A_675 : memref<1x80x64xbf16, #tpu.memory_space<vmem>> -> memref<80x64xbf16, #tpu.memory_space<vmem>>
      %dma_start3A_677 = arith.constant 0 : i32
      %dma_start3A_678 = arith.constant 0 : i32
      %dma_start3A_679 = tpu.memref_slice %arg20[%dma_start3A_677, %dma_start3A_678] : memref<20096x64xbf16, #tpu.memory_space<vmem_shared>> -> memref<20096x64xbf16, #tpu.memory_space<vmem_shared>>
      tpu.enqueue_indirect_dma source(%dma_start3A_676 : memref<80x64xbf16, #tpu.memory_space<vmem>>) target(%dma_start3A_679 : memref<20096x64xbf16, #tpu.memory_space<vmem_shared>>) offsets(%arg15 : memref<80xi32, #tpu.memory_space<vmem>>) semaphore(%arg25 : memref<!tpu.dma_semaphore, #tpu.memory_space<semaphore_mem>>) {add = true}
      %dma_start3A_680 = arith.constant 0 : i32
      %dma_start3A_681 = tpu.memref_slice %arg21[%dma_start3A_680] : memref<20096xf32, #tpu.memory_space<vmem_shared>> -> memref<20096xf32, #tpu.memory_space<vmem_shared>>
      tpu.enqueue_indirect_dma source(%arg17 : memref<80xf32, #tpu.memory_space<vmem>>) target(%dma_start3A_681 : memref<20096xf32, #tpu.memory_space<vmem_shared>>) offsets(%arg15 : memref<80xi32, #tpu.memory_space<vmem>>) semaphore(%arg27 : memref<!tpu.dma_semaphore, #tpu.memory_space<semaphore_mem>>) {add = true}
      %dma_wait3A_682 = arith.constant 0 : i32
      %dma_wait3A_683 = arith.constant 0 : i32
      %dma_wait3A_684 = arith.constant 0 : i32
      %dma_wait3A_685 = tpu.memref_slice %arg16[%dma_wait3A_682, %dma_wait3A_683, %dma_wait3A_684] : memref<2x80x64xbf16, #tpu.memory_space<vmem>> -> memref<1x80x64xbf16, #tpu.memory_space<vmem>>
      %dma_wait3A_686 = tpu.memref_squeeze %dma_wait3A_685 : memref<1x80x64xbf16, #tpu.memory_space<vmem>> -> memref<80x64xbf16, #tpu.memory_space<vmem>>
      %dma_wait3A_687 = arith.constant 0 : i32
      %dma_wait3A_688 = arith.constant 0 : i32
      %dma_wait3A_689 = tpu.memref_slice %arg20[%dma_wait3A_687, %dma_wait3A_688] : memref<20096x64xbf16, #tpu.memory_space<vmem_shared>> -> memref<20096x64xbf16, #tpu.memory_space<vmem_shared>>
      tpu.wait_indirect_dma semaphore(%arg24 : memref<!tpu.dma_semaphore, #tpu.memory_space<semaphore_mem>>) src(%dma_wait3A_686 : memref<80x64xbf16, #tpu.memory_space<vmem>>) dst(%dma_wait3A_689 : memref<20096x64xbf16, #tpu.memory_space<vmem_shared>>)
      %dma_wait3A_690 = arith.constant 0 : i32
      %dma_wait3A_691 = tpu.memref_slice %arg21[%dma_wait3A_690] : memref<20096xf32, #tpu.memory_space<vmem_shared>> -> memref<20096xf32, #tpu.memory_space<vmem_shared>>
      tpu.wait_indirect_dma semaphore(%arg26 : memref<!tpu.dma_semaphore, #tpu.memory_space<semaphore_mem>>) src(%arg17 : memref<80xf32, #tpu.memory_space<vmem>>) dst(%dma_wait3A_691 : memref<20096xf32, #tpu.memory_space<vmem_shared>>)
      %add3A_692 = arith.constant 1 : i32
      %add3A_693 = arith.addi %scan3A_217, %add3A_692 : i32
      %lt3A_694 = arith.constant 25 : i32
      %lt3A_695 = arith.cmpi slt, %add3A_693, %lt3A_694 : i32
      %convert_element_type3A_696 = arith.extui %lt3A_695 : i1 to i32
      %cond3A_697 = arith.constant 0 : i32
      %cond3A_698 = arith.cmpi ne, %convert_element_type3A_696, %cond3A_697 : i32
      scf.if %cond3A_698 {
        %add3A_699 = arith.constant 2 : i32
        %add3A_700 = arith.addi %mul3A_219, %add3A_699 : i32
        %mul3A_701 = arith.constant 80 : i32
        %mul3A_702 = arith.muli %add3A_700, %mul3A_701 : i32
        %add3A_703 = arith.constant 0 : i32
        %add3A_704 = arith.addi %mul3A_702, %add3A_703 : i32
        %get3A_705 = arith.index_cast %add3A_704 : i32 to index
        %get3A_706 = tpu.vector_load %arg10[%get3A_705] {strides = array<i32>} : memref<4000xi32, #tpu.memory_space<vmem>>, vector<16xi32>,
        %get3A_707 = vector.shape_cast %get3A_706 : vector<16xi32> to vector<16xi32>
        %ge3A_708 = arith.constant 10000 : i32
        %ge3A_709 = vector.broadcast %ge3A_708 : i32 to vector<16xi32>
        %ge3A_710 = arith.cmpi sge, %get3A_707, %ge3A_709 : vector<16xi32>
        %lt3A_711 = arith.constant 20000 : i32
        %lt3A_712 = vector.broadcast %lt3A_711 : i32 to vector<16xi32>
        %lt3A_713 = arith.cmpi slt, %get3A_707, %lt3A_712 : vector<16xi32>
        %and3A_714 = arith.andi %ge3A_710, %lt3A_713 : vector<16xi1>
        %sub3A_715 = arith.constant 10000 : i32
        %sub3A_716 = vector.broadcast %sub3A_715 : i32 to vector<16xi32>
        %sub3A_717 = arith.subi %get3A_707, %sub3A_716 : vector<16xi32>
        %jit3A_718 = arith.constant 0 : i32
        %broadcast_in_dim3A_719 = vector.broadcast %jit3A_718 : i32 to vector<16xi32>
        %select_n3A_720 = arith.select %and3A_714, %sub3A_717, %broadcast_in_dim3A_719 : vector<16xi1>, vector<16xi32>
        %add3A_721 = vector.broadcast %mul3A_71 : i32 to vector<16xi32>
        %add3A_722 = arith.addi %select_n3A_720, %add3A_721 : vector<16xi32>
        %swap3A_723 = arith.constant 0 : index
        %swap3A_724 = tpu.vector_load %arg12[%swap3A_723] {strides = array<i32>} : memref<80xi32, #tpu.memory_space<vmem>>, vector<16xi32>,
        %swap3A_725 = vector.shape_cast %swap3A_724 : vector<16xi32> to vector<16xi32>
        %swap3A_726 = vector.shape_cast %add3A_722 : vector<16xi32> to vector<16xi32>
        tpu.vector_store %arg12[%swap3A_723], %swap3A_726 {strides = array<i32>} : memref<80xi32, #tpu.memory_space<vmem>>, vector<16xi32>,
        %mul3A_727 = arith.constant 80 : i32
        %mul3A_728 = arith.muli %add3A_700, %mul3A_727 : i32
        %add3A_729 = arith.constant 16 : i32
        %add3A_730 = arith.addi %mul3A_728, %add3A_729 : i32
        %get3A_731 = arith.index_cast %add3A_730 : i32 to index
        %get3A_732 = tpu.vector_load %arg10[%get3A_731] {strides = array<i32>} : memref<4000xi32, #tpu.memory_space<vmem>>, vector<16xi32>,
        %get3A_733 = vector.shape_cast %get3A_732 : vector<16xi32> to vector<16xi32>
        %ge3A_734 = arith.constant 10000 : i32
        %ge3A_735 = vector.broadcast %ge3A_734 : i32 to vector<16xi32>
        %ge3A_736 = arith.cmpi sge, %get3A_733, %ge3A_735 : vector<16xi32>
        %lt3A_737 = arith.constant 20000 : i32
        %lt3A_738 = vector.broadcast %lt3A_737 : i32 to vector<16xi32>
        %lt3A_739 = arith.cmpi slt, %get3A_733, %lt3A_738 : vector<16xi32>
        %and3A_740 = arith.andi %ge3A_736, %lt3A_739 : vector<16xi1>
        %sub3A_741 = arith.constant 10000 : i32
        %sub3A_742 = vector.broadcast %sub3A_741 : i32 to vector<16xi32>
        %sub3A_743 = arith.subi %get3A_733, %sub3A_742 : vector<16xi32>
        %jit3A_744 = arith.constant 0 : i32
        %broadcast_in_dim3A_745 = vector.broadcast %jit3A_744 : i32 to vector<16xi32>
        %select_n3A_746 = arith.select %and3A_740, %sub3A_743, %broadcast_in_dim3A_745 : vector<16xi1>, vector<16xi32>
        %add3A_747 = vector.broadcast %mul3A_71 : i32 to vector<16xi32>
        %add3A_748 = arith.addi %select_n3A_746, %add3A_747 : vector<16xi32>
        %swap3A_749 = arith.constant 16 : index
        %swap3A_750 = tpu.vector_load %arg12[%swap3A_749] {strides = array<i32>} : memref<80xi32, #tpu.memory_space<vmem>>, vector<16xi32>,
        %swap3A_751 = vector.shape_cast %swap3A_750 : vector<16xi32> to vector<16xi32>
        %swap3A_752 = vector.shape_cast %add3A_748 : vector<16xi32> to vector<16xi32>
        tpu.vector_store %arg12[%swap3A_749], %swap3A_752 {strides = array<i32>} : memref<80xi32, #tpu.memory_space<vmem>>, vector<16xi32>,
        %mul3A_753 = arith.constant 80 : i32
        %mul3A_754 = arith.muli %add3A_700, %mul3A_753 : i32
        %add3A_755 = arith.constant 32 : i32
        %add3A_756 = arith.addi %mul3A_754, %add3A_755 : i32
        %get3A_757 = arith.index_cast %add3A_756 : i32 to index
        %get3A_758 = tpu.vector_load %arg10[%get3A_757] {strides = array<i32>} : memref<4000xi32, #tpu.memory_space<vmem>>, vector<16xi32>,
        %get3A_759 = vector.shape_cast %get3A_758 : vector<16xi32> to vector<16xi32>
        %ge3A_760 = arith.constant 10000 : i32
        %ge3A_761 = vector.broadcast %ge3A_760 : i32 to vector<16xi32>
        %ge3A_762 = arith.cmpi sge, %get3A_759, %ge3A_761 : vector<16xi32>
        %lt3A_763 = arith.constant 20000 : i32
        %lt3A_764 = vector.broadcast %lt3A_763 : i32 to vector<16xi32>
        %lt3A_765 = arith.cmpi slt, %get3A_759, %lt3A_764 : vector<16xi32>
        %and3A_766 = arith.andi %ge3A_762, %lt3A_765 : vector<16xi1>
        %sub3A_767 = arith.constant 10000 : i32
        %sub3A_768 = vector.broadcast %sub3A_767 : i32 to vector<16xi32>
        %sub3A_769 = arith.subi %get3A_759, %sub3A_768 : vector<16xi32>
        %jit3A_770 = arith.constant 0 : i32
        %broadcast_in_dim3A_771 = vector.broadcast %jit3A_770 : i32 to vector<16xi32>
        %select_n3A_772 = arith.select %and3A_766, %sub3A_769, %broadcast_in_dim3A_771 : vector<16xi1>, vector<16xi32>
        %add3A_773 = vector.broadcast %mul3A_71 : i32 to vector<16xi32>
        %add3A_774 = arith.addi %select_n3A_772, %add3A_773 : vector<16xi32>
        %swap3A_775 = arith.constant 32 : index
        %swap3A_776 = tpu.vector_load %arg12[%swap3A_775] {strides = array<i32>} : memref<80xi32, #tpu.memory_space<vmem>>, vector<16xi32>,
        %swap3A_777 = vector.shape_cast %swap3A_776 : vector<16xi32> to vector<16xi32>
        %swap3A_778 = vector.shape_cast %add3A_774 : vector<16xi32> to vector<16xi32>
        tpu.vector_store %arg12[%swap3A_775], %swap3A_778 {strides = array<i32>} : memref<80xi32, #tpu.memory_space<vmem>>, vector<16xi32>,
        %mul3A_779 = arith.constant 80 : i32
        %mul3A_780 = arith.muli %add3A_700, %mul3A_779 : i32
        %add3A_781 = arith.constant 48 : i32
        %add3A_782 = arith.addi %mul3A_780, %add3A_781 : i32
        %get3A_783 = arith.index_cast %add3A_782 : i32 to index
        %get3A_784 = tpu.vector_load %arg10[%get3A_783] {strides = array<i32>} : memref<4000xi32, #tpu.memory_space<vmem>>, vector<16xi32>,
        %get3A_785 = vector.shape_cast %get3A_784 : vector<16xi32> to vector<16xi32>
        %ge3A_786 = arith.constant 10000 : i32
        %ge3A_787 = vector.broadcast %ge3A_786 : i32 to vector<16xi32>
        %ge3A_788 = arith.cmpi sge, %get3A_785, %ge3A_787 : vector<16xi32>
        %lt3A_789 = arith.constant 20000 : i32
        %lt3A_790 = vector.broadcast %lt3A_789 : i32 to vector<16xi32>
        %lt3A_791 = arith.cmpi slt, %get3A_785, %lt3A_790 : vector<16xi32>
        %and3A_792 = arith.andi %ge3A_788, %lt3A_791 : vector<16xi1>
        %sub3A_793 = arith.constant 10000 : i32
        %sub3A_794 = vector.broadcast %sub3A_793 : i32 to vector<16xi32>
        %sub3A_795 = arith.subi %get3A_785, %sub3A_794 : vector<16xi32>
        %jit3A_796 = arith.constant 0 : i32
        %broadcast_in_dim3A_797 = vector.broadcast %jit3A_796 : i32 to vector<16xi32>
        %select_n3A_798 = arith.select %and3A_792, %sub3A_795, %broadcast_in_dim3A_797 : vector<16xi1>, vector<16xi32>
        %add3A_799 = vector.broadcast %mul3A_71 : i32 to vector<16xi32>
        %add3A_800 = arith.addi %select_n3A_798, %add3A_799 : vector<16xi32>
        %swap3A_801 = arith.constant 48 : index
        %swap3A_802 = tpu.vector_load %arg12[%swap3A_801] {strides = array<i32>} : memref<80xi32, #tpu.memory_space<vmem>>, vector<16xi32>,
        %swap3A_803 = vector.shape_cast %swap3A_802 : vector<16xi32> to vector<16xi32>
        %swap3A_804 = vector.shape_cast %add3A_800 : vector<16xi32> to vector<16xi32>
        tpu.vector_store %arg12[%swap3A_801], %swap3A_804 {strides = array<i32>} : memref<80xi32, #tpu.memory_space<vmem>>, vector<16xi32>,
        %mul3A_805 = arith.constant 80 : i32
        %mul3A_806 = arith.muli %add3A_700, %mul3A_805 : i32
        %add3A_807 = arith.constant 64 : i32
        %add3A_808 = arith.addi %mul3A_806, %add3A_807 : i32
        %get3A_809 = arith.index_cast %add3A_808 : i32 to index
        %get3A_810 = tpu.vector_load %arg10[%get3A_809] {strides = array<i32>} : memref<4000xi32, #tpu.memory_space<vmem>>, vector<16xi32>,
        %get3A_811 = vector.shape_cast %get3A_810 : vector<16xi32> to vector<16xi32>
        %ge3A_812 = arith.constant 10000 : i32
        %ge3A_813 = vector.broadcast %ge3A_812 : i32 to vector<16xi32>
        %ge3A_814 = arith.cmpi sge, %get3A_811, %ge3A_813 : vector<16xi32>
        %lt3A_815 = arith.constant 20000 : i32
        %lt3A_816 = vector.broadcast %lt3A_815 : i32 to vector<16xi32>
        %lt3A_817 = arith.cmpi slt, %get3A_811, %lt3A_816 : vector<16xi32>
        %and3A_818 = arith.andi %ge3A_814, %lt3A_817 : vector<16xi1>
        %sub3A_819 = arith.constant 10000 : i32
        %sub3A_820 = vector.broadcast %sub3A_819 : i32 to vector<16xi32>
        %sub3A_821 = arith.subi %get3A_811, %sub3A_820 : vector<16xi32>
        %jit3A_822 = arith.constant 0 : i32
        %broadcast_in_dim3A_823 = vector.broadcast %jit3A_822 : i32 to vector<16xi32>
        %select_n3A_824 = arith.select %and3A_818, %sub3A_821, %broadcast_in_dim3A_823 : vector<16xi1>, vector<16xi32>
        %add3A_825 = vector.broadcast %mul3A_71 : i32 to vector<16xi32>
        %add3A_826 = arith.addi %select_n3A_824, %add3A_825 : vector<16xi32>
        %swap3A_827 = arith.constant 64 : index
        %swap3A_828 = tpu.vector_load %arg12[%swap3A_827] {strides = array<i32>} : memref<80xi32, #tpu.memory_space<vmem>>, vector<16xi32>,
        %swap3A_829 = vector.shape_cast %swap3A_828 : vector<16xi32> to vector<16xi32>
        %swap3A_830 = vector.shape_cast %add3A_826 : vector<16xi32> to vector<16xi32>
        tpu.vector_store %arg12[%swap3A_827], %swap3A_830 {strides = array<i32>} : memref<80xi32, #tpu.memory_space<vmem>>, vector<16xi32>,
        %dma_start3A_831 = arith.constant 0 : i32
        %dma_start3A_832 = arith.constant 0 : i32
        %dma_start3A_833 = arith.constant 0 : i32
        %dma_start3A_834 = tpu.memref_slice %arg16[%dma_start3A_831, %dma_start3A_832, %dma_start3A_833] : memref<2x80x64xbf16, #tpu.memory_space<vmem>> -> memref<1x80x64xbf16, #tpu.memory_space<vmem>>
        %dma_start3A_835 = tpu.memref_squeeze %dma_start3A_834 : memref<1x80x64xbf16, #tpu.memory_space<vmem>> -> memref<80x64xbf16, #tpu.memory_space<vmem>>
        %dma_start3A_836 = arith.constant 0 : i32
        %dma_start3A_837 = arith.constant 0 : i32
        %dma_start3A_838 = tpu.memref_slice %arg3[%dma_start3A_836, %dma_start3A_837] : memref<20000x64xbf16, #tpu.memory_space<hbm>> -> memref<20000x64xbf16, #tpu.memory_space<hbm>>
        tpu.enqueue_indirect_dma source(%dma_start3A_838 : memref<20000x64xbf16, #tpu.memory_space<hbm>>) target(%dma_start3A_835 : memref<80x64xbf16, #tpu.memory_space<vmem>>) offsets(%arg12 : memref<80xi32, #tpu.memory_space<vmem>>) semaphore(%arg22 : memref<!tpu.dma_semaphore, #tpu.memory_space<semaphore_mem>>)
      } else {
      }
    }
    %scan3A_193 = arith.constant 25 : i32
    %dma_wait3A = arith.constant 1 : i32
    %dma_wait3A_194 = arith.constant 0 : i32
    %dma_wait3A_195 = arith.constant 0 : i32
    %dma_wait3A_196 = tpu.memref_slice %arg16[%dma_wait3A, %dma_wait3A_194, %dma_wait3A_195] : memref<2x80x64xbf16, #tpu.memory_space<vmem>> -> memref<1x80x64xbf16, #tpu.memory_space<vmem>>
    %dma_wait3A_197 = tpu.memref_squeeze %dma_wait3A_196 : memref<1x80x64xbf16, #tpu.memory_space<vmem>> -> memref<80x64xbf16, #tpu.memory_space<vmem>>
    %dma_wait3A_198 = arith.constant 0 : i32
    %dma_wait3A_199 = arith.constant 0 : i32
    %dma_wait3A_200 = tpu.memref_slice %arg20[%dma_wait3A_198, %dma_wait3A_199] : memref<20096x64xbf16, #tpu.memory_space<vmem_shared>> -> memref<20096x64xbf16, #tpu.memory_space<vmem_shared>>
    tpu.wait_indirect_dma semaphore(%arg25 : memref<!tpu.dma_semaphore, #tpu.memory_space<semaphore_mem>>) src(%dma_wait3A_197 : memref<80x64xbf16, #tpu.memory_space<vmem>>) dst(%dma_wait3A_200 : memref<20096x64xbf16, #tpu.memory_space<vmem_shared>>)
    %dma_wait3A_201 = arith.constant 0 : i32
    %dma_wait3A_202 = tpu.memref_slice %arg21[%dma_wait3A_201] : memref<20096xf32, #tpu.memory_space<vmem_shared>> -> memref<20096xf32, #tpu.memory_space<vmem_shared>>
    tpu.wait_indirect_dma semaphore(%arg27 : memref<!tpu.dma_semaphore, #tpu.memory_space<semaphore_mem>>) src(%arg17 : memref<80xf32, #tpu.memory_space<vmem>>) dst(%dma_wait3A_202 : memref<20096xf32, #tpu.memory_space<vmem_shared>>)
    %scan3A_203 = arith.constant 1 : i32
    %barrier3A_204 = arith.constant 0 : index
    tpu.barrier barrier_id(%barrier3A_204)
    %mul3A_205 = arith.constant 1248 : i32
    %mul3A_206 = arith.muli %arg1, %mul3A_205 : i32
    %mul3A_207 = arith.constant 20000 : i32
    %mul3A_208 = arith.muli %arg0, %mul3A_207 : i32
    %add3A_209 = arith.addi %mul3A_208, %mul3A_206 : i32
    "tpu.region"() ({
      %run_scoped3A = tpu.sem_alloc : memref<!tpu.dma_semaphore, #tpu.memory_space<semaphore_mem>>
      %dma_start3A_217 = arith.constant 0 : i32
      %dma_start3A_218 = tpu.memref_slice %arg8[%add3A_209, %dma_start3A_217] : memref<40000x64xbf16, #tpu.memory_space<hbm>> -> memref<1248x64xbf16, #tpu.memory_space<hbm>>
      %dma_start3A_219 = arith.constant 0 : i32
      %dma_start3A_220 = tpu.memref_slice %arg20[%mul3A_206, %dma_start3A_219] : memref<20096x64xbf16, #tpu.memory_space<vmem_shared>> -> memref<1248x64xbf16, #tpu.memory_space<vmem_shared>>
      tpu.enqueue_dma source(%dma_start3A_220 : memref<1248x64xbf16, #tpu.memory_space<vmem_shared>>) target(%dma_start3A_218 : memref<1248x64xbf16, #tpu.memory_space<hbm>>) target_semaphore(%run_scoped3A : memref<!tpu.dma_semaphore, #tpu.memory_space<semaphore_mem>>)
      %dma_wait3A_221 = arith.constant 0 : i32
      %dma_wait3A_222 = tpu.memref_slice %arg8[%add3A_209, %dma_wait3A_221] : memref<40000x64xbf16, #tpu.memory_space<hbm>> -> memref<1248x64xbf16, #tpu.memory_space<hbm>>
      %dma_wait3A_223 = arith.constant 0 : i32
      %dma_wait3A_224 = tpu.memref_slice %arg20[%mul3A_206, %dma_wait3A_223] : memref<20096x64xbf16, #tpu.memory_space<vmem_shared>> -> memref<1248x64xbf16, #tpu.memory_space<vmem_shared>>
      tpu.wait_dma2 semaphore(%run_scoped3A : memref<!tpu.dma_semaphore, #tpu.memory_space<semaphore_mem>>) src(%dma_wait3A_224 : memref<1248x64xbf16, #tpu.memory_space<vmem_shared>>) dst(%dma_wait3A_222 : memref<1248x64xbf16, #tpu.memory_space<hbm>>)
      tpu.yield
    }) : () -> ()
    %eq3A = arith.constant 0 : i32
    %eq3A_210 = arith.cmpi eq, %arg1, %eq3A : i32
    %convert_element_type3A = arith.extui %eq3A_210 : i1 to i32
    %cond3A = arith.constant 0 : i32
    %cond3A_211 = arith.cmpi ne, %convert_element_type3A, %cond3A : i32
    scf.if %cond3A_211 {
      %mul3A_217 = arith.constant 20000 : i32
      %mul3A_218 = arith.muli %arg0, %mul3A_217 : i32
      %add3A_219 = arith.constant 19968 : i32
      %add3A_220 = arith.addi %mul3A_218, %add3A_219 : i32
      "tpu.region"() ({
        %run_scoped3A = tpu.sem_alloc : memref<!tpu.dma_semaphore, #tpu.memory_space<semaphore_mem>>
        %dma_start3A_221 = arith.constant 0 : i32
        %dma_start3A_222 = tpu.memref_slice %arg8[%add3A_220, %dma_start3A_221] : memref<40000x64xbf16, #tpu.memory_space<hbm>> -> memref<32x64xbf16, #tpu.memory_space<hbm>>
        %dma_start3A_223 = arith.constant 19968 : i32
        %dma_start3A_224 = arith.constant 0 : i32
        %dma_start3A_225 = tpu.memref_slice %arg20[%dma_start3A_223, %dma_start3A_224] : memref<20096x64xbf16, #tpu.memory_space<vmem_shared>> -> memref<32x64xbf16, #tpu.memory_space<vmem_shared>>
        tpu.enqueue_dma source(%dma_start3A_225 : memref<32x64xbf16, #tpu.memory_space<vmem_shared>>) target(%dma_start3A_222 : memref<32x64xbf16, #tpu.memory_space<hbm>>) target_semaphore(%run_scoped3A : memref<!tpu.dma_semaphore, #tpu.memory_space<semaphore_mem>>)
        %dma_wait3A_226 = arith.constant 0 : i32
        %dma_wait3A_227 = tpu.memref_slice %arg8[%add3A_220, %dma_wait3A_226] : memref<40000x64xbf16, #tpu.memory_space<hbm>> -> memref<32x64xbf16, #tpu.memory_space<hbm>>
        %dma_wait3A_228 = arith.constant 19968 : i32
        %dma_wait3A_229 = arith.constant 0 : i32
        %dma_wait3A_230 = tpu.memref_slice %arg20[%dma_wait3A_228, %dma_wait3A_229] : memref<20096x64xbf16, #tpu.memory_space<vmem_shared>> -> memref<32x64xbf16, #tpu.memory_space<vmem_shared>>
        tpu.wait_dma2 semaphore(%run_scoped3A : memref<!tpu.dma_semaphore, #tpu.memory_space<semaphore_mem>>) src(%dma_wait3A_230 : memref<32x64xbf16, #tpu.memory_space<vmem_shared>>) dst(%dma_wait3A_227 : memref<32x64xbf16, #tpu.memory_space<hbm>>)
        tpu.yield
      }) : () -> ()
    } else {
    }
    %eq3A_212 = arith.constant 0 : i32
    %eq3A_213 = arith.cmpi eq, %arg0, %eq3A_212 : i32
    %convert_element_type3A_214 = arith.extui %eq3A_213 : i1 to i32
    %cond3A_215 = arith.constant 0 : i32
    %cond3A_216 = arith.cmpi ne, %convert_element_type3A_214, %cond3A_215 : i32
    scf.if %cond3A_216 {
      "tpu.region"() ({
        %run_scoped3A = tpu.sem_alloc : memref<!tpu.dma_semaphore, #tpu.memory_space<semaphore_mem>>
        %dma_start3A_222 = arith.constant 0 : i32
        %dma_start3A_223 = tpu.memref_slice %arg19[%dma_start3A_222] : memref<1280xf32, #tpu.memory_space<vmem>> -> memref<1248xf32, #tpu.memory_space<vmem>>
        %dma_start3A_224 = tpu.memref_slice %arg21[%mul3A_206] : memref<20096xf32, #tpu.memory_space<vmem_shared>> -> memref<1248xf32, #tpu.memory_space<vmem_shared>>
        %dma_start3A_225 = arith.constant 0 : i32
        %dma_start3A_226 = tpu.memref_slice %arg19[%dma_start3A_225] : memref<1280xf32, #tpu.memory_space<vmem>> -> memref<1248xf32, #tpu.memory_space<vmem>>
        %dma_start3A_227 = tpu.memref_slice %arg21[%mul3A_206] : memref<20096xf32, #tpu.memory_space<vmem_shared>> -> memref<1248xf32, #tpu.memory_space<vmem_shared>>
        tpu.enqueue_dma source(%dma_start3A_227 : memref<1248xf32, #tpu.memory_space<vmem_shared>>) target(%dma_start3A_226 : memref<1248xf32, #tpu.memory_space<vmem>>) target_semaphore(%run_scoped3A : memref<!tpu.dma_semaphore, #tpu.memory_space<semaphore_mem>>)
        %dma_wait3A_228 = arith.constant 0 : i32
        %dma_wait3A_229 = tpu.memref_slice %arg19[%dma_wait3A_228] : memref<1280xf32, #tpu.memory_space<vmem>> -> memref<1248xf32, #tpu.memory_space<vmem>>
        %dma_wait3A_230 = tpu.memref_slice %arg21[%mul3A_206] : memref<20096xf32, #tpu.memory_space<vmem_shared>> -> memref<1248xf32, #tpu.memory_space<vmem_shared>>
        %dma_wait3A_231 = arith.constant 0 : i32
        %dma_wait3A_232 = tpu.memref_slice %arg19[%dma_wait3A_231] : memref<1280xf32, #tpu.memory_space<vmem>> -> memref<1248xf32, #tpu.memory_space<vmem>>
        %dma_wait3A_233 = tpu.memref_slice %arg21[%mul3A_206] : memref<20096xf32, #tpu.memory_space<vmem_shared>> -> memref<1248xf32, #tpu.memory_space<vmem_shared>>
        tpu.wait_dma2 semaphore(%run_scoped3A : memref<!tpu.dma_semaphore, #tpu.memory_space<semaphore_mem>>) src(%dma_wait3A_233 : memref<1248xf32, #tpu.memory_space<vmem_shared>>) dst(%dma_wait3A_232 : memref<1248xf32, #tpu.memory_space<vmem>>)
        tpu.yield
      }) : () -> ()
      "tpu.region"() ({
        %run_scoped3A = tpu.sem_alloc : memref<!tpu.dma_semaphore, #tpu.memory_space<semaphore_mem>>
        %dma_start3A_222 = arith.constant 0 : i32
        %dma_start3A_223 = tpu.memref_slice %arg19[%dma_start3A_222] : memref<1280xf32, #tpu.memory_space<vmem>> -> memref<1248xf32, #tpu.memory_space<vmem>>
        %dma_start3A_224 = tpu.memref_slice %arg9[%mul3A_206] : memref<20000xf32, #tpu.memory_space<hbm>> -> memref<1248xf32, #tpu.memory_space<hbm>>
        %dma_start3A_225 = tpu.memref_slice %arg9[%mul3A_206] : memref<20000xf32, #tpu.memory_space<hbm>> -> memref<1248xf32, #tpu.memory_space<hbm>>
        %dma_start3A_226 = arith.constant 0 : i32
        %dma_start3A_227 = tpu.memref_slice %arg19[%dma_start3A_226] : memref<1280xf32, #tpu.memory_space<vmem>> -> memref<1248xf32, #tpu.memory_space<vmem>>
        tpu.enqueue_dma source(%dma_start3A_227 : memref<1248xf32, #tpu.memory_space<vmem>>) target(%dma_start3A_225 : memref<1248xf32, #tpu.memory_space<hbm>>) target_semaphore(%run_scoped3A : memref<!tpu.dma_semaphore, #tpu.memory_space<semaphore_mem>>)
        %dma_wait3A_228 = arith.constant 0 : i32
        %dma_wait3A_229 = tpu.memref_slice %arg19[%dma_wait3A_228] : memref<1280xf32, #tpu.memory_space<vmem>> -> memref<1248xf32, #tpu.memory_space<vmem>>
        %dma_wait3A_230 = tpu.memref_slice %arg9[%mul3A_206] : memref<20000xf32, #tpu.memory_space<hbm>> -> memref<1248xf32, #tpu.memory_space<hbm>>
        %dma_wait3A_231 = tpu.memref_slice %arg9[%mul3A_206] : memref<20000xf32, #tpu.memory_space<hbm>> -> memref<1248xf32, #tpu.memory_space<hbm>>
        %dma_wait3A_232 = arith.constant 0 : i32
        %dma_wait3A_233 = tpu.memref_slice %arg19[%dma_wait3A_232] : memref<1280xf32, #tpu.memory_space<vmem>> -> memref<1248xf32, #tpu.memory_space<vmem>>
        tpu.wait_dma2 semaphore(%run_scoped3A : memref<!tpu.dma_semaphore, #tpu.memory_space<semaphore_mem>>) src(%dma_wait3A_233 : memref<1248xf32, #tpu.memory_space<vmem>>) dst(%dma_wait3A_231 : memref<1248xf32, #tpu.memory_space<hbm>>)
        tpu.yield
      }) : () -> ()
      %eq3A_217 = arith.constant 0 : i32
      %eq3A_218 = arith.cmpi eq, %arg1, %eq3A_217 : i32
      %convert_element_type3A_219 = arith.extui %eq3A_218 : i1 to i32
      %cond3A_220 = arith.constant 0 : i32
      %cond3A_221 = arith.cmpi ne, %convert_element_type3A_219, %cond3A_220 : i32
      scf.if %cond3A_221 {
        "tpu.region"() ({
          %run_scoped3A = tpu.sem_alloc : memref<!tpu.dma_semaphore, #tpu.memory_space<semaphore_mem>>
          %dma_start3A_222 = arith.constant 0 : i32
          %dma_start3A_223 = tpu.memref_slice %arg19[%dma_start3A_222] : memref<1280xf32, #tpu.memory_space<vmem>> -> memref<32xf32, #tpu.memory_space<vmem>>
          %dma_start3A_224 = arith.constant 19968 : i32
          %dma_start3A_225 = tpu.memref_slice %arg21[%dma_start3A_224] : memref<20096xf32, #tpu.memory_space<vmem_shared>> -> memref<32xf32, #tpu.memory_space<vmem_shared>>
          %dma_start3A_226 = arith.constant 0 : i32
          %dma_start3A_227 = tpu.memref_slice %arg19[%dma_start3A_226] : memref<1280xf32, #tpu.memory_space<vmem>> -> memref<32xf32, #tpu.memory_space<vmem>>
          %dma_start3A_228 = arith.constant 19968 : i32
          %dma_start3A_229 = tpu.memref_slice %arg21[%dma_start3A_228] : memref<20096xf32, #tpu.memory_space<vmem_shared>> -> memref<32xf32, #tpu.memory_space<vmem_shared>>
          tpu.enqueue_dma source(%dma_start3A_229 : memref<32xf32, #tpu.memory_space<vmem_shared>>) target(%dma_start3A_227 : memref<32xf32, #tpu.memory_space<vmem>>) target_semaphore(%run_scoped3A : memref<!tpu.dma_semaphore, #tpu.memory_space<semaphore_mem>>)
          %dma_wait3A_230 = arith.constant 0 : i32
          %dma_wait3A_231 = tpu.memref_slice %arg19[%dma_wait3A_230] : memref<1280xf32, #tpu.memory_space<vmem>> -> memref<32xf32, #tpu.memory_space<vmem>>
          %dma_wait3A_232 = arith.constant 19968 : i32
          %dma_wait3A_233 = tpu.memref_slice %arg21[%dma_wait3A_232] : memref<20096xf32, #tpu.memory_space<vmem_shared>> -> memref<32xf32, #tpu.memory_space<vmem_shared>>
          %dma_wait3A_234 = arith.constant 0 : i32
          %dma_wait3A_235 = tpu.memref_slice %arg19[%dma_wait3A_234] : memref<1280xf32, #tpu.memory_space<vmem>> -> memref<32xf32, #tpu.memory_space<vmem>>
          %dma_wait3A_236 = arith.constant 19968 : i32
          %dma_wait3A_237 = tpu.memref_slice %arg21[%dma_wait3A_236] : memref<20096xf32, #tpu.memory_space<vmem_shared>> -> memref<32xf32, #tpu.memory_space<vmem_shared>>
          tpu.wait_dma2 semaphore(%run_scoped3A : memref<!tpu.dma_semaphore, #tpu.memory_space<semaphore_mem>>) src(%dma_wait3A_237 : memref<32xf32, #tpu.memory_space<vmem_shared>>) dst(%dma_wait3A_235 : memref<32xf32, #tpu.memory_space<vmem>>)
          tpu.yield
        }) : () -> ()
        "tpu.region"() ({
          %run_scoped3A = tpu.sem_alloc : memref<!tpu.dma_semaphore, #tpu.memory_space<semaphore_mem>>
          %dma_start3A_222 = arith.constant 0 : i32
          %dma_start3A_223 = tpu.memref_slice %arg19[%dma_start3A_222] : memref<1280xf32, #tpu.memory_space<vmem>> -> memref<32xf32, #tpu.memory_space<vmem>>
          %dma_start3A_224 = arith.constant 19968 : i32
          %dma_start3A_225 = tpu.memref_slice %arg9[%dma_start3A_224] : memref<20000xf32, #tpu.memory_space<hbm>> -> memref<32xf32, #tpu.memory_space<hbm>>
          %dma_start3A_226 = arith.constant 19968 : i32
          %dma_start3A_227 = tpu.memref_slice %arg9[%dma_start3A_226] : memref<20000xf32, #tpu.memory_space<hbm>> -> memref<32xf32, #tpu.memory_space<hbm>>
          %dma_start3A_228 = arith.constant 0 : i32
          %dma_start3A_229 = tpu.memref_slice %arg19[%dma_start3A_228] : memref<1280xf32, #tpu.memory_space<vmem>> -> memref<32xf32, #tpu.memory_space<vmem>>
          tpu.enqueue_dma source(%dma_start3A_229 : memref<32xf32, #tpu.memory_space<vmem>>) target(%dma_start3A_227 : memref<32xf32, #tpu.memory_space<hbm>>) target_semaphore(%run_scoped3A : memref<!tpu.dma_semaphore, #tpu.memory_space<semaphore_mem>>)
          %dma_wait3A_230 = arith.constant 0 : i32
          %dma_wait3A_231 = tpu.memref_slice %arg19[%dma_wait3A_230] : memref<1280xf32, #tpu.memory_space<vmem>> -> memref<32xf32, #tpu.memory_space<vmem>>
          %dma_wait3A_232 = arith.constant 19968 : i32
          %dma_wait3A_233 = tpu.memref_slice %arg9[%dma_wait3A_232] : memref<20000xf32, #tpu.memory_space<hbm>> -> memref<32xf32, #tpu.memory_space<hbm>>
          %dma_wait3A_234 = arith.constant 19968 : i32
          %dma_wait3A_235 = tpu.memref_slice %arg9[%dma_wait3A_234] : memref<20000xf32, #tpu.memory_space<hbm>> -> memref<32xf32, #tpu.memory_space<hbm>>
          %dma_wait3A_236 = arith.constant 0 : i32
          %dma_wait3A_237 = tpu.memref_slice %arg19[%dma_wait3A_236] : memref<1280xf32, #tpu.memory_space<vmem>> -> memref<32xf32, #tpu.memory_space<vmem>>
          tpu.wait_dma2 semaphore(%run_scoped3A : memref<!tpu.dma_semaphore, #tpu.memory_space<semaphore_mem>>) src(%dma_wait3A_237 : memref<32xf32, #tpu.memory_space<vmem>>) dst(%dma_wait3A_235 : memref<32xf32, #tpu.memory_space<hbm>>)
          tpu.yield
        }) : () -> ()
      } else {
      }
    } else {
    }
    return
  }
}

module attributes {stable_mosaic.version = 14 : i64} {
  func.func @_mm3_body(%arg0: i32, %arg1: memref<2000x128xf32, #tpu.memory_space<vmem>>, %arg2: memref<128x128xf32, #tpu.memory_space<vmem>>, %arg3: memref<128x128xf32, #tpu.memory_space<vmem>>, %arg4: memref<128x128xf32, #tpu.memory_space<vmem>>, %arg5: memref<1x128xf32, #tpu.memory_space<vmem>>, %arg6: memref<1x128xf32, #tpu.memory_space<vmem>>, %arg7: memref<2000x128xbf16, #tpu.memory_space<vmem>>, %arg8: memref<2000x128xf32, #tpu.memory_space<vmem>>, %arg9: memref<2000x128xf32, #tpu.memory_space<vmem>>) attributes {dimension_semantics = [#tpu.dimension_semantics<arbitrary>], iteration_bounds = array<i64: 10>, scalar_prefetch = 0 : i64, scratch_operands = 0 : i64, tpu.core_type = #tpu.core_type<tc>, window_params = [{transform_indices = @transform_0, window_bounds = array<i64: 2000, 128>}, {pipeline_mode = #tpu.pipeline_mode<synchronous>, transform_indices = @transform_1, window_bounds = array<i64: 128, 128>}, {pipeline_mode = #tpu.pipeline_mode<synchronous>, transform_indices = @transform_2, window_bounds = array<i64: 128, 128>}, {pipeline_mode = #tpu.pipeline_mode<synchronous>, transform_indices = @transform_3, window_bounds = array<i64: 128, 128>}, {pipeline_mode = #tpu.pipeline_mode<synchronous>, transform_indices = @transform_4, window_bounds = array<i64: 1, 128>}, {pipeline_mode = #tpu.pipeline_mode<synchronous>, transform_indices = @transform_5, window_bounds = array<i64: 1, 128>}, {transform_indices = @transform_6, window_bounds = array<i64: 2000, 128>}, {transform_indices = @transform_7, window_bounds = array<i64: 2000, 128>}, {transform_indices = @transform_8, window_bounds = array<i64: 2000, 128>}]} {
    %get3A = arith.constant 0 : index
    %get3A_0 = arith.constant 0 : index
    %get3A_1 = vector.load %arg1[%get3A, %get3A_0] : memref<2000x128xf32, #tpu.memory_space<vmem>>, vector<2000x128xf32>
    %get3A_2 = arith.constant 0 : index
    %get3A_3 = arith.constant 0 : index
    %get3A_4 = vector.load %arg2[%get3A_2, %get3A_3] : memref<128x128xf32, #tpu.memory_space<vmem>>, vector<128x128xf32>
    %dot_general3A = arith.constant dense<0.000000e+00> : vector<2000x128xf32>
    %dot_general3A_5 = tpu.matmul %get3A_1, %get3A_4, %dot_general3A {dimension_numbers = #tpu.dot_dimension_numbers<[1], [1], [0], [0], [0, 0, 1, 0], [], []>, precision = #tpu.contract_precision<fp32>, transpose_lhs_hint = false} : vector<2000x128xf32>, vector<128x128xf32>, vector<2000x128xf32> -> vector<2000x128xf32>
    %convert_element_type3A = arith.truncf %dot_general3A_5 : vector<2000x128xf32> to vector<2000x128xbf16>
    %swap3A = arith.constant 0 : index
    %swap3A_6 = arith.constant 0 : index
    %swap3A_7 = vector.load %arg7[%swap3A, %swap3A_6] : memref<2000x128xbf16, #tpu.memory_space<vmem>>, vector<2000x128xbf16>
    tpu.vector_store %arg7[%swap3A, %swap3A_6], %convert_element_type3A {strides = array<i32>} : memref<2000x128xbf16, #tpu.memory_space<vmem>>, vector<2000x128xbf16>,
    %get3A_8 = arith.constant 0 : index
    %get3A_9 = arith.constant 0 : index
    %get3A_10 = vector.load %arg3[%get3A_8, %get3A_9] : memref<128x128xf32, #tpu.memory_space<vmem>>, vector<128x128xf32>
    %dot_general3A_11 = arith.constant dense<0.000000e+00> : vector<2000x128xf32>
    %dot_general3A_12 = tpu.matmul %get3A_1, %get3A_10, %dot_general3A_11 {dimension_numbers = #tpu.dot_dimension_numbers<[1], [1], [0], [0], [0, 0, 1, 0], [], []>, precision = #tpu.contract_precision<fp32>, transpose_lhs_hint = false} : vector<2000x128xf32>, vector<128x128xf32>, vector<2000x128xf32> -> vector<2000x128xf32>
    %get3A_13 = arith.constant 0 : index
    %get3A_14 = arith.constant 0 : index
    %get3A_15 = vector.load %arg5[%get3A_13, %get3A_14] : memref<1x128xf32, #tpu.memory_space<vmem>>, vector<1x128xf32>
    %add3A = vector.broadcast %get3A_15 : vector<1x128xf32> to vector<2000x128xf32>
    %add3A_16 = arith.addf %dot_general3A_12, %add3A : vector<2000x128xf32>
    %swap3A_17 = arith.constant 0 : index
    %swap3A_18 = arith.constant 0 : index
    %swap3A_19 = vector.load %arg8[%swap3A_17, %swap3A_18] : memref<2000x128xf32, #tpu.memory_space<vmem>>, vector<2000x128xf32>
    tpu.vector_store %arg8[%swap3A_17, %swap3A_18], %add3A_16 {strides = array<i32>} : memref<2000x128xf32, #tpu.memory_space<vmem>>, vector<2000x128xf32>,
    %get3A_20 = arith.constant 0 : index
    %get3A_21 = arith.constant 0 : index
    %get3A_22 = vector.load %arg4[%get3A_20, %get3A_21] : memref<128x128xf32, #tpu.memory_space<vmem>>, vector<128x128xf32>
    %dot_general3A_23 = arith.constant dense<0.000000e+00> : vector<2000x128xf32>
    %dot_general3A_24 = tpu.matmul %get3A_1, %get3A_22, %dot_general3A_23 {dimension_numbers = #tpu.dot_dimension_numbers<[1], [1], [0], [0], [0, 0, 1, 0], [], []>, precision = #tpu.contract_precision<fp32>, transpose_lhs_hint = false} : vector<2000x128xf32>, vector<128x128xf32>, vector<2000x128xf32> -> vector<2000x128xf32>
    %get3A_25 = arith.constant 0 : index
    %get3A_26 = arith.constant 0 : index
    %get3A_27 = vector.load %arg6[%get3A_25, %get3A_26] : memref<1x128xf32, #tpu.memory_space<vmem>>, vector<1x128xf32>
    %add3A_28 = vector.broadcast %get3A_27 : vector<1x128xf32> to vector<2000x128xf32>
    %add3A_29 = arith.addf %dot_general3A_24, %add3A_28 : vector<2000x128xf32>
    %swap3A_30 = arith.constant 0 : index
    %swap3A_31 = arith.constant 0 : index
    %swap3A_32 = vector.load %arg9[%swap3A_30, %swap3A_31] : memref<2000x128xf32, #tpu.memory_space<vmem>>, vector<2000x128xf32>
    tpu.vector_store %arg9[%swap3A_30, %swap3A_31], %add3A_29 {strides = array<i32>} : memref<2000x128xf32, #tpu.memory_space<vmem>>, vector<2000x128xf32>,
    return
  }
  func.func @transform_0(%arg0: i32) -> (i32, i32) {
    %c0_i32 = arith.constant 0 : i32
    %c0_i32_0 = arith.constant 0 : i32
    return %arg0, %c0_i32 : i32, i32
  }
  func.func @transform_1(%arg0: i32) -> (i32, i32) {
    %c0_i32 = arith.constant 0 : i32
    %c0_i32_0 = arith.constant 0 : i32
    %c0_i32_1 = arith.constant 0 : i32
    return %c0_i32, %c0_i32_0 : i32, i32
  }
  func.func @transform_2(%arg0: i32) -> (i32, i32) {
    %c0_i32 = arith.constant 0 : i32
    %c0_i32_0 = arith.constant 0 : i32
    %c0_i32_1 = arith.constant 0 : i32
    return %c0_i32, %c0_i32_0 : i32, i32
  }
  func.func @transform_3(%arg0: i32) -> (i32, i32) {
    %c0_i32 = arith.constant 0 : i32
    %c0_i32_0 = arith.constant 0 : i32
    %c0_i32_1 = arith.constant 0 : i32
    return %c0_i32, %c0_i32_0 : i32, i32
  }
  func.func @transform_4(%arg0: i32) -> (i32, i32) {
    %c0_i32 = arith.constant 0 : i32
    %c0_i32_0 = arith.constant 0 : i32
    %c0_i32_1 = arith.constant 0 : i32
    return %c0_i32, %c0_i32_0 : i32, i32
  }
  func.func @transform_5(%arg0: i32) -> (i32, i32) {
    %c0_i32 = arith.constant 0 : i32
    %c0_i32_0 = arith.constant 0 : i32
    %c0_i32_1 = arith.constant 0 : i32
    return %c0_i32, %c0_i32_0 : i32, i32
  }
  func.func @transform_6(%arg0: i32) -> (i32, i32) {
    %c0_i32 = arith.constant 0 : i32
    %c0_i32_0 = arith.constant 0 : i32
    return %arg0, %c0_i32 : i32, i32
  }
  func.func @transform_7(%arg0: i32) -> (i32, i32) {
    %c0_i32 = arith.constant 0 : i32
    %c0_i32_0 = arith.constant 0 : i32
    return %arg0, %c0_i32 : i32, i32
  }
  func.func @transform_8(%arg0: i32) -> (i32, i32) {
    %c0_i32 = arith.constant 0 : i32
    %c0_i32_0 = arith.constant 0 : i32
    return %arg0, %c0_i32 : i32, i32
  }
}

module attributes {stable_mosaic.version = 14 : i64} {
  func.func @_mm3_body(%arg0: i32, %arg1: memref<2000x128xf32, #tpu.memory_space<vmem>>, %arg2: memref<128x128xf32, #tpu.memory_space<vmem>>, %arg3: memref<128x128xf32, #tpu.memory_space<vmem>>, %arg4: memref<128x128xf32, #tpu.memory_space<vmem>>, %arg5: memref<1x128xf32, #tpu.memory_space<vmem>>, %arg6: memref<1x128xf32, #tpu.memory_space<vmem>>, %arg7: memref<2000x128xbf16, #tpu.memory_space<vmem>>, %arg8: memref<2000x128xf32, #tpu.memory_space<vmem>>, %arg9: memref<2000x128xf32, #tpu.memory_space<vmem>>) attributes {dimension_semantics = [#tpu.dimension_semantics<arbitrary>], iteration_bounds = array<i64: 5>, scalar_prefetch = 0 : i64, scratch_operands = 0 : i64, tpu.core_type = #tpu.core_type<tc>, window_params = [{transform_indices = @transform_0, window_bounds = array<i64: 2000, 128>}, {pipeline_mode = #tpu.pipeline_mode<synchronous>, transform_indices = @transform_1, window_bounds = array<i64: 128, 128>}, {pipeline_mode = #tpu.pipeline_mode<synchronous>, transform_indices = @transform_2, window_bounds = array<i64: 128, 128>}, {pipeline_mode = #tpu.pipeline_mode<synchronous>, transform_indices = @transform_3, window_bounds = array<i64: 128, 128>}, {pipeline_mode = #tpu.pipeline_mode<synchronous>, transform_indices = @transform_4, window_bounds = array<i64: 1, 128>}, {pipeline_mode = #tpu.pipeline_mode<synchronous>, transform_indices = @transform_5, window_bounds = array<i64: 1, 128>}, {transform_indices = @transform_6, window_bounds = array<i64: 2000, 128>}, {transform_indices = @transform_7, window_bounds = array<i64: 2000, 128>}, {transform_indices = @transform_8, window_bounds = array<i64: 2000, 128>}]} {
    %get3A = arith.constant 0 : index
    %get3A_0 = arith.constant 0 : index
    %get3A_1 = vector.load %arg1[%get3A, %get3A_0] : memref<2000x128xf32, #tpu.memory_space<vmem>>, vector<2000x128xf32>
    %get3A_2 = arith.constant 0 : index
    %get3A_3 = arith.constant 0 : index
    %get3A_4 = vector.load %arg2[%get3A_2, %get3A_3] : memref<128x128xf32, #tpu.memory_space<vmem>>, vector<128x128xf32>
    %dot_general3A = arith.constant dense<0.000000e+00> : vector<2000x128xf32>
    %dot_general3A_5 = tpu.matmul %get3A_1, %get3A_4, %dot_general3A {dimension_numbers = #tpu.dot_dimension_numbers<[1], [1], [0], [0], [0, 0, 1, 0], [], []>, precision = #tpu.contract_precision<fp32>, transpose_lhs_hint = false} : vector<2000x128xf32>, vector<128x128xf32>, vector<2000x128xf32> -> vector<2000x128xf32>
    %convert_element_type3A = arith.truncf %dot_general3A_5 : vector<2000x128xf32> to vector<2000x128xbf16>
    %swap3A = arith.constant 0 : index
    %swap3A_6 = arith.constant 0 : index
    %swap3A_7 = vector.load %arg7[%swap3A, %swap3A_6] : memref<2000x128xbf16, #tpu.memory_space<vmem>>, vector<2000x128xbf16>
    tpu.vector_store %arg7[%swap3A, %swap3A_6], %convert_element_type3A {strides = array<i32>} : memref<2000x128xbf16, #tpu.memory_space<vmem>>, vector<2000x128xbf16>,
    %get3A_8 = arith.constant 0 : index
    %get3A_9 = arith.constant 0 : index
    %get3A_10 = vector.load %arg3[%get3A_8, %get3A_9] : memref<128x128xf32, #tpu.memory_space<vmem>>, vector<128x128xf32>
    %dot_general3A_11 = arith.constant dense<0.000000e+00> : vector<2000x128xf32>
    %dot_general3A_12 = tpu.matmul %get3A_1, %get3A_10, %dot_general3A_11 {dimension_numbers = #tpu.dot_dimension_numbers<[1], [1], [0], [0], [0, 0, 1, 0], [], []>, precision = #tpu.contract_precision<fp32>, transpose_lhs_hint = false} : vector<2000x128xf32>, vector<128x128xf32>, vector<2000x128xf32> -> vector<2000x128xf32>
    %get3A_13 = arith.constant 0 : index
    %get3A_14 = arith.constant 0 : index
    %get3A_15 = vector.load %arg5[%get3A_13, %get3A_14] : memref<1x128xf32, #tpu.memory_space<vmem>>, vector<1x128xf32>
    %add3A = vector.broadcast %get3A_15 : vector<1x128xf32> to vector<2000x128xf32>
    %add3A_16 = arith.addf %dot_general3A_12, %add3A : vector<2000x128xf32>
    %swap3A_17 = arith.constant 0 : index
    %swap3A_18 = arith.constant 0 : index
    %swap3A_19 = vector.load %arg8[%swap3A_17, %swap3A_18] : memref<2000x128xf32, #tpu.memory_space<vmem>>, vector<2000x128xf32>
    tpu.vector_store %arg8[%swap3A_17, %swap3A_18], %add3A_16 {strides = array<i32>} : memref<2000x128xf32, #tpu.memory_space<vmem>>, vector<2000x128xf32>,
    %get3A_20 = arith.constant 0 : index
    %get3A_21 = arith.constant 0 : index
    %get3A_22 = vector.load %arg4[%get3A_20, %get3A_21] : memref<128x128xf32, #tpu.memory_space<vmem>>, vector<128x128xf32>
    %dot_general3A_23 = arith.constant dense<0.000000e+00> : vector<2000x128xf32>
    %dot_general3A_24 = tpu.matmul %get3A_1, %get3A_22, %dot_general3A_23 {dimension_numbers = #tpu.dot_dimension_numbers<[1], [1], [0], [0], [0, 0, 1, 0], [], []>, precision = #tpu.contract_precision<fp32>, transpose_lhs_hint = false} : vector<2000x128xf32>, vector<128x128xf32>, vector<2000x128xf32> -> vector<2000x128xf32>
    %get3A_25 = arith.constant 0 : index
    %get3A_26 = arith.constant 0 : index
    %get3A_27 = vector.load %arg6[%get3A_25, %get3A_26] : memref<1x128xf32, #tpu.memory_space<vmem>>, vector<1x128xf32>
    %add3A_28 = vector.broadcast %get3A_27 : vector<1x128xf32> to vector<2000x128xf32>
    %add3A_29 = arith.addf %dot_general3A_24, %add3A_28 : vector<2000x128xf32>
    %swap3A_30 = arith.constant 0 : index
    %swap3A_31 = arith.constant 0 : index
    %swap3A_32 = vector.load %arg9[%swap3A_30, %swap3A_31] : memref<2000x128xf32, #tpu.memory_space<vmem>>, vector<2000x128xf32>
    tpu.vector_store %arg9[%swap3A_30, %swap3A_31], %add3A_29 {strides = array<i32>} : memref<2000x128xf32, #tpu.memory_space<vmem>>, vector<2000x128xf32>,
    return
  }
  func.func @transform_0(%arg0: i32) -> (i32, i32) {
    %c0_i32 = arith.constant 0 : i32
    %c0_i32_0 = arith.constant 0 : i32
    return %arg0, %c0_i32 : i32, i32
  }
  func.func @transform_1(%arg0: i32) -> (i32, i32) {
    %c0_i32 = arith.constant 0 : i32
    %c0_i32_0 = arith.constant 0 : i32
    %c0_i32_1 = arith.constant 0 : i32
    return %c0_i32, %c0_i32_0 : i32, i32
  }
  func.func @transform_2(%arg0: i32) -> (i32, i32) {
    %c0_i32 = arith.constant 0 : i32
    %c0_i32_0 = arith.constant 0 : i32
    %c0_i32_1 = arith.constant 0 : i32
    return %c0_i32, %c0_i32_0 : i32, i32
  }
  func.func @transform_3(%arg0: i32) -> (i32, i32) {
    %c0_i32 = arith.constant 0 : i32
    %c0_i32_0 = arith.constant 0 : i32
    %c0_i32_1 = arith.constant 0 : i32
    return %c0_i32, %c0_i32_0 : i32, i32
  }
  func.func @transform_4(%arg0: i32) -> (i32, i32) {
    %c0_i32 = arith.constant 0 : i32
    %c0_i32_0 = arith.constant 0 : i32
    %c0_i32_1 = arith.constant 0 : i32
    return %c0_i32, %c0_i32_0 : i32, i32
  }
  func.func @transform_5(%arg0: i32) -> (i32, i32) {
    %c0_i32 = arith.constant 0 : i32
    %c0_i32_0 = arith.constant 0 : i32
    %c0_i32_1 = arith.constant 0 : i32
    return %c0_i32, %c0_i32_0 : i32, i32
  }
  func.func @transform_6(%arg0: i32) -> (i32, i32) {
    %c0_i32 = arith.constant 0 : i32
    %c0_i32_0 = arith.constant 0 : i32
    return %arg0, %c0_i32 : i32, i32
  }
  func.func @transform_7(%arg0: i32) -> (i32, i32) {
    %c0_i32 = arith.constant 0 : i32
    %c0_i32_0 = arith.constant 0 : i32
    return %arg0, %c0_i32 : i32, i32
  }
  func.func @transform_8(%arg0: i32) -> (i32, i32) {
    %c0_i32 = arith.constant 0 : i32
    %c0_i32_0 = arith.constant 0 : i32
    return %arg0, %c0_i32 : i32, i32
  }
}

module attributes {stable_mosaic.version = 14 : i64} {
  func.func @_final_body(%arg0: i32, %arg1: memref<2000x64xbf16, #tpu.memory_space<vmem>>, %arg2: memref<2000x64xbf16, #tpu.memory_space<vmem>>, %arg3: memref<1x1x2000xf32, #tpu.memory_space<vmem>>, %arg4: memref<2000x128xf32, #tpu.memory_space<vmem>>, %arg5: memref<2000x128xf32, #tpu.memory_space<vmem>>, %arg6: memref<128x128xf32, #tpu.memory_space<vmem>>, %arg7: memref<1x128xf32, #tpu.memory_space<vmem>>, %arg8: memref<2000x128xf32, #tpu.memory_space<vmem>>) attributes {dimension_semantics = [#tpu.dimension_semantics<arbitrary>], iteration_bounds = array<i64: 10>, scalar_prefetch = 0 : i64, scratch_operands = 0 : i64, tpu.core_type = #tpu.core_type<tc>, window_params = [{transform_indices = @transform_0, window_bounds = array<i64: 2000, 64>}, {transform_indices = @transform_1, window_bounds = array<i64: 2000, 64>}, {transform_indices = @transform_2, window_bounds = array<i64: 1, 1, 2000>}, {transform_indices = @transform_3, window_bounds = array<i64: 2000, 128>}, {transform_indices = @transform_4, window_bounds = array<i64: 2000, 128>}, {pipeline_mode = #tpu.pipeline_mode<synchronous>, transform_indices = @transform_5, window_bounds = array<i64: 128, 128>}, {pipeline_mode = #tpu.pipeline_mode<synchronous>, transform_indices = @transform_6, window_bounds = array<i64: 1, 128>}, {transform_indices = @transform_7, window_bounds = array<i64: 2000, 128>}]} {
    %get3A = arith.constant 0 : index
    %get3A_0 = arith.constant 0 : index
    %get3A_1 = arith.constant 0 : index
    %get3A_2 = vector.load %arg3[%get3A, %get3A_0, %get3A_1] : memref<1x1x2000xf32, #tpu.memory_space<vmem>>, vector<1x1x2000xf32>
    %reshape3A = vector.shape_cast %get3A_2 : vector<1x1x2000xf32> to vector<2000x1xf32>
    %get3A_3 = arith.constant 0 : index
    %get3A_4 = arith.constant 0 : index
    %get3A_5 = vector.load %arg1[%get3A_3, %get3A_4] : memref<2000x64xbf16, #tpu.memory_space<vmem>>, vector<2000x64xbf16>
    %get3A_6 = arith.constant 0 : index
    %get3A_7 = arith.constant 0 : index
    %get3A_8 = vector.load %arg2[%get3A_6, %get3A_7] : memref<2000x64xbf16, #tpu.memory_space<vmem>>, vector<2000x64xbf16>
    %concatenate3A = tpu.concatenate %get3A_5, %get3A_8 in 1 : vector<2000x64xbf16>, vector<2000x64xbf16> -> vector<2000x128xbf16>
    %convert_element_type3A = arith.extf %concatenate3A : vector<2000x128xbf16> to vector<2000x128xf32>
    %get3A_9 = arith.constant 0 : index
    %get3A_10 = arith.constant 0 : index
    %get3A_11 = vector.load %arg4[%get3A_9, %get3A_10] : memref<2000x128xf32, #tpu.memory_space<vmem>>, vector<2000x128xf32>
    %mul3A = vector.broadcast %reshape3A : vector<2000x1xf32> to vector<2000x128xf32>
    %mul3A_12 = arith.mulf %mul3A, %get3A_11 : vector<2000x128xf32>
    %add3A = arith.addf %convert_element_type3A, %mul3A_12 : vector<2000x128xf32>
    %max3A = arith.constant 1.000000e+00 : f32
    %max3A_13 = vector.broadcast %max3A : f32 to vector<2000x1xf32>
    %max3A_14 = arith.maximumf %reshape3A, %max3A_13 : vector<2000x1xf32>
    %div3A = vector.broadcast %max3A_14 : vector<2000x1xf32> to vector<2000x128xf32>
    %div3A_15 = arith.divf %add3A, %div3A : vector<2000x128xf32>
    %get3A_16 = arith.constant 0 : index
    %get3A_17 = arith.constant 0 : index
    %get3A_18 = vector.load %arg5[%get3A_16, %get3A_17] : memref<2000x128xf32, #tpu.memory_space<vmem>>, vector<2000x128xf32>
    %get3A_19 = arith.constant 0 : index
    %get3A_20 = arith.constant 0 : index
    %get3A_21 = vector.load %arg6[%get3A_19, %get3A_20] : memref<128x128xf32, #tpu.memory_space<vmem>>, vector<128x128xf32>
    %dot_general3A = arith.constant dense<0.000000e+00> : vector<2000x128xf32>
    %dot_general3A_22 = tpu.matmul %div3A_15, %get3A_21, %dot_general3A {dimension_numbers = #tpu.dot_dimension_numbers<[1], [1], [0], [0], [0, 0, 1, 0], [], []>, precision = #tpu.contract_precision<fp32>, transpose_lhs_hint = false} : vector<2000x128xf32>, vector<128x128xf32>, vector<2000x128xf32> -> vector<2000x128xf32>
    %add3A_23 = arith.addf %get3A_18, %dot_general3A_22 : vector<2000x128xf32>
    %get3A_24 = arith.constant 0 : index
    %get3A_25 = arith.constant 0 : index
    %get3A_26 = vector.load %arg7[%get3A_24, %get3A_25] : memref<1x128xf32, #tpu.memory_space<vmem>>, vector<1x128xf32>
    %add3A_27 = vector.broadcast %get3A_26 : vector<1x128xf32> to vector<2000x128xf32>
    %add3A_28 = arith.addf %add3A_23, %add3A_27 : vector<2000x128xf32>
    %swap3A = arith.constant 0 : index
    %swap3A_29 = arith.constant 0 : index
    %swap3A_30 = vector.load %arg8[%swap3A, %swap3A_29] : memref<2000x128xf32, #tpu.memory_space<vmem>>, vector<2000x128xf32>
    tpu.vector_store %arg8[%swap3A, %swap3A_29], %add3A_28 {strides = array<i32>} : memref<2000x128xf32, #tpu.memory_space<vmem>>, vector<2000x128xf32>,
    return
  }
  func.func @transform_0(%arg0: i32) -> (i32, i32) {
    %c0_i32 = arith.constant 0 : i32
    %c0_i32_0 = arith.constant 0 : i32
    return %arg0, %c0_i32 : i32, i32
  }
  func.func @transform_1(%arg0: i32) -> (i32, i32) {
    %c0_i32 = arith.constant 0 : i32
    %c0_i32_0 = arith.constant 0 : i32
    return %arg0, %c0_i32 : i32, i32
  }
  func.func @transform_2(%arg0: i32) -> (i32, i32, i32) {
    %c0_i32 = arith.constant 0 : i32
    %c0_i32_0 = arith.constant 0 : i32
    %c0_i32_1 = arith.constant 0 : i32
    return %arg0, %c0_i32, %c0_i32_0 : i32, i32, i32
  }
  func.func @transform_3(%arg0: i32) -> (i32, i32) {
    %c0_i32 = arith.constant 0 : i32
    %c0_i32_0 = arith.constant 0 : i32
    return %arg0, %c0_i32 : i32, i32
  }
  func.func @transform_4(%arg0: i32) -> (i32, i32) {
    %c0_i32 = arith.constant 0 : i32
    %c0_i32_0 = arith.constant 0 : i32
    return %arg0, %c0_i32 : i32, i32
  }
  func.func @transform_5(%arg0: i32) -> (i32, i32) {
    %c0_i32 = arith.constant 0 : i32
    %c0_i32_0 = arith.constant 0 : i32
    %c0_i32_1 = arith.constant 0 : i32
    return %c0_i32, %c0_i32_0 : i32, i32
  }
  func.func @transform_6(%arg0: i32) -> (i32, i32) {
    %c0_i32 = arith.constant 0 : i32
    %c0_i32_0 = arith.constant 0 : i32
    %c0_i32_1 = arith.constant 0 : i32
    return %c0_i32, %c0_i32_0 : i32, i32
  }
  func.func @transform_7(%arg0: i32) -> (i32, i32) {
    %c0_i32 = arith.constant 0 : i32
    %c0_i32_0 = arith.constant 0 : i32
    return %arg0, %c0_i32 : i32, i32
  }
}

</mosaic_0001>

<sc_bundles>
// kernel: kernel.6.cloned.1.call-start
scs
__scs_entry_jumppad:
0x0: {  	(pc) =	sbr.rel $0x88, $3  }
0x1: {  	(tag) =	ssettag $0x0;
	lr =	simm.s32 $0x1  }
0x2: {  	[smem:$0x3F97] =	sst lr;
	_ =	strace $0xD0000000  }
0x3: {  	_ = 	snop  }
0x4: {  	_ = 	snop  }
0x5: {  	_ = 	snop  }
0x6: {  	_ = 	snop  }
0x7: {  	_ = 	snop  }
__scs_overlays_trampoline_lowered:
0x8: {  	[smem:$0x3FA6] =	sst s0  }
0x9: {  	[smem:$0x3FA7] =	sst s1  }
0xa: {  	[smem:$0x3FA8] =	sst s2  }
0xb: {  	[smem:$0x3FA9] =	sst s3  }
0xc: {  	[smem:$0x3FAA] =	sst s4  }
0xd: {  	[smem:$0x3FAB] =	sst s5  }
0xe: {  	[smem:$0x3FAC] =	sst s6  }
0xf: {  	[smem:$0x3FAD] =	sst s7  }
0x10: {  	[smem:$0x3FAE] =	sst s8  }
0x11: {  	[smem:$0x3FAF] =	sst s9;
	s0 =	simm.s32 @!p0 $0x0  }
0x12: {  	s1 =	sld [smem:$0x3F95];
	s0 =	simm.s32 @p0 $0x1  }
0x13: {  	[smem:$0x3FB0] =	sst s0;
	s0 =	simm.s32 @!p1 $0x0  }
0x14: {  	s2 =	sld [smem:$0x3F94];
	s0 =	simm.s32 @p1 $0x1  }
0x15: {  	[smem:$0x3FB1] =	sst s0;
	s0 =	simm.s32 @!p2 $0x0  }
0x16: {  	s3 =	sld [smem:$0x3FDB];
	s0 =	simm.s32 @p2 $0x1  }
0x17: {  	s4 =	simm.s32 $0x1BF5;
	[smem:$0x3FB3] =	sst s0  }
0x18: {  	s0 =	sld [smem:$0x3F96];
	_ =	swait.ge [sflag:s4], $0x0  }
0x19: {  	s7 =	sld [smem:$0x3F97]  }
0x1a: {  	s8 =	sadd.s32 $0xFFFFE003, lr  }
0x1b: {  	s9 =	sadd.s32 $0xFFFFFEF7, lr;
	s5 =	simm.s32 $0xFFFFFFFF;
	p2 =	slt.u32 s8, $0xFFFFF086  }
0x1c: {  	p1 =	slt.u32 s9, $0xF7A;
	s5 =	simm.s32 @!p2 $0x0  }
0x1d: {  	s5 =	simm.s32 @p1 $0x1;
	p0 =	seq.s32 s7, s2  }
0x1e: {  	s7 =	smul.u32 @!p0 $0xF7A, s2;
	p2 =	seq.s32 @!p0 s5, $0x0  }
0x1f: {  	s9 =	smul.u32 $0xF7A, s1;
	s8 =	simm.s32 @!p0 $0x1BF5;
	p2 =	por !p2, p0  }
0x20: {  	[sflag:s8] =	ssyncset.s32 @!p0 $0xFFFFF086;
	s6 =	sadd.s32 @!p0 s3, s7;
	s7 =	simm.s32 @!p0 $0x108  }
0x21: {  	s3 =	sadd.s32 s3, s9;
	s6 =	sadd.s32 @!p0 $0x88, s6;
	s7 =	simm.s32 @p2 $0x1082  }
0x22: {  	[simem:s7], [sflag:s8] =	dma.local @!p0 [hbm:s6], $0xF7A  }
0x23: {  	s9 =	sor.u32 $0xD0000000, s2;
	s6 =	simm.s32 $0x108;
	_ =	swait.ge @!p0 [sflag:s8], $0x0  }
0x24: {  	s3 =	sadd.s32 $0x88, s3;
	s6 =	simm.s32 @!p1 $0x1082;
	[sflag:s4] =	ssyncset.s32 $0xFFFFF086  }
0x25: {  	[simem:s6], [sflag:s4] =	dma.local [hbm:s3], $0xF7A  }
0x26: {  	[smem:$0x3F97] =	sst s1;
	(tag) =	ssettag s2;
	_ =	strace s9  }
0x27: {  	s1 =	sld [smem:$0x3FA7]  }
0x28: {  	s2 =	sld [smem:$0x3FA8]  }
0x29: {  	s4 =	sld [smem:$0x3FAA]  }
0x2a: {  	p0 =	seq.s32 s5, $0x0;
	s5 =	sld [smem:$0x3FAB]  }
0x2b: {  	s6 =	sld [smem:$0x3FAC]  }
0x2c: {  	s7 =	sld [smem:$0x3FAD]  }
0x2d: {  	s3 =	simm.s32 $0x108;
	s8 =	sld [smem:$0x3FAE]  }
0x2e: {  	s3 =	simm.s32 @!p0 $0x1082;
	s9 =	sld [smem:$0x3FAF]  }
0x2f: {  	lr =	sadd.s32 s0, s3;
	s0 =	sld [smem:$0x3FA6]  }
0x30: {  	s3 =	sld [smem:$0x3FA9]  }
0x31: {  	[smem:$0x3FB2] =	sst s10  }
0x32: {  	s10 =	sld [smem:$0x3FB0];
	_ =	sdelay $0x3  }
0x33: {  	p0 =	seq.s32 s10, $0x1;
	s10 =	sld [smem:$0x3FB2];
	_ =	sdelay $0x3  }
0x34: {  	[smem:$0x3FB2] =	sst s10  }
0x35: {  	s10 =	sld [smem:$0x3FB1];
	_ =	sdelay $0x3  }
0x36: {  	p1 =	seq.s32 s10, $0x1;
	s10 =	sld [smem:$0x3FB2];
	_ =	sdelay $0x3  }
0x37: {  	[smem:$0x3FB2] =	sst s10  }
0x38: {  	s10 =	sld [smem:$0x3FB3]  }
0x39: {  	_ = 	snop;
	(pc) =	sbr.ind lr, $3  }
0x3a: {  	_ = 	snop  }
0x3b: {  	_ = 	snop  }
0x3c: {  	p2 =	seq.s32 s10, $0x1;
	s10 =	sld [smem:$0x3FB2]  }
0x3d: {  	_ =	shalt  }
0x3e: {  	_ =	shalt  }
0x3f: {  	_ =	shalt  }
0x40: {  	_ =	shalt  }
0x41: {  	_ =	shalt  }
0x42: {  	_ =	shalt  }
0x43: {  	_ =	shalt  }
0x44: {  	_ =	shalt  }
0x45: {  	_ =	shalt  }
0x46: {  	_ =	shalt  }
0x47: {  	_ =	shalt  }
0x48: {  	_ =	shalt  }
0x49: {  	_ =	shalt  }
0x4a: {  	_ =	shalt  }
0x4b: {  	_ =	shalt  }
0x4c: {  	_ =	shalt  }
0x4d: {  	_ =	shalt  }
0x4e: {  	_ =	shalt  }
0x4f: {  	_ =	shalt  }
0x50: {  	_ =	shalt  }
0x51: {  	_ =	shalt  }
0x52: {  	_ =	shalt  }
0x53: {  	_ =	shalt  }
0x54: {  	_ =	shalt  }
0x55: {  	_ =	shalt  }
0x56: {  	_ =	shalt  }
0x57: {  	_ =	shalt  }
0x58: {  	_ =	shalt  }
0x59: {  	_ =	shalt  }
0x5a: {  	_ =	shalt  }
0x5b: {  	_ =	shalt  }
0x5c: {  	_ =	shalt  }
0x5d: {  	_ =	shalt  }
0x5e: {  	_ =	shalt  }
0x5f: {  	_ =	shalt  }
0x60: {  	_ =	shalt  }
0x61: {  	_ =	shalt  }
0x62: {  	_ =	shalt  }
0x63: {  	_ =	shalt  }
0x64: {  	_ =	shalt  }
0x65: {  	_ =	shalt  }
0x66: {  	_ =	shalt  }
0x67: {  	_ =	shalt  }
0x68: {  	_ =	shalt  }
0x69: {  	_ =	shalt  }
0x6a: {  	_ =	shalt  }
0x6b: {  	_ =	shalt  }
0x6c: {  	_ =	shalt  }
0x6d: {  	_ =	shalt  }
0x6e: {  	_ =	shalt  }
0x6f: {  	_ =	shalt  }
0x70: {  	_ =	shalt  }
0x71: {  	_ =	shalt  }
0x72: {  	_ =	shalt  }
0x73: {  	_ =	shalt  }
0x74: {  	_ =	shalt  }
0x75: {  	_ =	shalt  }
0x76: {  	_ =	shalt  }
0x77: {  	_ =	shalt  }
0x78: {  	_ =	shalt  }
0x79: {  	_ =	shalt  }
0x7a: {  	_ =	shalt  }
0x7b: {  	_ =	shalt  }
0x7c: {  	_ =	shalt  }
0x7d: {  	_ =	shalt  }
0x7e: {  	_ =	shalt  }
0x7f: {  	_ =	shalt  }
0x80: {  	_ =	shalt  }
0x81: {  	_ =	shalt  }
0x82: {  	_ =	shalt  }
0x83: {  	_ =	shalt  }
0x84: {  	_ =	shalt  }
0x85: {  	_ =	shalt  }
0x86: {  	_ =	shalt  }
0x87: {  	_ =	shalt  }
.Lfunc_end0:
.L_simem_size_0:
called_computation_lowered:
.L_overlay_start_0:
0x88: {  	s2 =	sld [smem:$0x3FD9]  }
0x89: {  	s3 =	sld [smem:$0x3FFE];
	_ =	sdelay $0x1  }
0x8a: {  	s1 =	srdreg.scid  }
0x8b: {  	s0 =	sand.u32 $0x1, s1  }
0x8c: {  	s14 =	sshll.u32 s0, $0xA;
	s2 =	sadd.s32 s3, s2  }
0x8d: {  	s2 =	sadd.s32 s2, s14  }
0x8e: {  	[smem:$0x3FBE] =	sst s2  }
0x8f: {  	_ = 	snop  }
0x90: {  	s2 =	sld [smem:$0x3FD0];
	_ =	sdelay $0x2  }
0x91: {  	s15 =	simm.s32 $0xA;
	s4 =	simm.s32 $0x10  }
0x92: {  	[smem:s4], [sflag:s15] =	dma.local [hbm:s2], $0x1  }
0x93: {  	_ =	swait.eq [sflag:s15], $0x1  }
0x94: {  	[sflag:s15] =	ssyncset.done $0x0  }
0x95: {  	[sflag:s15] =	ssyncadd.s32 $0xFFFFFFFF  }
0x96: {  	s16 =	sld [smem:$0x10];
	(tm) =	ssettm $0x1  }
0x97: {  	s17 =	sld [smem:$0x3FFB];
	_ =	sdelay $0x3  }
0x98: {  	_ =	strace s17  }
0x99: {  	s3 =	sld [smem:$0x3FFC];
	_ =	sdelay $0x3  }
0x9a: {  	_ =	strace s3  }
0x9b: {  	s3 =	sld [smem:$0x3FFD];
	_ =	sdelay $0x3  }
0x9c: {  	_ =	strace s3  }
0x9d: {  	_ =	strace $0x8FFFFFFF  }
0x9e: {  	s18 =	sld [smem:$0x3FDB];
	_ =	sdelay $0x1  }
0x9f: {  	s19 =	simm.s32 $_scs_section_size  }
0xa0: {  	s5 =	simm.s32 $_size__tile_overlayer_lowered;
	s6 =	simm.s32 $_tile_overlayer_lowered  }
0xa1: {  	s22 =	simm.s32 $0x1BFF;
	s21 =	sshll.u32 s6, $0x1;
	s3 =	sadd.s32 s19, s18  }
0xa2: {  	s7 =	simm.s32 $0x0;
	s20 =	sshll.u32 s5, $0x1;
	s5 =	sadd.s32 s21, s3  }
0xa3: {  	[timem:s7], [sflag:s22] =	dma.local [hbm:s5], s20  }
0xa4: {  	_ =	swait.ge [sflag:s22], s20  }
0xa5: {  	s4 =	ssub.s32 $0x0, s20;
	[sflag:s22] =	ssyncset.done $0x0  }
0xa6: {  	[sflag:s22] =	ssyncadd.s32 s4;
	_ =	sdelay $0x1  }
0xa7: {  	s23 =	simm.s32 $0x1B8B  }
0xa8: {  	_ =	swait.ge [sflag:s23], $0x1  }
0xa9: {  	[sflag:s23] =	ssyncset.done $0x0  }
0xaa: {  	s25 =	simm.s32 $0x1B8E;
	s24 =	sld [smem:$0x3FFE];
	[sflag:s23] =	ssyncadd.s32 $0xFFFFFFFF  }
0xab: {  	s26 =	simm.s32 $execute0_lowered;
	[smem:$0x3FD2] =	sst s25  }
0xac: {  	s5 =	sshll.u32 s26, $0x1;
	_ =	strace $0x80000046;
	[dreg:$0x1] =	wrdreg $0xFFFFFFFF  }
0xad: {  	s28 =	simm.s32 $_size_execute0_lowered;
	s3 =	sadd.s32 s3, s5;
	[dreg:$0x0] =	wrdreg $0x0  }
0xae: {  	s5 =	sshll.u32 s28, $0x1;
	[dreg:$0x2] =	wrdreg s3  }
0xaf: {  	[dreg:$0x3] =	wrdreg s5  }
0xb0: {  	[dreg:$0x4] =	wrdreg $0xC0  }
0xb1: {  	_ =	task [dreg:s7], $0x5FFFF  }
0xb2: {  	[dreg:$0x1] =	wrdreg $0xFFFFFFFF  }
0xb3: {  	[dreg:$0x0] =	wrdreg $0x60  }
0xb4: {  	[dreg:$0x2] =	wrdreg s16  }
0xb5: {  	[dreg:$0x3] =	wrdreg s24  }
0xb6: {  	[dreg:$0x4] =	wrdreg $0x41D00  }
0xb7: {  	[dreg:$0x5] =	wrdreg $0xDED00  }
0xb8: {  	[dreg:$0x6] =	wrdreg $0x9  }
0xb9: {  	_ =	task.clear_ibuf [dreg:s7], $0x7FFFF;
	_ =	strace $0x90000046  }
0xba: {  	s29 =	simm.s32 $0x9;
	_ =	strace $0x80000048  }
0xbb: {  	_ =	swait.ge [sflag:s29], $0x1  }
0xbc: {  	[sflag:s29] =	ssyncadd.s32 $0xFFFFFFFF  }
0xbd: {  	_ =	strace $0x90000048  }
0xbe: {  	_ =	sfence  }
0xbf: {  	s30 =	sld [smem:$0x0];
	_ =	sdelay $0x2  }
0xc0: {  	s31 =	sshll.u32 s1, $0xD;
	s1 =	sshrl.u32 s1, $0x2  }
0xc1: {  	s3 =	sand.u32 $0x4000, s31;
	s1 =	sadd.s32 s1, s30  }
0xc2: {  	s0 =	sor.u32 s3, s0;
	s1 =	sshll.u32 s1, $0x11  }
0xc3: {  	s0 =	sor.u32 s1, s0  }
0xc4: {  	s0 =	sadd.s32 $0x8F2B, s0  }
0xc5: {  	[sflag:s0] =	ssyncadd.remote.s32 $0x1  }
0xc6: {  	_ =	sfence.sel $0xFFFF  }
0xc7: {  	[dreg:$0x0] =	wrdreg $0xFFFFFFFF;
	(pc) =	sbr.abs _section_cstart, $3  }
0xc8: {  	[dreg:$0x1] =	wrdreg $0xFFFFFFFF  }
0xc9: {  	_ =	task.clear_ibuf [dreg:s7], $0x2FFFF;
	_ =	strace $0x9FFFFFFF  }
0xca: {  	(tm) =	ssettm $0x7FFFFFFF  }
0xcb: {  	_ =	shalt  }
tec
execute0_lowered:
.L_overlay_start_1:
0x0: {  	(tag) =	ssettag $0x1  }
0x1: {  	s1 =	rddreg [dreg:$0x0]  }
0x2: {  	s0 =	rddreg [dreg:$0x1]  }
0x3: {  	s2 =	rddreg [dreg:$0x2]  }
0x4: {  	s3 =	rddreg [dreg:$0x3]  }
0x5: {  	s4 =	simm.s32 $0x0;
	s18 =	stileid.u32;
	s9 =	srdreg.scid  }
0x6: {  	[smem:$0x7FF] =	sst s4;
	s5 =	smul.u32 $0x1F4, s18  }
0x7: {  	s6 =	sadd.s32 $0x4FC00, s0;
	s7 =	sadd.s32 $0x6D400, s0;
	s10 =	smul.u32 $0x4E0, s18  }
0x8: {  	s8 =	sadd.s32 $0x63600, s0;
	s11 =	sand.u32 $0x1, s9;
	s17 =	smul.u32 $0x27400, s18  }
0x9: {  	s12 =	sadd.s32 $0x7B200, s0;
	s19 =	smul.u32 $0x13A0, s18;
	p0 =	sne.s32 s18, $0x0  }
0xa: {  	_ =	strace $0x80000047;
	s14 =	ssub.s32 $0x2, s11;
	s5 =	sadd.s32 s5, s0  }
0xb: {  	s31 =	smul.u32 $0x4E20, s11;
	s13 =	sshrl.u32 s10, $0x3;
	s25 =	sadd.s32 $0x79200, s5  }
0xc: {  	s9 =	sshrl.u32 s17, $0x2;
	s5 =	sadd.s32 $0x77200, s5;
	[dreg:$0xb] =	wrdreg s25  }
0xd: {  	s23 =	sadd.s32 s10, s31;
	s10 =	sadd.s32 s10, s3;
	[dreg:$0xc] =	wrdreg s5  }
0xe: {  	s13 =	sadd.s32 s13, s0;
	s0 =	sadd.s32 $0xA2DC0, s0;
	[dreg:$0xe] =	wrdreg s10  }
0xf: {  	s22 =	smul.u32 $0x138800, s11;
	s9 =	sadd.s32 s9, s2;
	[dreg:$0x10] =	wrdreg s0  }
0x10: {  	s15 =	sshrl.u32 s14, $0x1;
	s16 =	sadd.s32 $0x800, s9;
	[dreg:$0x5] =	wrdreg s9  }
0x11: {  	s14 =	ssub.s32 s14, s15;
	s20 =	sadd.s32 $0x1000, s9;
	[dreg:$0x6] =	wrdreg s16  }
0x12: {  	s15 =	sshrl.u32 s19, $0x2;
	s21 =	sadd.s32 $0x1800, s9;
	[dreg:$0x7] =	wrdreg s20  }
0x13: {  	s19 =	smul.u32 $0x2710, s11;
	s15 =	sadd.s32 s15, s3;
	[dreg:$0x8] =	wrdreg s21  }
0x14: {  	p1 =	sne.s32 s11, $0x0;
	s17 =	smul.u32 $0x27000, s18;
	[dreg:$0x9] =	wrdreg s15  }
0x15: {  	s11 =	sadd.s32 $0x9C000, s2;
	s13 =	sadd.s32 $0xA2400, s13;
	[smem:$0x7FD] =	sst s19  }
0x16: {  	s0 =	sshrl.u32 @!p0 s11, $0x3;
	[dreg:$0xf] =	wrdreg s13  }
0x17: {  	s24 =	sshrl.u32 s17, $0x2;
	s17 =	sadd.s32 $0x2000, s9;
	[dreg:$0x13] =	wrdreg s0  }
0x18: {  	s28 =	simm.s32 $0x3480;
	s25 =	sadd.s32 $0x5800, s9;
	[dreg:$0x14] =	wrdreg s17  }
0x19: {  	s29 =	simm.s32 $0x1F90;
	s5 =	sadd.s32 $0x6800, s9;
	[dreg:$0x1b] =	wrdreg s25  }
0x1a: {  	s30 =	simm.s32 $0x2A80;
	s10 =	sadd.s32 $0x7000, s9;
	[dreg:$0x1d] =	wrdreg s5  }
0x1b: {  	p2 =	sne.s32 @!p1 s18, $0x0;
	s11 =	sadd.s32 $0x7800, s9;
	[dreg:$0x1e] =	wrdreg s10  }
0x1c: {  	p2 =	por p2, p1;
	s19 =	sadd.s32 $0x2800, s9;
	[dreg:$0x1f] =	wrdreg s11  }
0x1d: {  	v0 =	vmov s31;
	s31 =	simm.s32 $0x2;
	s20 =	sadd.s32 $0x3000, s9;
	[dreg:$0x15] =	wrdreg s19  }
0x1e: {  	s15 =	sshll.u32 s23, $0x2;
	s21 =	sadd.s32 $0x3800, s9;
	[dreg:$0x16] =	wrdreg s20  }
0x1f: {  	s16 =	sshrl.u32 s22, $0x4;
	s22 =	sadd.s32 $0x4000, s9;
	[dreg:$0x17] =	wrdreg s21  }
0x20: {  	s26 =	sadd.s32 s24, s2;
	s23 =	sadd.s32 $0x4800, s9;
	[dreg:$0x18] =	wrdreg s22  }
0x21: {  	s24 =	sadd.s32 $0x5000, s9;
	s13 =	sadd.s32 $0x8800, s9;
	[dreg:$0x19] =	wrdreg s23  }
0x22: {  	s17 =	smul.u32 $0x4E20, s18;
	s25 =	simm.s32 $0x1;
	[dreg:$0x1a] =	wrdreg s24  }
0x23: {  	s0 =	simm.s32 $0x2030;
	s5 =	simm.s32 $0x3;
	[smem:$0x7F9] =	sst s13  }
0x24: {  	s10 =	simm.s32 $0x5;
	s15 =	sadd.s32 s12, s15;
	s18 =	sld [smem:$0x7FD]  }
0x25: {  	s12 =	sadd.s32 s12, s16;
	s16 =	sshrl.u32 s26, $0x3;
	[dreg:$0xa] =	wrdreg s15  }
0x26: {  	s11 =	simm.s32 $0x4;
	s26 =	sadd.s32 $0x6000, s9;
	[dreg:$0x12] =	wrdreg s16  }
0x27: {  	s19 =	simm.s32 $0x34D0;
	s12 =	sadd.s32 $0x13800, s12;
	[dreg:$0x1c] =	wrdreg s26  }
0x28: {  	s20 =	simm.s32 $0x7;
	s15 =	smax.u32 s14, $0x1;
	[dreg:$0xd] =	wrdreg s12  }
0x29: {  	s21 =	simm.s32 $0xFA0;
	s14 =	sadd.s32 $0x9000, s9;
	[dreg:$0x11] =	wrdreg s15  }
0x2a: {  	s22 =	simm.s32 $0x50;
	s16 =	sadd.s32 $0x4E00, s3;
	[smem:$0x7FA] =	sst s14  }
0x2b: {  	s23 =	simm.s32 $0x1F40;
	s12 =	sadd.s32 $0x8000, s9;
	[smem:$0x7FC] =	sst s16  }
0x2c: {  	v2 =	vimm.bf16 $0.0e+00;
	s24 =	simm.s32 $0x2080;
	s15 =	sadd.s32 $0x9800, s9;
	[smem:$0x7F8] =	sst s12  }
0x2d: {  	v3 =	vimm.f32 $0.0e+00;
	v4 =	vimm.f32 $1.000000000e+00;
	s26 =	simm.s32 $0x1FE0;
	[smem:$0x7FB] =	sst s15;
	v1 =	vmov s18;
	s12 =	simm.s32 $0x6  }
.LBB2_1:
0x2e: {  	s13 =	simm.s32 $0x0  }
.LBB2_2:
0x2f: {  	p3 =	sne.s32 s13, $0x1F80  }
.Ltmp0:
0x30: {  	_ = 	snop;
	(pc) =	sbr.rel @p3 .LBB2_2-.Ltmp0, $4  }
0x31: {  	_ = 	snop  }
0x32: {  	s14 =	sshra.s32 s13, $0x2  }
0x33: {  	[tilespmem:s14+$0x34D0] =	vst v2  }
0x34: {  	s13 =	sadd.s32 $0x80, s13;
	[tilespmem:s14+$0x34E0] =	vst v2  }
0x35: {  	s13 =	simm.s32 $0x40;
	s14 =	simm.s32 $0x0  }
.LBB2_4:
0x36: {  	p3 =	sne.s32 s13, $0x13C0;
	[tilespmem:s14+$0x3CD0] =	vst v3;
	s14 =	smov.u32 s13;
	s13 =	sadd.s32 $0x40, s13  }
.Ltmp1:
0x37: {  	(pc) =	sbr.rel @p3 .LBB2_4-.Ltmp1, $2  }
0x38: {  	_ =	sdelay $0x2  }
0x39: {  	s14 =	sshra.s32 s14, $0x2  }
0x3a: {  	[tilespmem:s14+$0x3CD0] =	vst v3  }
0x3b: {  	[tilespmem:$0x3480] =	vst v4  }
0x3c: {  	[tilespmem:$0x3490] =	vst v4  }
0x3d: {  	[tilespmem:$0x34A0] =	vst v4  }
0x3e: {  	[tilespmem:$0x34B0] =	vst v4  }
0x3f: {  	s9 =	rddreg [dreg:$0x5];
	[tilespmem:$0x34C0] =	vst v4  }
0x40: {  	[spmem:s9] =	stream.linear.scatter [tilespmem:s19], [sflag:$0x7], $0x800, $0x38;
	[tilespmem:$0xE3B8] =	vst v63  }
0x41: {  	_ =	swait.ge [sflag:s20], $0x800  }
0x42: {  	[sflag:s20] =	ssyncset.done $0x0  }
0x43: {  	s13 =	rddreg [dreg:$0x6];
	[sflag:s20] =	ssyncadd.s32 $0xFFFFF800  }
0x44: {  	[spmem:s13] =	stream.linear.scatter [tilespmem:s19], [sflag:$0x7], $0x800, $0x38;
	[tilespmem:$0xE3B8] =	vst v63  }
0x45: {  	_ =	swait.ge [sflag:s20], $0x800  }
0x46: {  	[sflag:s20] =	ssyncset.done $0x0  }
0x47: {  	s14 =	rddreg [dreg:$0x7];
	[sflag:s20] =	ssyncadd.s32 $0xFFFFF800  }
0x48: {  	[spmem:s14] =	stream.linear.scatter [tilespmem:s19], [sflag:$0x7], $0x800, $0x38;
	[tilespmem:$0xE3B8] =	vst v63  }
0x49: {  	_ =	swait.ge [sflag:s20], $0x800  }
0x4a: {  	[sflag:s20] =	ssyncset.done $0x0  }
0x4b: {  	s15 =	rddreg [dreg:$0x8];
	[sflag:s20] =	ssyncadd.s32 $0xFFFFF800  }
0x4c: {  	[spmem:s15] =	stream.linear.scatter [tilespmem:s19], [sflag:$0x7], $0x800, $0x38;
	[tilespmem:$0xE3B8] =	vst v63  }
0x4d: {  	_ =	swait.ge [sflag:s20], $0x800  }
0x4e: {  	[sflag:s20] =	ssyncset.done $0x0  }
0x4f: {  	s16 =	rddreg [dreg:$0x14];
	[sflag:s20] =	ssyncadd.s32 $0xFFFFF800  }
0x50: {  	[spmem:s16] =	stream.linear.scatter [tilespmem:s19], [sflag:$0x7], $0x800, $0x38;
	[tilespmem:$0xE3B8] =	vst v63  }
0x51: {  	_ =	swait.ge [sflag:s20], $0x800  }
0x52: {  	[sflag:s20] =	ssyncset.done $0x0  }
0x53: {  	s18 =	rddreg [dreg:$0x15];
	[sflag:s20] =	ssyncadd.s32 $0xFFFFF800  }
0x54: {  	[spmem:s18] =	stream.linear.scatter [tilespmem:s19], [sflag:$0x7], $0x800, $0x38;
	[tilespmem:$0xE3B8] =	vst v63  }
0x55: {  	_ =	swait.ge [sflag:s20], $0x800  }
0x56: {  	[sflag:s20] =	ssyncset.done $0x0  }
0x57: {  	s13 =	rddreg [dreg:$0x16];
	[sflag:s20] =	ssyncadd.s32 $0xFFFFF800  }
0x58: {  	[spmem:s13] =	stream.linear.scatter [tilespmem:s19], [sflag:$0x7], $0x800, $0x38;
	[tilespmem:$0xE3B8] =	vst v63  }
0x59: {  	_ =	swait.ge [sflag:s20], $0x800  }
0x5a: {  	[sflag:s20] =	ssyncset.done $0x0  }
0x5b: {  	s14 =	rddreg [dreg:$0x17];
	[sflag:s20] =	ssyncadd.s32 $0xFFFFF800  }
0x5c: {  	[spmem:s14] =	stream.linear.scatter [tilespmem:s19], [sflag:$0x7], $0x800, $0x38;
	[tilespmem:$0xE3B8] =	vst v63  }
0x5d: {  	_ =	swait.ge [sflag:s20], $0x800  }
0x5e: {  	[sflag:s20] =	ssyncset.done $0x0  }
0x5f: {  	s15 =	rddreg [dreg:$0x18];
	[sflag:s20] =	ssyncadd.s32 $0xFFFFF800  }
0x60: {  	[spmem:s15] =	stream.linear.scatter [tilespmem:s19], [sflag:$0x7], $0x800, $0x38;
	[tilespmem:$0xE3B8] =	vst v63  }
0x61: {  	_ =	swait.ge [sflag:s20], $0x800  }
0x62: {  	[sflag:s20] =	ssyncset.done $0x0  }
0x63: {  	s16 =	rddreg [dreg:$0x19];
	[sflag:s20] =	ssyncadd.s32 $0xFFFFF800  }
0x64: {  	[spmem:s16] =	stream.linear.scatter [tilespmem:s19], [sflag:$0x7], $0x800, $0x38;
	[tilespmem:$0xE3B8] =	vst v63  }
0x65: {  	_ =	swait.ge [sflag:s20], $0x800  }
0x66: {  	[sflag:s20] =	ssyncset.done $0x0  }
0x67: {  	s18 =	rddreg [dreg:$0x1a];
	[sflag:s20] =	ssyncadd.s32 $0xFFFFF800  }
0x68: {  	[spmem:s18] =	stream.linear.scatter [tilespmem:s19], [sflag:$0x7], $0x800, $0x38;
	[tilespmem:$0xE3B8] =	vst v63  }
0x69: {  	_ =	swait.ge [sflag:s20], $0x800  }
0x6a: {  	[sflag:s20] =	ssyncset.done $0x0  }
0x6b: {  	s13 =	rddreg [dreg:$0x1b];
	[sflag:s20] =	ssyncadd.s32 $0xFFFFF800  }
0x6c: {  	[spmem:s13] =	stream.linear.scatter [tilespmem:s19], [sflag:$0x7], $0x800, $0x38;
	[tilespmem:$0xE3B8] =	vst v63  }
0x6d: {  	_ =	swait.ge [sflag:s20], $0x800  }
0x6e: {  	[sflag:s20] =	ssyncset.done $0x0  }
0x6f: {  	s14 =	rddreg [dreg:$0x1c];
	[sflag:s20] =	ssyncadd.s32 $0xFFFFF800  }
0x70: {  	[spmem:s14] =	stream.linear.scatter [tilespmem:s19], [sflag:$0x7], $0x800, $0x38;
	[tilespmem:$0xE3B8] =	vst v63  }
0x71: {  	_ =	swait.ge [sflag:s20], $0x800  }
0x72: {  	[sflag:s20] =	ssyncset.done $0x0  }
0x73: {  	s15 =	rddreg [dreg:$0x1d];
	[sflag:s20] =	ssyncadd.s32 $0xFFFFF800  }
0x74: {  	[spmem:s15] =	stream.linear.scatter [tilespmem:s19], [sflag:$0x7], $0x800, $0x38;
	[tilespmem:$0xE3B8] =	vst v63  }
0x75: {  	_ =	swait.ge [sflag:s20], $0x800  }
0x76: {  	[sflag:s20] =	ssyncset.done $0x0  }
0x77: {  	s16 =	rddreg [dreg:$0x1e];
	[sflag:s20] =	ssyncadd.s32 $0xFFFFF800  }
0x78: {  	[spmem:s16] =	stream.linear.scatter [tilespmem:s19], [sflag:$0x7], $0x800, $0x38;
	[tilespmem:$0xE3B8] =	vst v63  }
0x79: {  	_ =	swait.ge [sflag:s20], $0x800  }
0x7a: {  	[sflag:s20] =	ssyncset.done $0x0  }
0x7b: {  	s18 =	rddreg [dreg:$0x1f];
	[sflag:s20] =	ssyncadd.s32 $0xFFFFF800  }
0x7c: {  	[spmem:s18] =	stream.linear.scatter [tilespmem:s19], [sflag:$0x7], $0x800, $0x38;
	[tilespmem:$0xE3B8] =	vst v63  }
0x7d: {  	_ =	swait.ge [sflag:s20], $0x800  }
0x7e: {  	s13 =	sld [smem:$0x7F8]  }
0x7f: {  	[sflag:s20] =	ssyncset.done $0x0  }
0x80: {  	[sflag:s20] =	ssyncadd.s32 $0xFFFFF800  }
0x81: {  	[spmem:s13] =	stream.linear.scatter [tilespmem:s19], [sflag:$0x7], $0x800, $0x38;
	[tilespmem:$0xE3B8] =	vst v63  }
0x82: {  	_ =	swait.ge [sflag:s20], $0x800  }
0x83: {  	s14 =	sld [smem:$0x7F9]  }
0x84: {  	[sflag:s20] =	ssyncset.done $0x0  }
0x85: {  	[sflag:s20] =	ssyncadd.s32 $0xFFFFF800  }
0x86: {  	[spmem:s14] =	stream.linear.scatter [tilespmem:s19], [sflag:$0x7], $0x800, $0x38;
	[tilespmem:$0xE3B8] =	vst v63  }
0x87: {  	_ =	swait.ge [sflag:s20], $0x800  }
0x88: {  	s15 =	sld [smem:$0x7FA]  }
0x89: {  	[sflag:s20] =	ssyncset.done $0x0  }
0x8a: {  	[sflag:s20] =	ssyncadd.s32 $0xFFFFF800  }
0x8b: {  	[spmem:s15] =	stream.linear.scatter [tilespmem:s19], [sflag:$0x7], $0x800, $0x38;
	[tilespmem:$0xE3B8] =	vst v63  }
0x8c: {  	_ =	swait.ge [sflag:s20], $0x800  }
0x8d: {  	s16 =	sld [smem:$0x7FB]  }
0x8e: {  	[sflag:s20] =	ssyncset.done $0x0  }
0x8f: {  	[sflag:s20] =	ssyncadd.s32 $0xFFFFF800  }
0x90: {  	[spmem:s16] =	stream.linear.scatter [tilespmem:s19], [sflag:$0x7], $0x500, $0x38;
	[tilespmem:$0xE3B8] =	vst v63  }
0x91: {  	_ =	swait.ge [sflag:s20], $0x500  }
0x92: {  	[sflag:s20] =	ssyncset.done $0x0  }
0x93: {  	s13 =	simm.s32 $0x3CD0;
	s18 =	rddreg [dreg:$0x9];
	[sflag:s20] =	ssyncadd.s32 $0xFFFFFB00  }
0x94: {  	[spmem:s18] =	stream.linear.scatter [tilespmem:s13], [sflag:$0x7], $0x4E8, $0x38;
	[tilespmem:$0xE3B8] =	vst v63  }
0x95: {  	_ =	swait.ge [sflag:s20], $0x4E8  }
0x96: {  	[sflag:s20] =	ssyncset.done $0x0  }
0x97: {  	[sflag:s20] =	ssyncadd.s32 $0xFFFFFB18  }
0x98: {  	s14 =	simm.s32 $0x0;
	s13 =	simm.s32 $0x0;
	[bflag:$0x0] =	sbarrier.arrive $0xFFFF  }
.LBB2_6:
0x99: {  	s15 =	smul.u32 $0xFA0, s14;
	_ =	sdelay $0x1  }
0x9a: {  	s15 =	sadd.s32 s17, s15  }
0x9b: {  	s15 =	sshrl.u32 s15, $0x3  }
0x9c: {  	s16 =	sadd.s32 s7, s15  }
0x9d: {  	[tilespmem:s13], [sflag:$0x7] =	stream.linear.gather [hbm4b:s16+s13], $0xFA0, $0x38;
	[tilespmem:$0xE3B8] =	vst v63  }
0x9e: {  	_ =	swait.ge [sflag:s20], $0xFA0  }
0x9f: {  	[sflag:s20] =	ssyncset.done $0x0  }
0xa0: {  	s15 =	sadd.s32 s8, s15;
	[sflag:s20] =	ssyncadd.s32 $0xFFFFF060  }
0xa1: {  	[tilespmem:s21], [sflag:$0x7] =	stream.linear.gather [hbm4b:s15+s13], $0xFA0, $0x38;
	[tilespmem:$0xE3B8] =	vst v63  }
0xa2: {  	_ =	swait.ge [sflag:s20], $0xFA0  }
0xa3: {  	[sflag:s20] =	ssyncset.done $0x0  }
0xa4: {  	[sflag:s20] =	ssyncadd.s32 $0xFFFFF060  }
0xa5: {  	v5 =	vld [tilespmem:$0x0]  }
0xa6: {  	v6 =	vld [tilespmem:$0x10]  }
0xa7: {  	v7 =	vld [tilespmem:$0x20]  }
0xa8: {  	v8 =	vld [tilespmem:$0x30]  }
0xa9: {  	v9 =	vld [tilespmem:$0x40]  }
0xaa: {  	v5 =	vadd.s32 v0, v5  }
0xab: {  	[tilespmem:$0x1F40] =	vst v5;
	v5 =	vadd.s32 v0, v6  }
0xac: {  	[tilespmem:$0x1F50] =	vst v5;
	v5 =	vadd.s32 v0, v7  }
0xad: {  	[tilespmem:$0x1F60] =	vst v5;
	v5 =	vadd.s32 v0, v8  }
0xae: {  	[tilespmem:$0x1F70] =	vst v5;
	v5 =	vadd.s32 v0, v9  }
0xaf: {  	s15 =	simm.s32 $0x0;
	[tilespmem:$0x1F80] =	vst v5  }
0xb0: {  	[tilespmem:s24], [sflag:$0x1] =	stream.indirect.gather [hbm4b:s1+s22], $0x20, s23, s22, $0xb8;
	[tilespmem:$0xE3B8] =	vst v63  }
.LBB2_7:
0xb1: {  	_ =	swait.ge [sflag:s25], $0xA00  }
0xb2: {  	p3 =	seq.s32 s15, $0x0;
	[sflag:s25] =	ssyncset.done $0x0  }
0xb3: {  	s16 =	simm.s32 @!p3 $0x4;
	[sflag:s25] =	ssyncadd.s32 $0xFFFFF600  }
0xb4: {  	_ =	swait.ge @!p3 [sflag:s16], $0xA00  }
0xb5: {  	[sflag:s16] =	ssyncset.done @!p3 $0x0  }
0xb6: {  	[sflag:s16] =	ssyncadd.s32 @!p3 $0xFFFFF600;
	s16 =	simm.s32 @!p3 $0x6  }
0xb7: {  	_ =	swait.ge @!p3 [sflag:s16], $0x50  }
0xb8: {  	[sflag:s16] =	ssyncset.done @!p3 $0x0  }
0xb9: {  	s18 =	sshra.s32 s15, $0x2;
	[sflag:s16] =	ssyncadd.s32 @!p3 $0xFFFFFFB0  }
0xba: {  	v5 =	vld [tilespmem:s18+$0xFA0];
	_ =	sdelay $0x4  }
0xbb: {  	[tilespmem:$0x1FE0] =	vst v5  }
0xbc: {  	v5 =	vld [tilespmem:s18+$0xFB0];
	_ =	sdelay $0x4  }
0xbd: {  	[tilespmem:$0x1FF0] =	vst v5  }
0xbe: {  	v5 =	vld [tilespmem:s18+$0xFC0];
	_ =	sdelay $0x4  }
0xbf: {  	[tilespmem:$0x2000] =	vst v5  }
0xc0: {  	v5 =	vld [tilespmem:s18+$0xFD0];
	_ =	sdelay $0x4  }
0xc1: {  	[tilespmem:$0x2010] =	vst v5  }
0xc2: {  	v5 =	vld [tilespmem:s18+$0xFE0];
	_ =	sdelay $0x4  }
0xc3: {  	[tilespmem:$0x2020] =	vst v5  }
0xc4: {  	[spmem:s2] =	stream.indirect.scatter.add.bf16 [tilespmem:s24], [sflag:$0x3], $0x20, s26, s22, $0xb8;
	[tilespmem:$0xE3B8] =	vst v63  }
0xc5: {  	_ = 	snop  }
0xc6: {  	[spmem:s3] =	stream.indirect.scatter.add.f32 [tilespmem:s28], [sflag:$0x5], $0x1, s26, s22, $0xb8;
	[tilespmem:$0xE3B8] =	vst v63  }
0xc7: {  	v5 =	vld [tilespmem:s18+$0x50];
	_ =	sdelay $0x4  }
0xc8: {  	v5 =	vadd.s32 v0, v5  }
0xc9: {  	[tilespmem:$0x1F90] =	vst v5  }
0xca: {  	v5 =	vld [tilespmem:s18+$0x60];
	_ =	sdelay $0x4  }
0xcb: {  	v5 =	vadd.s32 v0, v5  }
0xcc: {  	[tilespmem:$0x1FA0] =	vst v5  }
0xcd: {  	v5 =	vld [tilespmem:s18+$0x70];
	_ =	sdelay $0x4  }
0xce: {  	v5 =	vadd.s32 v0, v5  }
0xcf: {  	[tilespmem:$0x1FB0] =	vst v5  }
0xd0: {  	v5 =	vld [tilespmem:s18+$0x80];
	_ =	sdelay $0x4  }
0xd1: {  	v5 =	vadd.s32 v0, v5  }
0xd2: {  	[tilespmem:$0x1FC0] =	vst v5  }
0xd3: {  	v5 =	vld [tilespmem:s18+$0x90];
	_ =	sdelay $0x4  }
0xd4: {  	v5 =	vadd.s32 v0, v5  }
0xd5: {  	[tilespmem:$0x1FD0] =	vst v5  }
0xd6: {  	[tilespmem:s30], [sflag:$0x2] =	stream.indirect.gather [hbm4b:s1+s22], $0x20, s29, s22, $0xb8;
	[tilespmem:$0xE3B8] =	vst v63  }
0xd7: {  	_ =	swait.ge [sflag:s31], $0xA00  }
0xd8: {  	[sflag:s31] =	ssyncset.done $0x0  }
0xd9: {  	[sflag:s31] =	ssyncadd.s32 $0xFFFFF600  }
0xda: {  	v5 =	vld [tilespmem:s18+$0xFF0];
	_ =	sdelay $0x4  }
0xdb: {  	[tilespmem:$0x2030] =	vst v5  }
0xdc: {  	v5 =	vld [tilespmem:s18+$0x1000];
	_ =	sdelay $0x4  }
0xdd: {  	[tilespmem:$0x2040] =	vst v5  }
0xde: {  	v5 =	vld [tilespmem:s18+$0x1010];
	_ =	sdelay $0x4  }
0xdf: {  	[tilespmem:$0x2050] =	vst v5  }
0xe0: {  	v5 =	vld [tilespmem:s18+$0x1020];
	_ =	sdelay $0x4  }
0xe1: {  	[tilespmem:$0x2060] =	vst v5  }
0xe2: {  	v5 =	vld [tilespmem:s18+$0x1030];
	_ =	sdelay $0x4  }
0xe3: {  	[tilespmem:$0x2070] =	vst v5  }
0xe4: {  	[spmem:s2] =	stream.indirect.scatter.add.bf16 [tilespmem:s30], [sflag:$0x4], $0x20, s0, s22, $0xb8;
	[tilespmem:$0xE3B8] =	vst v63  }
0xe5: {  	_ = 	snop  }
0xe6: {  	[spmem:s3] =	stream.indirect.scatter.add.f32 [tilespmem:s28], [sflag:$0x6], $0x1, s0, s22, $0xb8;
	[tilespmem:$0xE3B8] =	vst v63  }
0xe7: {  	_ =	swait.ge [sflag:s5], $0xA00  }
0xe8: {  	[sflag:s5] =	ssyncset.done $0x0  }
0xe9: {  	[sflag:s5] =	ssyncadd.s32 $0xFFFFF600  }
0xea: {  	_ =	swait.ge [sflag:s10], $0x50  }
0xeb: {  	p3 =	seq.s32 s15, $0x3C00;
	[sflag:s10] =	ssyncset.done $0x0  }
0xec: {  	s16 =	sshra.s32 @!p3 s15, $0x2;
	[sflag:s10] =	ssyncadd.s32 $0xFFFFFFB0  }
0xed: {  	v5 =	vld @!p3 [tilespmem:s16+$0xA0];
	_ =	sdelay $0x4  }
0xee: {  	v5 =	vadd.s32 @!p3 v0, v5  }
0xef: {  	[tilespmem:$0x1F40] =	vst @!p3 v5  }
0xf0: {  	v5 =	vld @!p3 [tilespmem:s16+$0xB0];
	_ =	sdelay $0x4  }
0xf1: {  	v5 =	vadd.s32 @!p3 v0, v5  }
0xf2: {  	[tilespmem:$0x1F50] =	vst @!p3 v5  }
0xf3: {  	v5 =	vld @!p3 [tilespmem:s16+$0xC0];
	_ =	sdelay $0x4  }
0xf4: {  	v5 =	vadd.s32 @!p3 v0, v5  }
0xf5: {  	[tilespmem:$0x1F60] =	vst @!p3 v5  }
0xf6: {  	v5 =	vld @!p3 [tilespmem:s16+$0xD0];
	_ =	sdelay $0x4  }
0xf7: {  	v5 =	vadd.s32 @!p3 v0, v5  }
0xf8: {  	[tilespmem:$0x1F70] =	vst @!p3 v5  }
0xf9: {  	v5 =	vld @!p3 [tilespmem:s16+$0xE0];
	_ =	sdelay $0x4  }
0xfa: {  	s9 =	simm.s32 @!p3 $0x2080;
	s15 =	sadd.s32 @!p3 $0x280, s15;
	v5 =	vadd.s32 @!p3 v0, v5  }
0xfb: {  	p4 =	sne.s32 @!p3 s15, $0x3E80;
	s18 =	simm.s32 @!p3 $0x1F40;
	s16 =	simm.s32 @!p3 $0x50;
	[tilespmem:$0x1F80] =	vst @!p3 v5  }
0xfc: {  	[tilespmem:s9], [sflag:$0x1] =	stream.indirect.gather @!p3 [hbm4b:s1+s16], $0x20, s18, s16, $0xb8;
	[tilespmem:$0xE3B8] =	vst v63  }
0xfd: {  	p3 =	por p3, !p4  }
.Ltmp2:
0xfe: {  	_ = 	snop;
	(pc) =	sbr.rel @!p3 .LBB2_7-.Ltmp2, $1  }
0xff: {  	_ =	sdelay $0x3  }
0x100: {  	s14 =	sadd.s32 $0x1, s14  }
0x101: {  	_ =	swait.ge [sflag:s11], $0xA00;
	p3 =	sne.s32 s14, $0x5  }
.Ltmp3:
0x102: {  	[sflag:s11] =	ssyncset.done $0x0;
	(pc) =	sbr.rel @p3 .LBB2_6-.Ltmp3, $4  }
0x103: {  	[sflag:s11] =	ssyncadd.s32 $0xFFFFF600  }
0x104: {  	_ =	swait.ge [sflag:s12], $0x50  }
0x105: {  	[sflag:s12] =	ssyncset.done $0x0  }
0x106: {  	[sflag:s12] =	ssyncadd.s32 $0xFFFFFFB0  }
0x107: {  	s13 =	simm.s32 $0x0;
	s9 =	rddreg [dreg:$0xb]  }
0x108: {  	[tilespmem:s13], [sflag:$0x7] =	stream.linear.gather [hbm4b:s9+s13], $0xFA0, $0x38;
	[tilespmem:$0xE3B8] =	vst v63  }
0x109: {  	_ =	swait.ge [sflag:s20], $0xFA0  }
0x10a: {  	[sflag:s20] =	ssyncset.done $0x0  }
0x10b: {  	s18 =	rddreg [dreg:$0xc];
	[sflag:s20] =	ssyncadd.s32 $0xFFFFF060  }
0x10c: {  	[tilespmem:s21], [sflag:$0x7] =	stream.linear.gather [hbm4b:s18+s13], $0xFA0, $0x38;
	[tilespmem:$0xE3B8] =	vst v63  }
0x10d: {  	_ =	swait.ge [sflag:s20], $0xFA0  }
0x10e: {  	[sflag:s20] =	ssyncset.done $0x0  }
0x10f: {  	[sflag:s20] =	ssyncadd.s32 $0xFFFFF060  }
0x110: {  	v5 =	vld [tilespmem:$0x0]  }
0x111: {  	v6 =	vld [tilespmem:$0x10]  }
0x112: {  	v7 =	vld [tilespmem:$0x20]  }
0x113: {  	v8 =	vld [tilespmem:$0x30];
	_ =	sdelay $0x2  }
0x114: {  	v9 =	vld [tilespmem:$0x40]  }
0x115: {  	v5 =	vadd.s32 $0xFFFFD8F0, v5;
	v6 =	vadd.s32 $0xFFFFD8F0, v6  }
0x116: {  	v7 =	vadd.s32 $0xFFFFD8F0, v7;
	v8 =	vadd.s32 $0xFFFFD8F0, v8;
	vm0 =	vlt.u32 v5, $0x2710  }
0x117: {  	vm12 =	vlt.u32 v6, $0x2710;
	vm13 =	vlt.u32 v7, $0x2710;
	v5 =	vnsel vm0, $0x0, v5  }
0x118: {  	vm14 =	vlt.u32 v8, $0x2710;
	v6 =	vnsel vm12, $0x0, v6;
	v5 =	vadd.s32 v1, v5  }
0x119: {  	v6 =	vadd.s32 v1, v6;
	[tilespmem:$0x1F40] =	vst v5;
	v5 =	vnsel vm13, $0x0, v7;
	v7 =	vadd.s32 $0xFFFFD8F0, v9  }
0x11a: {  	[tilespmem:$0x1F50] =	vst v6;
	v6 =	vnsel vm14, $0x0, v8;
	v5 =	vadd.s32 v1, v5;
	vm15 =	vlt.u32 v7, $0x2710  }
0x11b: {  	v6 =	vadd.s32 v1, v6;
	[tilespmem:$0x1F60] =	vst v5;
	v5 =	vnsel vm15, $0x0, v7  }
0x11c: {  	[tilespmem:$0x1F70] =	vst v6;
	v5 =	vadd.s32 v1, v5  }
0x11d: {  	[tilespmem:$0x1F80] =	vst v5  }
0x11e: {  	[tilespmem:s24], [sflag:$0x1] =	stream.indirect.gather [hbm4b:s6+s22], $0x20, s23, s22, $0xb8;
	[tilespmem:$0xE3B8] =	vst v63  }
.LBB2_10:
0x11f: {  	_ =	swait.ge [sflag:s25], $0xA00  }
0x120: {  	p3 =	seq.s32 s13, $0x0;
	[sflag:s25] =	ssyncset.done $0x0  }
0x121: {  	s9 =	simm.s32 @!p3 $0x4;
	[sflag:s25] =	ssyncadd.s32 $0xFFFFF600  }
0x122: {  	_ =	swait.ge @!p3 [sflag:s9], $0xA00  }
0x123: {  	[sflag:s9] =	ssyncset.done @!p3 $0x0  }
0x124: {  	[sflag:s9] =	ssyncadd.s32 @!p3 $0xFFFFF600;
	s9 =	simm.s32 @!p3 $0x6  }
0x125: {  	_ =	swait.ge @!p3 [sflag:s9], $0x50  }
0x126: {  	[sflag:s9] =	ssyncset.done @!p3 $0x0  }
0x127: {  	s14 =	sshra.s32 s13, $0x2;
	[sflag:s9] =	ssyncadd.s32 @!p3 $0xFFFFFFB0  }
0x128: {  	v5 =	vld [tilespmem:s14+$0x0];
	_ =	sdelay $0x1  }
0x129: {  	v6 =	vld [tilespmem:s14+$0xFA0];
	_ =	sdelay $0x2  }
0x12a: {  	v5 =	vadd.s32 $0xFFFFD8F0, v5  }
0x12b: {  	vm0 =	vlt.u32 v5, $0x2710  }
0x12c: {  	v5 =	vnsel vm0, $0x4E20, v6  }
0x12d: {  	[tilespmem:$0x1FE0] =	vst v5  }
0x12e: {  	v5 =	vld [tilespmem:s14+$0x10];
	_ =	sdelay $0x1  }
0x12f: {  	v6 =	vld [tilespmem:s14+$0xFB0];
	_ =	sdelay $0x2  }
0x130: {  	v5 =	vadd.s32 $0xFFFFD8F0, v5  }
0x131: {  	vm14 =	vlt.u32 v5, $0x2710  }
0x132: {  	v5 =	vnsel vm14, $0x4E20, v6  }
0x133: {  	[tilespmem:$0x1FF0] =	vst v5  }
0x134: {  	v5 =	vld [tilespmem:s14+$0x20];
	_ =	sdelay $0x1  }
0x135: {  	v6 =	vld [tilespmem:s14+$0xFC0];
	_ =	sdelay $0x2  }
0x136: {  	v5 =	vadd.s32 $0xFFFFD8F0, v5  }
0x137: {  	vm15 =	vlt.u32 v5, $0x2710  }
0x138: {  	v5 =	vnsel vm15, $0x4E20, v6  }
0x139: {  	[tilespmem:$0x2000] =	vst v5  }
0x13a: {  	v5 =	vld [tilespmem:s14+$0x30];
	_ =	sdelay $0x1  }
0x13b: {  	v6 =	vld [tilespmem:s14+$0xFD0];
	_ =	sdelay $0x2  }
0x13c: {  	v5 =	vadd.s32 $0xFFFFD8F0, v5  }
0x13d: {  	vm4 =	vlt.u32 v5, $0x2710  }
0x13e: {  	v5 =	vnsel vm4, $0x4E20, v6  }
0x13f: {  	[tilespmem:$0x2010] =	vst v5  }
0x140: {  	v5 =	vld [tilespmem:s14+$0x40];
	_ =	sdelay $0x1  }
0x141: {  	v6 =	vld [tilespmem:s14+$0xFE0];
	_ =	sdelay $0x2  }
0x142: {  	v5 =	vadd.s32 $0xFFFFD8F0, v5  }
0x143: {  	vm5 =	vlt.u32 v5, $0x2710  }
0x144: {  	v5 =	vnsel vm5, $0x4E20, v6  }
0x145: {  	[tilespmem:$0x2020] =	vst v5  }
0x146: {  	[spmem:s2] =	stream.indirect.scatter.add.bf16 [tilespmem:s24], [sflag:$0x3], $0x20, s26, s22, $0xb8;
	[tilespmem:$0xE3B8] =	vst v63  }
0x147: {  	_ = 	snop  }
0x148: {  	[spmem:s3] =	stream.indirect.scatter.add.f32 [tilespmem:s28], [sflag:$0x5], $0x1, s26, s22, $0xb8;
	[tilespmem:$0xE3B8] =	vst v63  }
0x149: {  	v5 =	vld [tilespmem:s14+$0x50];
	_ =	sdelay $0x4  }
0x14a: {  	v5 =	vadd.s32 $0xFFFFD8F0, v5  }
0x14b: {  	vm6 =	vlt.u32 v5, $0x2710  }
0x14c: {  	v5 =	vnsel vm6, $0x0, v5  }
0x14d: {  	v5 =	vadd.s32 v1, v5  }
0x14e: {  	[tilespmem:$0x1F90] =	vst v5  }
0x14f: {  	v5 =	vld [tilespmem:s14+$0x60];
	_ =	sdelay $0x4  }
0x150: {  	v5 =	vadd.s32 $0xFFFFD8F0, v5  }
0x151: {  	vm7 =	vlt.u32 v5, $0x2710  }
0x152: {  	v5 =	vnsel vm7, $0x0, v5  }
0x153: {  	v5 =	vadd.s32 v1, v5  }
0x154: {  	[tilespmem:$0x1FA0] =	vst v5  }
0x155: {  	v5 =	vld [tilespmem:s14+$0x70];
	_ =	sdelay $0x4  }
0x156: {  	v5 =	vadd.s32 $0xFFFFD8F0, v5  }
0x157: {  	vm8 =	vlt.u32 v5, $0x2710  }
0x158: {  	v5 =	vnsel vm8, $0x0, v5  }
0x159: {  	v5 =	vadd.s32 v1, v5  }
0x15a: {  	[tilespmem:$0x1FB0] =	vst v5  }
0x15b: {  	v5 =	vld [tilespmem:s14+$0x80];
	_ =	sdelay $0x4  }
0x15c: {  	v5 =	vadd.s32 $0xFFFFD8F0, v5  }
0x15d: {  	vm9 =	vlt.u32 v5, $0x2710  }
0x15e: {  	v5 =	vnsel vm9, $0x0, v5  }
0x15f: {  	v5 =	vadd.s32 v1, v5  }
0x160: {  	[tilespmem:$0x1FC0] =	vst v5  }
0x161: {  	v5 =	vld [tilespmem:s14+$0x90];
	_ =	sdelay $0x4  }
0x162: {  	v5 =	vadd.s32 $0xFFFFD8F0, v5  }
0x163: {  	vm10 =	vlt.u32 v5, $0x2710  }
0x164: {  	v5 =	vnsel vm10, $0x0, v5  }
0x165: {  	v5 =	vadd.s32 v1, v5  }
0x166: {  	[tilespmem:$0x1FD0] =	vst v5  }
0x167: {  	[tilespmem:s30], [sflag:$0x2] =	stream.indirect.gather [hbm4b:s6+s22], $0x20, s29, s22, $0xb8;
	[tilespmem:$0xE3B8] =	vst v63  }
0x168: {  	_ =	swait.ge [sflag:s31], $0xA00  }
0x169: {  	[sflag:s31] =	ssyncset.done $0x0  }
0x16a: {  	[sflag:s31] =	ssyncadd.s32 $0xFFFFF600  }
0x16b: {  	v5 =	vld [tilespmem:s14+$0x50];
	_ =	sdelay $0x1  }
0x16c: {  	v6 =	vld [tilespmem:s14+$0xFF0];
	_ =	sdelay $0x2  }
0x16d: {  	v5 =	vadd.s32 $0xFFFFD8F0, v5  }
0x16e: {  	vm11 =	vlt.u32 v5, $0x2710  }
0x16f: {  	v5 =	vnsel vm11, $0x4E20, v6  }
0x170: {  	[tilespmem:$0x2030] =	vst v5  }
0x171: {  	v5 =	vld [tilespmem:s14+$0x60];
	_ =	sdelay $0x1  }
0x172: {  	v6 =	vld [tilespmem:s14+$0x1000];
	_ =	sdelay $0x2  }
0x173: {  	v5 =	vadd.s32 $0xFFFFD8F0, v5  }
0x174: {  	vm12 =	vlt.u32 v5, $0x2710  }
0x175: {  	v5 =	vnsel vm12, $0x4E20, v6  }
0x176: {  	[tilespmem:$0x2040] =	vst v5  }
0x177: {  	v5 =	vld [tilespmem:s14+$0x70];
	_ =	sdelay $0x1  }
0x178: {  	v6 =	vld [tilespmem:s14+$0x1010];
	_ =	sdelay $0x2  }
0x179: {  	v5 =	vadd.s32 $0xFFFFD8F0, v5  }
0x17a: {  	vm13 =	vlt.u32 v5, $0x2710  }
0x17b: {  	v5 =	vnsel vm13, $0x4E20, v6  }
0x17c: {  	[tilespmem:$0x2050] =	vst v5  }
0x17d: {  	v5 =	vld [tilespmem:s14+$0x80];
	_ =	sdelay $0x1  }
0x17e: {  	v6 =	vld [tilespmem:s14+$0x1020];
	_ =	sdelay $0x2  }
0x17f: {  	v5 =	vadd.s32 $0xFFFFD8F0, v5  }
0x180: {  	vm14 =	vlt.u32 v5, $0x2710  }
0x181: {  	v5 =	vnsel vm14, $0x4E20, v6  }
0x182: {  	[tilespmem:$0x2060] =	vst v5  }
0x183: {  	v5 =	vld [tilespmem:s14+$0x90];
	_ =	sdelay $0x1  }
0x184: {  	v6 =	vld [tilespmem:s14+$0x1030];
	_ =	sdelay $0x2  }
0x185: {  	v5 =	vadd.s32 $0xFFFFD8F0, v5  }
0x186: {  	vm15 =	vlt.u32 v5, $0x2710  }
0x187: {  	v5 =	vnsel vm15, $0x4E20, v6  }
0x188: {  	[tilespmem:$0x2070] =	vst v5  }
0x189: {  	[spmem:s2] =	stream.indirect.scatter.add.bf16 [tilespmem:s30], [sflag:$0x4], $0x20, s0, s22, $0xb8;
	[tilespmem:$0xE3B8] =	vst v63  }
0x18a: {  	_ = 	snop  }
0x18b: {  	[spmem:s3] =	stream.indirect.scatter.add.f32 [tilespmem:s28], [sflag:$0x6], $0x1, s0, s22, $0xb8;
	[tilespmem:$0xE3B8] =	vst v63  }
0x18c: {  	_ =	swait.ge [sflag:s5], $0xA00  }
0x18d: {  	[sflag:s5] =	ssyncset.done $0x0  }
0x18e: {  	[sflag:s5] =	ssyncadd.s32 $0xFFFFF600  }
0x18f: {  	_ =	swait.ge [sflag:s10], $0x50  }
0x190: {  	p3 =	seq.s32 s13, $0x3C00;
	[sflag:s10] =	ssyncset.done $0x0  }
0x191: {  	s9 =	sshra.s32 @!p3 s13, $0x2;
	[sflag:s10] =	ssyncadd.s32 $0xFFFFFFB0  }
0x192: {  	v5 =	vld @!p3 [tilespmem:s9+$0xA0];
	_ =	sdelay $0x4  }
0x193: {  	v5 =	vadd.s32 @!p3 $0xFFFFD8F0, v5  }
0x194: {  	vm0 =	vlt.u32 @!p3 v5, $0x2710  }
0x195: {  	v5 =	vnsel @!p3 vm0, $0x0, v5  }
0x196: {  	v5 =	vadd.s32 @!p3 v1, v5  }
0x197: {  	[tilespmem:$0x1F40] =	vst @!p3 v5  }
0x198: {  	v5 =	vld @!p3 [tilespmem:s9+$0xB0];
	_ =	sdelay $0x4  }
0x199: {  	v5 =	vadd.s32 @!p3 $0xFFFFD8F0, v5  }
0x19a: {  	vm0 =	vlt.u32 @!p3 v5, $0x2710  }
0x19b: {  	v5 =	vnsel @!p3 vm0, $0x0, v5  }
0x19c: {  	v5 =	vadd.s32 @!p3 v1, v5  }
0x19d: {  	[tilespmem:$0x1F50] =	vst @!p3 v5  }
0x19e: {  	v5 =	vld @!p3 [tilespmem:s9+$0xC0];
	_ =	sdelay $0x4  }
0x19f: {  	v5 =	vadd.s32 @!p3 $0xFFFFD8F0, v5  }
0x1a0: {  	vm0 =	vlt.u32 @!p3 v5, $0x2710  }
0x1a1: {  	v5 =	vnsel @!p3 vm0, $0x0, v5  }
0x1a2: {  	v5 =	vadd.s32 @!p3 v1, v5  }
0x1a3: {  	[tilespmem:$0x1F60] =	vst @!p3 v5  }
0x1a4: {  	v5 =	vld @!p3 [tilespmem:s9+$0xD0];
	_ =	sdelay $0x4  }
0x1a5: {  	v5 =	vadd.s32 @!p3 $0xFFFFD8F0, v5  }
0x1a6: {  	vm0 =	vlt.u32 @!p3 v5, $0x2710  }
0x1a7: {  	v5 =	vnsel @!p3 vm0, $0x0, v5  }
0x1a8: {  	v5 =	vadd.s32 @!p3 v1, v5  }
0x1a9: {  	[tilespmem:$0x1F70] =	vst @!p3 v5  }
0x1aa: {  	v5 =	vld @!p3 [tilespmem:s9+$0xE0];
	_ =	sdelay $0x4  }
0x1ab: {  	v5 =	vadd.s32 @!p3 $0xFFFFD8F0, v5  }
0x1ac: {  	vm0 =	vlt.u32 @!p3 v5, $0x2710  }
0x1ad: {  	v5 =	vnsel @!p3 vm0, $0x0, v5  }
0x1ae: {  	s15 =	simm.s32 @!p3 $0x2080;
	s13 =	sadd.s32 @!p3 $0x280, s13;
	v5 =	vadd.s32 @!p3 v1, v5  }
0x1af: {  	p4 =	sne.s32 @!p3 s13, $0x3E80;
	s14 =	simm.s32 @!p3 $0x1F40;
	s9 =	simm.s32 @!p3 $0x50;
	[tilespmem:$0x1F80] =	vst @!p3 v5  }
0x1b0: {  	[tilespmem:s15], [sflag:$0x1] =	stream.indirect.gather @!p3 [hbm4b:s6+s9], $0x20, s14, s9, $0xb8;
	[tilespmem:$0xE3B8] =	vst v63  }
0x1b1: {  	p3 =	por p3, !p4  }
.Ltmp4:
0x1b2: {  	_ = 	snop;
	(pc) =	sbr.rel @!p3 .LBB2_10-.Ltmp4, $1  }
0x1b3: {  	_ =	sdelay $0x3  }
0x1b4: {  	_ =	swait.ge [sflag:s11], $0xA00  }
0x1b5: {  	[sflag:s11] =	ssyncset.done $0x0  }
0x1b6: {  	[sflag:s11] =	ssyncadd.s32 $0xFFFFF600  }
0x1b7: {  	_ =	swait.ge [sflag:s12], $0x50  }
0x1b8: {  	[sflag:s12] =	ssyncset.done $0x0  }
0x1b9: {  	[sflag:s12] =	ssyncadd.s32 $0xFFFFFFB0  }
0x1ba: {  	s9 =	stileid.u32;
	[bflag:$0x0] =	sbarrier.arrive $0xFFFF  }
0x1bb: {  	s9 =	sshll.u32 s9, $0x6;
	s13 =	rddreg [dreg:$0xa]  }
0x1bc: {  	s9 =	sor.u32 $0x1C07, s9;
	s14 =	rddreg [dreg:$0x12]  }
0x1bd: {  	[hbm:s13], [sflag:s9] =	dma.local [spmem:s14], $0x1380  }
0x1be: {  	_ =	swait.ge [sflag:s20], $0x1380  }
0x1bf: {  	[sflag:s20] =	ssyncset.done $0x0;
	s13 =	rddreg [dreg:$0xd]  }
0x1c0: {  	s14 =	rddreg [dreg:$0x13];
	[sflag:s20] =	ssyncadd.s32 $0xFFFFEC80  }
0x1c1: {  	[hbm:s13], [sflag:s9] =	dma.local @!p0 [spmem:s14], $0x80  }
0x1c2: {  	s9 =	simm.s32 @!p0 $0x7  }
0x1c3: {  	_ =	swait.ge @!p0 [sflag:s9], $0x80  }
0x1c4: {  	[sflag:s9] =	ssyncset.done @!p0 $0x0  }
0x1c5: {  	s13 =	rddreg [dreg:$0xe];
	[sflag:s9] =	ssyncadd.s32 @!p0 $0xFFFFFF80;
	s9 =	simm.s32 @!p1 $0x3CD0  }
0x1c6: {  	[tilespmem:s9], [sflag:$0x7] =	stream.linear.gather @!p1 [spmem:s13], $0x4E0, $0x38;
	[tilespmem:$0xE3B8] =	vst v63  }
0x1c7: {  	s13 =	simm.s32 @!p1 $0x7  }
0x1c8: {  	_ =	swait.ge @!p1 [sflag:s13], $0x4E0  }
0x1c9: {  	[sflag:s13] =	ssyncset.done @!p1 $0x0  }
0x1ca: {  	s14 =	simm.s32 @!p1 $0x0;
	s15 =	rddreg [dreg:$0xf];
	[sflag:s13] =	ssyncadd.s32 @!p1 $0xFFFFFB20  }
0x1cb: {  	[hbm4b:s15+s14] =	stream.linear.scatter @!p1 [tilespmem:s9], [sflag:$0x7], $0x4E0, $0x38;
	[tilespmem:$0xE3B8] =	vst v63  }
0x1cc: {  	_ =	swait.ge @!p1 [sflag:s13], $0x4E0  }
0x1cd: {  	[sflag:s13] =	ssyncset.done @!p1 $0x0  }
0x1ce: {  	[sflag:s13] =	ssyncadd.s32 @!p1 $0xFFFFFB20;
	s13 =	sld [smem:$0x7FC];
	_ =	sdelay $0x1  }
0x1cf: {  	s9 =	simm.s32 @!p2 $0x3CD0  }
0x1d0: {  	[tilespmem:s9], [sflag:$0x7] =	stream.linear.gather @!p2 [spmem:s13], $0x20, $0x38;
	[tilespmem:$0xE3B8] =	vst v63  }
0x1d1: {  	s13 =	simm.s32 @!p2 $0x7  }
0x1d2: {  	_ =	swait.ge @!p2 [sflag:s13], $0x20  }
0x1d3: {  	[sflag:s13] =	ssyncset.done @!p2 $0x0  }
0x1d4: {  	s14 =	simm.s32 @!p2 $0x0;
	s15 =	rddreg [dreg:$0x10];
	[sflag:s13] =	ssyncadd.s32 @!p2 $0xFFFFFFE0  }
0x1d5: {  	[hbm4b:s15+s14] =	stream.linear.scatter @!p2 [tilespmem:s9], [sflag:$0x7], $0x20, $0x38;
	[tilespmem:$0xE3B8] =	vst v63  }
0x1d6: {  	_ =	swait.ge @!p2 [sflag:s13], $0x20  }
0x1d7: {  	s4 =	sadd.s32 $0x1, s4;
	s18 =	rddreg [dreg:$0x11]  }
0x1d8: {  	p3 =	sne.s32 s4, s18  }
.Ltmp5:
0x1d9: {  	_ = 	snop;
	(pc) =	sbr.rel @p3 .LBB2_1-.Ltmp5, $3  }
0x1da: {  	_ =	sdelay $0x1  }
0x1db: {  	[sflag:s13] =	ssyncset.done @!p2 $0x0  }
0x1dc: {  	[sflag:s13] =	ssyncadd.s32 @!p2 $0xFFFFFFE0  }
0x1dd: {  	_ =	sfence.sel $0x180000  }
0x1de: {  	[bflag:$0x0] =	sbarrier.arrive $0xFFFF  }
0x1df: {  	_ =	strace $0x90000047  }
0x1e0: {  	[bflag:$0x2] =	sbarrier.arrive $0xFFFF  }
0x1e1: {  	s0 =	rddreg [dreg:$0x4]  }
0x1e2: {  	s0 =	sadd.s32 @!p0 $0x100000, s0  }
0x1e3: {  	[sflag:s0] =	ssyncadd.tile.s32 @!p0 $0x1;
	_ =	shalt  }
.Lfunc_end2:
_tile_overlayer_lowered:
.L_overlay_start_2:
0x1e4: {  	(tag) =	ssettag $0x2  }
0x1e5: {  	s0 =	rddreg [dreg:$0x0];
	s2 =	stileid.u32  }
0x1e6: {  	s1 =	rddreg [dreg:$0x1];
	p0 =	sne.s32 s2, $0x0  }
0x1e7: {  	s3 =	rddreg [dreg:$0x2];
	[bflag:$0x3] =	sbarrier.arrive $0xFFFF;
	s2 =	simm.s32 @!p0 $0x1C07  }
0x1e8: {  	[timem:s3], [sflag:s2] =	dma.local @!p0 [hbm:s0], s1  }
0x1e9: {  	s0 =	simm.s32 @!p0 $0x7  }
0x1ea: {  	_ =	swait.ge @!p0 [sflag:s0], s1  }
0x1eb: {  	s1 =	ssub.s32 @!p0 $0x0, s1;
	[sflag:s0] =	ssyncset.done @!p0 $0x0  }
0x1ec: {  	[sflag:s0] =	ssyncadd.s32 @!p0 s1  }
0x1ed: {  	[bflag:$0x3] =	sbarrier.arrive $0xFFFF  }
0x1ee: {  	_ =	shalt  }

</sc_bundles>
